<compile_context>
chip_gen: v7x
topology: tpu7x:2x2x1
jax: 0.10.2.dev20260603
libtpu: 0.0.44.dev20260713+nightly
codegen_flags: <defaults>
</compile_context>

<pallas_src>
import functools

import jax
import jax.numpy as jnp
from jax import lax
from jax.experimental import pallas as pl
from jax.experimental.pallas import tpu as pltpu
from jax.experimental.pallas import tpu_sc as plsc

N = 10000
E = 320000
D = 128
C_OUT = 47
C_PAD = 48

NC = 2
NS = 16
NW = NC * NS
CH = 128
T = 80
E_PAD = NW * T * CH
N_PAD = 10240
ROWS_PER_TILE = N_PAD // NS
CP_PER_TILE = ROWS_PER_TILE // CH

_MESH = plsc.VectorSubcoreMesh(
    core_axis_name="c", subcore_axis_name="s", num_cores=NC, num_subcores=NS
)


def _zero_rows(rows):
    def zrow(i, carry):
        for j in range(D // 16):
            rows[i, pl.ds(j * 16, 16)] = jnp.zeros((16,), jnp.float32)
        return carry

    lax.fori_loop(0, CH, zrow, 0)


NBUF = 2


def _agg_body(tab_hbm, src_hbm, dst_hbm, out_hbm,
              is0, is1, id0, id1, rows0, rows1, acc, sg0, sg1, ss0, ss1):
    c = lax.axis_index("c")
    s = lax.axis_index("s")
    wid = c * NS + s
    idx_s = [is0, is1]
    idx_d = [id0, id1]
    rows = [rows0, rows1]
    sem_g = [sg0, sg1]
    sem_s = [ss0, ss1]

    _zero_rows(rows0)

    def zcp(k, carry):
        pltpu.sync_copy(rows0, acc.at[pl.ds(s * ROWS_PER_TILE + k * CH, CH)])
        return carry

    lax.fori_loop(0, CP_PER_TILE, zcp, 0)
    plsc.subcore_barrier()

    base = wid * (T * CH)

    def load_and_gather(b, off):
        pltpu.sync_copy(src_hbm.at[pl.ds(off, CH)], idx_s[b])
        pltpu.sync_copy(dst_hbm.at[pl.ds(off, CH)], idx_d[b])
        pltpu.async_copy(tab_hbm.at[idx_s[b]], rows[b], sem_g[b])

    for j in range(NBUF):
        load_and_gather(j, base + j * CH)

    def edge_pair(k, carry):
        for b in range(NBUF):
            i = NBUF * k + b
            pltpu.make_async_copy(tab_hbm.at[idx_s[b]], rows[b], sem_g[b]).wait()
            pltpu.async_copy(rows[b], acc.at[idx_d[b]], sem_s[b], add=True)
            pltpu.make_async_copy(rows[b], acc.at[idx_d[b]], sem_s[b]).wait()

            @pl.when(i + NBUF < T)
            def _():
                load_and_gather(b, base + (i + NBUF) * CH)
        return carry

    lax.fori_loop(0, T // NBUF, edge_pair, 0)
    plsc.subcore_barrier()

    def wb(k, carry):
        r0 = s * ROWS_PER_TILE + k * CH
        pltpu.sync_copy(acc.at[pl.ds(r0, CH)], rows0)
        pltpu.sync_copy(rows0, out_hbm.at[pl.ds(c * N_PAD + r0, CH)])
        return carry

    lax.fori_loop(0, CP_PER_TILE, wb, 0)


def _deg_body(dst_hbm, out_hbm, idx_d, rows, acc, sem):
    c = lax.axis_index("c")
    s = lax.axis_index("s")
    wid = c * NS + s

    _zero_rows(rows)
    for k in range(CP_PER_TILE):
        pltpu.sync_copy(rows, acc.at[pl.ds(s * ROWS_PER_TILE + k * CH, CH)])
    plsc.subcore_barrier()

    def fill1(i, carry):
        for j in range(D // 16):
            rows[i, pl.ds(j * 16, 16)] = jnp.ones((16,), jnp.float32)
        return carry

    lax.fori_loop(0, CH, fill1, 0)

    base = wid * (T * CH)

    def edge_chunk(i, carry):
        off = base + i * CH
        pltpu.sync_copy(dst_hbm.at[pl.ds(off, CH)], idx_d)
        pltpu.sync_copy(rows, acc.at[idx_d], add=True)
        return carry

    lax.fori_loop(0, T, edge_chunk, 0)
    plsc.subcore_barrier()

    for k in range(CP_PER_TILE):
        r0 = s * ROWS_PER_TILE + k * CH
        pltpu.sync_copy(acc.at[pl.ds(r0, CH)], rows)
        pltpu.sync_copy(rows, out_hbm.at[pl.ds(c * N_PAD + r0, CH)])


_sc_agg = pl.kernel(
    _agg_body,
    out_type=[jax.ShapeDtypeStruct((NC * N_PAD, D), jnp.float32)],
    mesh=_MESH,
    scratch_types=(
        [pltpu.VMEM((CH,), jnp.int32)] * (2 * NBUF)
        + [pltpu.VMEM((CH, D), jnp.float32)] * NBUF
        + [pltpu.VMEM_SHARED((N_PAD, D), jnp.float32)]
        + [pltpu.SemaphoreType.DMA] * (2 * NBUF)
    ),
)

_sc_deg = pl.kernel(
    _deg_body,
    out_type=[jax.ShapeDtypeStruct((NC * N_PAD, D), jnp.float32)],
    mesh=_MESH,
    scratch_types=[
        pltpu.VMEM((CH,), jnp.int32),
        pltpu.VMEM((CH, D), jnp.float32),
        pltpu.VMEM_SHARED((N_PAD, D), jnp.float32),
        pltpu.SemaphoreType.DMA,
    ],
)

R = 1000


def _combine_body(relu, p_ref, d_ref, x_ref, ws_ref, wn_ref, b_ref, o_ref):
    deg = jnp.maximum(d_ref[0, :, 0] + d_ref[1, :, 0], 1.0)
    neigh = (p_ref[0] + p_ref[1]) / deg[:, None]
    h = (
        jnp.dot(x_ref[...], ws_ref[...], preferred_element_type=jnp.float32)
        + jnp.dot(neigh, wn_ref[...], preferred_element_type=jnp.float32)
        + b_ref[...]
    )
    if relu:
        h = jnp.maximum(h, 0.0)
    o_ref[...] = h


def _make_tc_combine(relu: bool, d_out: int):
    return pl.pallas_call(
        functools.partial(_combine_body, relu),
        grid=(N // R,),
        in_specs=[
            pl.BlockSpec((NC, R, D), lambda i: (0, i, 0)),
            pl.BlockSpec((NC, R, 1), lambda i: (0, i, 0)),
            pl.BlockSpec((R, D), lambda i: (i, 0)),
            pl.BlockSpec((D, d_out), lambda i: (0, 0)),
            pl.BlockSpec((D, d_out), lambda i: (0, 0)),
            pl.BlockSpec((1, d_out), lambda i: (0, 0)),
        ],
        out_shape=jax.ShapeDtypeStruct((N, d_out), jnp.float32),
        out_specs=pl.BlockSpec((R, d_out), lambda i: (i, 0)),
    )


_tc_combine_relu = _make_tc_combine(True, D)
_tc_final = _make_tc_combine(False, C_PAD)


def kernel(x, edge_index, W_self_0, W_neigh_0, b_0, W_self_1, W_neigh_1, b_1,
           W_self_2, W_neigh_2, b_2):
    pad = E_PAD - E
    src = jnp.concatenate([edge_index[0], jnp.arange(pad, dtype=jnp.int32) % N])
    dst = jnp.concatenate(
        [edge_index[1], N + (jnp.arange(pad, dtype=jnp.int32) % (N_PAD - N))]
    )

    ws2 = jnp.pad(W_self_2, ((0, 0), (0, C_PAD - C_OUT)))
    wn2 = jnp.pad(W_neigh_2, ((0, 0), (0, C_PAD - C_OUT)))
    b2 = jnp.pad(b_2, (0, C_PAD - C_OUT)).reshape(1, C_PAD)

    (degf,) = _sc_deg(dst)
    degp = degf.reshape(NC, N_PAD, D)[:, :, 0:1]

    (p0,) = _sc_agg(x, src, dst)
    p0 = p0.reshape(NC, N_PAD, D)
    h1 = _tc_combine_relu(p0, degp, x, W_self_0, W_neigh_0, b_0.reshape(1, D))

    (p1,) = _sc_agg(h1, src, dst)
    p1 = p1.reshape(NC, N_PAD, D)
    h2 = _tc_combine_relu(p1, degp, h1, W_self_1, W_neigh_1, b_1.reshape(1, D))

    (p2,) = _sc_agg(h2, src, dst)
    p2 = p2.reshape(NC, N_PAD, D)
    out = _tc_final(p2, degp, h2, ws2, wn2, b2)
    return out[:, :C_OUT]

# --- scband reference (transcript-rebuilt; emitter-appended) ---
"""Pipeline reference for scband-sage-4733053960618 (READ-ONLY COPY).

The authoritative reference and input builder live on the scoring server;
editing this copy changes nothing except your own understanding.
"""

import jax, jax.numpy as jnp
import numpy as np

N = 10000
E = 320000
D_IN = 128
D_H = 128
N_CLASSES = 47


def setup_inputs(seed: int = 0) -> dict:
    key = jax.random.key(seed)
    ks = jax.random.split(key, 12)
    x = jax.random.normal(ks[0], (N, D_IN), dtype=jnp.float32)
    edge_index = jax.random.randint(ks[1], (2, E), 0, N, dtype=jnp.int32)
    def w(k, fan_in, fan_out):
        return jax.random.normal(k, (fan_in, fan_out), dtype=jnp.float32) / np.sqrt(fan_in)
    inp = {
        "x": x,
        "edge_index": edge_index,
        "W_self_0": w(ks[2], D_IN, D_H),
        "W_neigh_0": w(ks[3], D_IN, D_H),
        "b_0": jnp.zeros((D_H,), dtype=jnp.float32),
        "W_self_1": w(ks[4], D_H, D_H),
        "W_neigh_1": w(ks[5], D_H, D_H),
        "b_1": jnp.zeros((D_H,), dtype=jnp.float32),
        "W_self_2": w(ks[6], D_H, N_CLASSES),
        "W_neigh_2": w(ks[7], D_H, N_CLASSES),
        "b_2": jnp.zeros((N_CLASSES,), dtype=jnp.float32),
    }
    return inp


def _sage_layer(h, src, dst, W_self, W_neigh, b):
    # DGL SAGEConv 'mean': fc_self(h_dst) + fc_neigh(mean_{u in N(v)} h_src[u]) + bias
    msg = h[src]
    agg = jax.ops.segment_sum(msg, dst, num_segments=N)
    deg = jax.ops.segment_sum(jnp.ones((src.shape[0],), dtype=h.dtype), dst, num_segments=N)
    h_neigh = agg / jnp.maximum(deg, 1.0)[:, None]
    return h @ W_self + h_neigh @ W_neigh + b


def reference(x, edge_index, W_self_0, W_neigh_0, b_0, W_self_1, W_neigh_1, b_1, W_self_2, W_neigh_2, b_2):
    src = edge_index[0]
    dst = edge_index[1]
    # layer 0 + activation (dropout=0.0 -> identity in eval)
    h = _sage_layer(x, src, dst, W_self_0, W_neigh_0, b_0)
    h = jax.nn.relu(h)
    # layer 1 + activation
    h = _sage_layer(h, src, dst, W_self_1, W_neigh_1, b_1)
    h = jax.nn.relu(h)
    # final layer (no activation/dropout)
    h = _sage_layer(h, src, dst, W_self_2, W_neigh_2, b_2)
    return h

if __name__ == "__main__":
    import jax
    _d = setup_inputs()
    print(jax.jit(kernel)(*tuple(_d.values())))

</pallas_src>

<mosaic_0001>
#map = affine_map<(d0, d1) -> (0)>
#map1 = affine_map<(d0, d1) -> (0, 0)>
module attributes {stable_mosaic.version = 14 : i64} {
  func.func @_deg_body(%arg0: i32, %arg1: i32, %arg2: memref<327680xi32, #tpu.memory_space<hbm>>, %arg3: memref<20480x128xf32, #tpu.memory_space<hbm>>, %arg4: memref<128xi32, #tpu.memory_space<vmem>>, %arg5: memref<128x128xf32, #tpu.memory_space<vmem>>, %arg6: memref<10240x128xf32, #tpu.memory_space<vmem_shared>>, %arg7: memref<!tpu.dma_semaphore, #tpu.memory_space<semaphore_mem>>) attributes {dimension_semantics = [#tpu.dimension_semantics<core_parallel>, #tpu.dimension_semantics<subcore_parallel>], iteration_bounds = array<i64: 2, 16>, scalar_prefetch = 0 : i64, scratch_operands = 4 : i64, tpu.core_type = #tpu.core_type<sc_vector_subcore>, window_params = [{transform_indices = #map}, {transform_indices = #map1}]} {
    %mul3A = arith.constant 16 : i32
    %mul3A_0 = arith.muli %arg0, %mul3A : i32
    %add3A = arith.addi %mul3A_0, %arg1 : i32
    %scan3A = arith.constant 0 : i32
    %scan3A_1 = arith.constant 0 : i32
    %scan3A_2 = arith.constant 128 : i32
    %scan3A_3 = arith.addi %scan3A_1, %scan3A_2 : i32
    %scan3A_4 = arith.constant 1 : i32
    scf.for %scan3A_76 = %scan3A_1 to %scan3A_3 step %scan3A_4  : i32 {
      %broadcast_in_dim3A = arith.constant 0.000000e+00 : f32
      %broadcast_in_dim3A_77 = vector.broadcast %broadcast_in_dim3A : f32 to vector<16xf32>
      %swap3A = arith.index_cast %scan3A_76 : i32 to index
      %swap3A_78 = arith.constant 0 : index
      %swap3A_79 = tpu.vector_load %arg5[%swap3A, %swap3A_78] {strides = array<i32>} : memref<128x128xf32, #tpu.memory_space<vmem>>, vector<1x16xf32>,
      %swap3A_80 = vector.shape_cast %swap3A_79 : vector<1x16xf32> to vector<16xf32>
      %swap3A_81 = vector.shape_cast %broadcast_in_dim3A_77 : vector<16xf32> to vector<1x16xf32>
      tpu.vector_store %arg5[%swap3A, %swap3A_78], %swap3A_81 {strides = array<i32>} : memref<128x128xf32, #tpu.memory_space<vmem>>, vector<1x16xf32>,
      %broadcast_in_dim3A_82 = arith.constant 0.000000e+00 : f32
      %broadcast_in_dim3A_83 = vector.broadcast %broadcast_in_dim3A_82 : f32 to vector<16xf32>
      %swap3A_84 = arith.index_cast %scan3A_76 : i32 to index
      %swap3A_85 = arith.constant 16 : index
      %swap3A_86 = tpu.vector_load %arg5[%swap3A_84, %swap3A_85] {strides = array<i32>} : memref<128x128xf32, #tpu.memory_space<vmem>>, vector<1x16xf32>,
      %swap3A_87 = vector.shape_cast %swap3A_86 : vector<1x16xf32> to vector<16xf32>
      %swap3A_88 = vector.shape_cast %broadcast_in_dim3A_83 : vector<16xf32> to vector<1x16xf32>
      tpu.vector_store %arg5[%swap3A_84, %swap3A_85], %swap3A_88 {strides = array<i32>} : memref<128x128xf32, #tpu.memory_space<vmem>>, vector<1x16xf32>,
      %broadcast_in_dim3A_89 = arith.constant 0.000000e+00 : f32
      %broadcast_in_dim3A_90 = vector.broadcast %broadcast_in_dim3A_89 : f32 to vector<16xf32>
      %swap3A_91 = arith.index_cast %scan3A_76 : i32 to index
      %swap3A_92 = arith.constant 32 : index
      %swap3A_93 = tpu.vector_load %arg5[%swap3A_91, %swap3A_92] {strides = array<i32>} : memref<128x128xf32, #tpu.memory_space<vmem>>, vector<1x16xf32>,
      %swap3A_94 = vector.shape_cast %swap3A_93 : vector<1x16xf32> to vector<16xf32>
      %swap3A_95 = vector.shape_cast %broadcast_in_dim3A_90 : vector<16xf32> to vector<1x16xf32>
      tpu.vector_store %arg5[%swap3A_91, %swap3A_92], %swap3A_95 {strides = array<i32>} : memref<128x128xf32, #tpu.memory_space<vmem>>, vector<1x16xf32>,
      %broadcast_in_dim3A_96 = arith.constant 0.000000e+00 : f32
      %broadcast_in_dim3A_97 = vector.broadcast %broadcast_in_dim3A_96 : f32 to vector<16xf32>
      %swap3A_98 = arith.index_cast %scan3A_76 : i32 to index
      %swap3A_99 = arith.constant 48 : index
      %swap3A_100 = tpu.vector_load %arg5[%swap3A_98, %swap3A_99] {strides = array<i32>} : memref<128x128xf32, #tpu.memory_space<vmem>>, vector<1x16xf32>,
      %swap3A_101 = vector.shape_cast %swap3A_100 : vector<1x16xf32> to vector<16xf32>
      %swap3A_102 = vector.shape_cast %broadcast_in_dim3A_97 : vector<16xf32> to vector<1x16xf32>
      tpu.vector_store %arg5[%swap3A_98, %swap3A_99], %swap3A_102 {strides = array<i32>} : memref<128x128xf32, #tpu.memory_space<vmem>>, vector<1x16xf32>,
      %broadcast_in_dim3A_103 = arith.constant 0.000000e+00 : f32
      %broadcast_in_dim3A_104 = vector.broadcast %broadcast_in_dim3A_103 : f32 to vector<16xf32>
      %swap3A_105 = arith.index_cast %scan3A_76 : i32 to index
      %swap3A_106 = arith.constant 64 : index
      %swap3A_107 = tpu.vector_load %arg5[%swap3A_105, %swap3A_106] {strides = array<i32>} : memref<128x128xf32, #tpu.memory_space<vmem>>, vector<1x16xf32>,
      %swap3A_108 = vector.shape_cast %swap3A_107 : vector<1x16xf32> to vector<16xf32>
      %swap3A_109 = vector.shape_cast %broadcast_in_dim3A_104 : vector<16xf32> to vector<1x16xf32>
      tpu.vector_store %arg5[%swap3A_105, %swap3A_106], %swap3A_109 {strides = array<i32>} : memref<128x128xf32, #tpu.memory_space<vmem>>, vector<1x16xf32>,
      %broadcast_in_dim3A_110 = arith.constant 0.000000e+00 : f32
      %broadcast_in_dim3A_111 = vector.broadcast %broadcast_in_dim3A_110 : f32 to vector<16xf32>
      %swap3A_112 = arith.index_cast %scan3A_76 : i32 to index
      %swap3A_113 = arith.constant 80 : index
      %swap3A_114 = tpu.vector_load %arg5[%swap3A_112, %swap3A_113] {strides = array<i32>} : memref<128x128xf32, #tpu.memory_space<vmem>>, vector<1x16xf32>,
      %swap3A_115 = vector.shape_cast %swap3A_114 : vector<1x16xf32> to vector<16xf32>
      %swap3A_116 = vector.shape_cast %broadcast_in_dim3A_111 : vector<16xf32> to vector<1x16xf32>
      tpu.vector_store %arg5[%swap3A_112, %swap3A_113], %swap3A_116 {strides = array<i32>} : memref<128x128xf32, #tpu.memory_space<vmem>>, vector<1x16xf32>,
      %broadcast_in_dim3A_117 = arith.constant 0.000000e+00 : f32
      %broadcast_in_dim3A_118 = vector.broadcast %broadcast_in_dim3A_117 : f32 to vector<16xf32>
      %swap3A_119 = arith.index_cast %scan3A_76 : i32 to index
      %swap3A_120 = arith.constant 96 : index
      %swap3A_121 = tpu.vector_load %arg5[%swap3A_119, %swap3A_120] {strides = array<i32>} : memref<128x128xf32, #tpu.memory_space<vmem>>, vector<1x16xf32>,
      %swap3A_122 = vector.shape_cast %swap3A_121 : vector<1x16xf32> to vector<16xf32>
      %swap3A_123 = vector.shape_cast %broadcast_in_dim3A_118 : vector<16xf32> to vector<1x16xf32>
      tpu.vector_store %arg5[%swap3A_119, %swap3A_120], %swap3A_123 {strides = array<i32>} : memref<128x128xf32, #tpu.memory_space<vmem>>, vector<1x16xf32>,
      %broadcast_in_dim3A_124 = arith.constant 0.000000e+00 : f32
      %broadcast_in_dim3A_125 = vector.broadcast %broadcast_in_dim3A_124 : f32 to vector<16xf32>
      %swap3A_126 = arith.index_cast %scan3A_76 : i32 to index
      %swap3A_127 = arith.constant 112 : index
      %swap3A_128 = tpu.vector_load %arg5[%swap3A_126, %swap3A_127] {strides = array<i32>} : memref<128x128xf32, #tpu.memory_space<vmem>>, vector<1x16xf32>,
      %swap3A_129 = vector.shape_cast %swap3A_128 : vector<1x16xf32> to vector<16xf32>
      %swap3A_130 = vector.shape_cast %broadcast_in_dim3A_125 : vector<16xf32> to vector<1x16xf32>
      tpu.vector_store %arg5[%swap3A_126, %swap3A_127], %swap3A_130 {strides = array<i32>} : memref<128x128xf32, #tpu.memory_space<vmem>>, vector<1x16xf32>,
    }
    %scan3A_5 = arith.constant 128 : i32
    %mul3A_6 = arith.constant 640 : i32
    %mul3A_7 = arith.muli %arg1, %mul3A_6 : i32
    %add3A_8 = arith.constant 0 : i32
    %add3A_9 = arith.addi %mul3A_7, %add3A_8 : i32
    "tpu.region"() ({
      %run_scoped3A = tpu.sem_alloc : memref<!tpu.dma_semaphore, #tpu.memory_space<semaphore_mem>>
      %dma_start3A = arith.constant 0 : i32
      %dma_start3A_76 = tpu.memref_slice %arg6[%add3A_9, %dma_start3A] : memref<10240x128xf32, #tpu.memory_space<vmem_shared>> -> memref<128x128xf32, #tpu.memory_space<vmem_shared>>
      %dma_start3A_77 = arith.constant 0 : i32
      %dma_start3A_78 = tpu.memref_slice %arg6[%add3A_9, %dma_start3A_77] : memref<10240x128xf32, #tpu.memory_space<vmem_shared>> -> memref<128x128xf32, #tpu.memory_space<vmem_shared>>
      tpu.enqueue_dma source(%arg5 : memref<128x128xf32, #tpu.memory_space<vmem>>) target(%dma_start3A_78 : memref<128x128xf32, #tpu.memory_space<vmem_shared>>) target_semaphore(%run_scoped3A : memref<!tpu.dma_semaphore, #tpu.memory_space<semaphore_mem>>)
      %dma_wait3A = arith.constant 0 : i32
      %dma_wait3A_79 = tpu.memref_slice %arg6[%add3A_9, %dma_wait3A] : memref<10240x128xf32, #tpu.memory_space<vmem_shared>> -> memref<128x128xf32, #tpu.memory_space<vmem_shared>>
      %dma_wait3A_80 = arith.constant 0 : i32
      %dma_wait3A_81 = tpu.memref_slice %arg6[%add3A_9, %dma_wait3A_80] : memref<10240x128xf32, #tpu.memory_space<vmem_shared>> -> memref<128x128xf32, #tpu.memory_space<vmem_shared>>
      tpu.wait_dma2 semaphore(%run_scoped3A : memref<!tpu.dma_semaphore, #tpu.memory_space<semaphore_mem>>) src(%arg5 : memref<128x128xf32, #tpu.memory_space<vmem>>) dst(%dma_wait3A_81 : memref<128x128xf32, #tpu.memory_space<vmem_shared>>)
      tpu.yield
    }) : () -> ()
    %mul3A_10 = arith.constant 640 : i32
    %mul3A_11 = arith.muli %arg1, %mul3A_10 : i32
    %add3A_12 = arith.constant 128 : i32
    %add3A_13 = arith.addi %mul3A_11, %add3A_12 : i32
    "tpu.region"() ({
      %run_scoped3A = tpu.sem_alloc : memref<!tpu.dma_semaphore, #tpu.memory_space<semaphore_mem>>
      %dma_start3A = arith.constant 0 : i32
      %dma_start3A_76 = tpu.memref_slice %arg6[%add3A_13, %dma_start3A] : memref<10240x128xf32, #tpu.memory_space<vmem_shared>> -> memref<128x128xf32, #tpu.memory_space<vmem_shared>>
      %dma_start3A_77 = arith.constant 0 : i32
      %dma_start3A_78 = tpu.memref_slice %arg6[%add3A_13, %dma_start3A_77] : memref<10240x128xf32, #tpu.memory_space<vmem_shared>> -> memref<128x128xf32, #tpu.memory_space<vmem_shared>>
      tpu.enqueue_dma source(%arg5 : memref<128x128xf32, #tpu.memory_space<vmem>>) target(%dma_start3A_78 : memref<128x128xf32, #tpu.memory_space<vmem_shared>>) target_semaphore(%run_scoped3A : memref<!tpu.dma_semaphore, #tpu.memory_space<semaphore_mem>>)
      %dma_wait3A = arith.constant 0 : i32
      %dma_wait3A_79 = tpu.memref_slice %arg6[%add3A_13, %dma_wait3A] : memref<10240x128xf32, #tpu.memory_space<vmem_shared>> -> memref<128x128xf32, #tpu.memory_space<vmem_shared>>
      %dma_wait3A_80 = arith.constant 0 : i32
      %dma_wait3A_81 = tpu.memref_slice %arg6[%add3A_13, %dma_wait3A_80] : memref<10240x128xf32, #tpu.memory_space<vmem_shared>> -> memref<128x128xf32, #tpu.memory_space<vmem_shared>>
      tpu.wait_dma2 semaphore(%run_scoped3A : memref<!tpu.dma_semaphore, #tpu.memory_space<semaphore_mem>>) src(%arg5 : memref<128x128xf32, #tpu.memory_space<vmem>>) dst(%dma_wait3A_81 : memref<128x128xf32, #tpu.memory_space<vmem_shared>>)
      tpu.yield
    }) : () -> ()
    %mul3A_14 = arith.constant 640 : i32
    %mul3A_15 = arith.muli %arg1, %mul3A_14 : i32
    %add3A_16 = arith.constant 256 : i32
    %add3A_17 = arith.addi %mul3A_15, %add3A_16 : i32
    "tpu.region"() ({
      %run_scoped3A = tpu.sem_alloc : memref<!tpu.dma_semaphore, #tpu.memory_space<semaphore_mem>>
      %dma_start3A = arith.constant 0 : i32
      %dma_start3A_76 = tpu.memref_slice %arg6[%add3A_17, %dma_start3A] : memref<10240x128xf32, #tpu.memory_space<vmem_shared>> -> memref<128x128xf32, #tpu.memory_space<vmem_shared>>
      %dma_start3A_77 = arith.constant 0 : i32
      %dma_start3A_78 = tpu.memref_slice %arg6[%add3A_17, %dma_start3A_77] : memref<10240x128xf32, #tpu.memory_space<vmem_shared>> -> memref<128x128xf32, #tpu.memory_space<vmem_shared>>
      tpu.enqueue_dma source(%arg5 : memref<128x128xf32, #tpu.memory_space<vmem>>) target(%dma_start3A_78 : memref<128x128xf32, #tpu.memory_space<vmem_shared>>) target_semaphore(%run_scoped3A : memref<!tpu.dma_semaphore, #tpu.memory_space<semaphore_mem>>)
      %dma_wait3A = arith.constant 0 : i32
      %dma_wait3A_79 = tpu.memref_slice %arg6[%add3A_17, %dma_wait3A] : memref<10240x128xf32, #tpu.memory_space<vmem_shared>> -> memref<128x128xf32, #tpu.memory_space<vmem_shared>>
      %dma_wait3A_80 = arith.constant 0 : i32
      %dma_wait3A_81 = tpu.memref_slice %arg6[%add3A_17, %dma_wait3A_80] : memref<10240x128xf32, #tpu.memory_space<vmem_shared>> -> memref<128x128xf32, #tpu.memory_space<vmem_shared>>
      tpu.wait_dma2 semaphore(%run_scoped3A : memref<!tpu.dma_semaphore, #tpu.memory_space<semaphore_mem>>) src(%arg5 : memref<128x128xf32, #tpu.memory_space<vmem>>) dst(%dma_wait3A_81 : memref<128x128xf32, #tpu.memory_space<vmem_shared>>)
      tpu.yield
    }) : () -> ()
    %mul3A_18 = arith.constant 640 : i32
    %mul3A_19 = arith.muli %arg1, %mul3A_18 : i32
    %add3A_20 = arith.constant 384 : i32
    %add3A_21 = arith.addi %mul3A_19, %add3A_20 : i32
    "tpu.region"() ({
      %run_scoped3A = tpu.sem_alloc : memref<!tpu.dma_semaphore, #tpu.memory_space<semaphore_mem>>
      %dma_start3A = arith.constant 0 : i32
      %dma_start3A_76 = tpu.memref_slice %arg6[%add3A_21, %dma_start3A] : memref<10240x128xf32, #tpu.memory_space<vmem_shared>> -> memref<128x128xf32, #tpu.memory_space<vmem_shared>>
      %dma_start3A_77 = arith.constant 0 : i32
      %dma_start3A_78 = tpu.memref_slice %arg6[%add3A_21, %dma_start3A_77] : memref<10240x128xf32, #tpu.memory_space<vmem_shared>> -> memref<128x128xf32, #tpu.memory_space<vmem_shared>>
      tpu.enqueue_dma source(%arg5 : memref<128x128xf32, #tpu.memory_space<vmem>>) target(%dma_start3A_78 : memref<128x128xf32, #tpu.memory_space<vmem_shared>>) target_semaphore(%run_scoped3A : memref<!tpu.dma_semaphore, #tpu.memory_space<semaphore_mem>>)
      %dma_wait3A = arith.constant 0 : i32
      %dma_wait3A_79 = tpu.memref_slice %arg6[%add3A_21, %dma_wait3A] : memref<10240x128xf32, #tpu.memory_space<vmem_shared>> -> memref<128x128xf32, #tpu.memory_space<vmem_shared>>
      %dma_wait3A_80 = arith.constant 0 : i32
      %dma_wait3A_81 = tpu.memref_slice %arg6[%add3A_21, %dma_wait3A_80] : memref<10240x128xf32, #tpu.memory_space<vmem_shared>> -> memref<128x128xf32, #tpu.memory_space<vmem_shared>>
      tpu.wait_dma2 semaphore(%run_scoped3A : memref<!tpu.dma_semaphore, #tpu.memory_space<semaphore_mem>>) src(%arg5 : memref<128x128xf32, #tpu.memory_space<vmem>>) dst(%dma_wait3A_81 : memref<128x128xf32, #tpu.memory_space<vmem_shared>>)
      tpu.yield
    }) : () -> ()
    %mul3A_22 = arith.constant 640 : i32
    %mul3A_23 = arith.muli %arg1, %mul3A_22 : i32
    %add3A_24 = arith.constant 512 : i32
    %add3A_25 = arith.addi %mul3A_23, %add3A_24 : i32
    "tpu.region"() ({
      %run_scoped3A = tpu.sem_alloc : memref<!tpu.dma_semaphore, #tpu.memory_space<semaphore_mem>>
      %dma_start3A = arith.constant 0 : i32
      %dma_start3A_76 = tpu.memref_slice %arg6[%add3A_25, %dma_start3A] : memref<10240x128xf32, #tpu.memory_space<vmem_shared>> -> memref<128x128xf32, #tpu.memory_space<vmem_shared>>
      %dma_start3A_77 = arith.constant 0 : i32
      %dma_start3A_78 = tpu.memref_slice %arg6[%add3A_25, %dma_start3A_77] : memref<10240x128xf32, #tpu.memory_space<vmem_shared>> -> memref<128x128xf32, #tpu.memory_space<vmem_shared>>
      tpu.enqueue_dma source(%arg5 : memref<128x128xf32, #tpu.memory_space<vmem>>) target(%dma_start3A_78 : memref<128x128xf32, #tpu.memory_space<vmem_shared>>) target_semaphore(%run_scoped3A : memref<!tpu.dma_semaphore, #tpu.memory_space<semaphore_mem>>)
      %dma_wait3A = arith.constant 0 : i32
      %dma_wait3A_79 = tpu.memref_slice %arg6[%add3A_25, %dma_wait3A] : memref<10240x128xf32, #tpu.memory_space<vmem_shared>> -> memref<128x128xf32, #tpu.memory_space<vmem_shared>>
      %dma_wait3A_80 = arith.constant 0 : i32
      %dma_wait3A_81 = tpu.memref_slice %arg6[%add3A_25, %dma_wait3A_80] : memref<10240x128xf32, #tpu.memory_space<vmem_shared>> -> memref<128x128xf32, #tpu.memory_space<vmem_shared>>
      tpu.wait_dma2 semaphore(%run_scoped3A : memref<!tpu.dma_semaphore, #tpu.memory_space<semaphore_mem>>) src(%arg5 : memref<128x128xf32, #tpu.memory_space<vmem>>) dst(%dma_wait3A_81 : memref<128x128xf32, #tpu.memory_space<vmem_shared>>)
      tpu.yield
    }) : () -> ()
    %barrier3A = arith.constant 0 : index
    tpu.barrier barrier_id(%barrier3A)
    %scan3A_26 = arith.constant 0 : i32
    %scan3A_27 = arith.constant 0 : i32
    %scan3A_28 = arith.constant 128 : i32
    %scan3A_29 = arith.addi %scan3A_27, %scan3A_28 : i32
    %scan3A_30 = arith.constant 1 : i32
    scf.for %scan3A_76 = %scan3A_27 to %scan3A_29 step %scan3A_30  : i32 {
      %broadcast_in_dim3A = arith.constant 1.000000e+00 : f32
      %broadcast_in_dim3A_77 = vector.broadcast %broadcast_in_dim3A : f32 to vector<16xf32>
      %swap3A = arith.index_cast %scan3A_76 : i32 to index
      %swap3A_78 = arith.constant 0 : index
      %swap3A_79 = tpu.vector_load %arg5[%swap3A, %swap3A_78] {strides = array<i32>} : memref<128x128xf32, #tpu.memory_space<vmem>>, vector<1x16xf32>,
      %swap3A_80 = vector.shape_cast %swap3A_79 : vector<1x16xf32> to vector<16xf32>
      %swap3A_81 = vector.shape_cast %broadcast_in_dim3A_77 : vector<16xf32> to vector<1x16xf32>
      tpu.vector_store %arg5[%swap3A, %swap3A_78], %swap3A_81 {strides = array<i32>} : memref<128x128xf32, #tpu.memory_space<vmem>>, vector<1x16xf32>,
      %broadcast_in_dim3A_82 = arith.constant 1.000000e+00 : f32
      %broadcast_in_dim3A_83 = vector.broadcast %broadcast_in_dim3A_82 : f32 to vector<16xf32>
      %swap3A_84 = arith.index_cast %scan3A_76 : i32 to index
      %swap3A_85 = arith.constant 16 : index
      %swap3A_86 = tpu.vector_load %arg5[%swap3A_84, %swap3A_85] {strides = array<i32>} : memref<128x128xf32, #tpu.memory_space<vmem>>, vector<1x16xf32>,
      %swap3A_87 = vector.shape_cast %swap3A_86 : vector<1x16xf32> to vector<16xf32>
      %swap3A_88 = vector.shape_cast %broadcast_in_dim3A_83 : vector<16xf32> to vector<1x16xf32>
      tpu.vector_store %arg5[%swap3A_84, %swap3A_85], %swap3A_88 {strides = array<i32>} : memref<128x128xf32, #tpu.memory_space<vmem>>, vector<1x16xf32>,
      %broadcast_in_dim3A_89 = arith.constant 1.000000e+00 : f32
      %broadcast_in_dim3A_90 = vector.broadcast %broadcast_in_dim3A_89 : f32 to vector<16xf32>
      %swap3A_91 = arith.index_cast %scan3A_76 : i32 to index
      %swap3A_92 = arith.constant 32 : index
      %swap3A_93 = tpu.vector_load %arg5[%swap3A_91, %swap3A_92] {strides = array<i32>} : memref<128x128xf32, #tpu.memory_space<vmem>>, vector<1x16xf32>,
      %swap3A_94 = vector.shape_cast %swap3A_93 : vector<1x16xf32> to vector<16xf32>
      %swap3A_95 = vector.shape_cast %broadcast_in_dim3A_90 : vector<16xf32> to vector<1x16xf32>
      tpu.vector_store %arg5[%swap3A_91, %swap3A_92], %swap3A_95 {strides = array<i32>} : memref<128x128xf32, #tpu.memory_space<vmem>>, vector<1x16xf32>,
      %broadcast_in_dim3A_96 = arith.constant 1.000000e+00 : f32
      %broadcast_in_dim3A_97 = vector.broadcast %broadcast_in_dim3A_96 : f32 to vector<16xf32>
      %swap3A_98 = arith.index_cast %scan3A_76 : i32 to index
      %swap3A_99 = arith.constant 48 : index
      %swap3A_100 = tpu.vector_load %arg5[%swap3A_98, %swap3A_99] {strides = array<i32>} : memref<128x128xf32, #tpu.memory_space<vmem>>, vector<1x16xf32>,
      %swap3A_101 = vector.shape_cast %swap3A_100 : vector<1x16xf32> to vector<16xf32>
      %swap3A_102 = vector.shape_cast %broadcast_in_dim3A_97 : vector<16xf32> to vector<1x16xf32>
      tpu.vector_store %arg5[%swap3A_98, %swap3A_99], %swap3A_102 {strides = array<i32>} : memref<128x128xf32, #tpu.memory_space<vmem>>, vector<1x16xf32>,
      %broadcast_in_dim3A_103 = arith.constant 1.000000e+00 : f32
      %broadcast_in_dim3A_104 = vector.broadcast %broadcast_in_dim3A_103 : f32 to vector<16xf32>
      %swap3A_105 = arith.index_cast %scan3A_76 : i32 to index
      %swap3A_106 = arith.constant 64 : index
      %swap3A_107 = tpu.vector_load %arg5[%swap3A_105, %swap3A_106] {strides = array<i32>} : memref<128x128xf32, #tpu.memory_space<vmem>>, vector<1x16xf32>,
      %swap3A_108 = vector.shape_cast %swap3A_107 : vector<1x16xf32> to vector<16xf32>
      %swap3A_109 = vector.shape_cast %broadcast_in_dim3A_104 : vector<16xf32> to vector<1x16xf32>
      tpu.vector_store %arg5[%swap3A_105, %swap3A_106], %swap3A_109 {strides = array<i32>} : memref<128x128xf32, #tpu.memory_space<vmem>>, vector<1x16xf32>,
      %broadcast_in_dim3A_110 = arith.constant 1.000000e+00 : f32
      %broadcast_in_dim3A_111 = vector.broadcast %broadcast_in_dim3A_110 : f32 to vector<16xf32>
      %swap3A_112 = arith.index_cast %scan3A_76 : i32 to index
      %swap3A_113 = arith.constant 80 : index
      %swap3A_114 = tpu.vector_load %arg5[%swap3A_112, %swap3A_113] {strides = array<i32>} : memref<128x128xf32, #tpu.memory_space<vmem>>, vector<1x16xf32>,
      %swap3A_115 = vector.shape_cast %swap3A_114 : vector<1x16xf32> to vector<16xf32>
      %swap3A_116 = vector.shape_cast %broadcast_in_dim3A_111 : vector<16xf32> to vector<1x16xf32>
      tpu.vector_store %arg5[%swap3A_112, %swap3A_113], %swap3A_116 {strides = array<i32>} : memref<128x128xf32, #tpu.memory_space<vmem>>, vector<1x16xf32>,
      %broadcast_in_dim3A_117 = arith.constant 1.000000e+00 : f32
      %broadcast_in_dim3A_118 = vector.broadcast %broadcast_in_dim3A_117 : f32 to vector<16xf32>
      %swap3A_119 = arith.index_cast %scan3A_76 : i32 to index
      %swap3A_120 = arith.constant 96 : index
      %swap3A_121 = tpu.vector_load %arg5[%swap3A_119, %swap3A_120] {strides = array<i32>} : memref<128x128xf32, #tpu.memory_space<vmem>>, vector<1x16xf32>,
      %swap3A_122 = vector.shape_cast %swap3A_121 : vector<1x16xf32> to vector<16xf32>
      %swap3A_123 = vector.shape_cast %broadcast_in_dim3A_118 : vector<16xf32> to vector<1x16xf32>
      tpu.vector_store %arg5[%swap3A_119, %swap3A_120], %swap3A_123 {strides = array<i32>} : memref<128x128xf32, #tpu.memory_space<vmem>>, vector<1x16xf32>,
      %broadcast_in_dim3A_124 = arith.constant 1.000000e+00 : f32
      %broadcast_in_dim3A_125 = vector.broadcast %broadcast_in_dim3A_124 : f32 to vector<16xf32>
      %swap3A_126 = arith.index_cast %scan3A_76 : i32 to index
      %swap3A_127 = arith.constant 112 : index
      %swap3A_128 = tpu.vector_load %arg5[%swap3A_126, %swap3A_127] {strides = array<i32>} : memref<128x128xf32, #tpu.memory_space<vmem>>, vector<1x16xf32>,
      %swap3A_129 = vector.shape_cast %swap3A_128 : vector<1x16xf32> to vector<16xf32>
      %swap3A_130 = vector.shape_cast %broadcast_in_dim3A_125 : vector<16xf32> to vector<1x16xf32>
      tpu.vector_store %arg5[%swap3A_126, %swap3A_127], %swap3A_130 {strides = array<i32>} : memref<128x128xf32, #tpu.memory_space<vmem>>, vector<1x16xf32>,
    }
    %scan3A_31 = arith.constant 128 : i32
    %mul3A_32 = arith.constant 10240 : i32
    %mul3A_33 = arith.muli %add3A, %mul3A_32 : i32
    %scan3A_34 = arith.constant 0 : i32
    %scan3A_35 = arith.constant 0 : i32
    %scan3A_36 = arith.constant 80 : i32
    %scan3A_37 = arith.addi %scan3A_35, %scan3A_36 : i32
    %scan3A_38 = arith.constant 1 : i32
    scf.for %scan3A_76 = %scan3A_35 to %scan3A_37 step %scan3A_38  : i32 {
      %mul3A_77 = arith.constant 128 : i32
      %mul3A_78 = arith.muli %scan3A_76, %mul3A_77 : i32
      %add3A_79 = arith.addi %mul3A_33, %mul3A_78 : i32
      "tpu.region"() ({
        %run_scoped3A = tpu.sem_alloc : memref<!tpu.dma_semaphore, #tpu.memory_space<semaphore_mem>>
        %dma_start3A = tpu.memref_slice %arg2[%add3A_79] : memref<327680xi32, #tpu.memory_space<hbm>> -> memref<128xi32, #tpu.memory_space<hbm>>
        %dma_start3A_80 = tpu.memref_slice %arg2[%add3A_79] : memref<327680xi32, #tpu.memory_space<hbm>> -> memref<128xi32, #tpu.memory_space<hbm>>
        tpu.enqueue_dma source(%dma_start3A_80 : memref<128xi32, #tpu.memory_space<hbm>>) target(%arg4 : memref<128xi32, #tpu.memory_space<vmem>>) target_semaphore(%run_scoped3A : memref<!tpu.dma_semaphore, #tpu.memory_space<semaphore_mem>>)
        %dma_wait3A = tpu.memref_slice %arg2[%add3A_79] : memref<327680xi32, #tpu.memory_space<hbm>> -> memref<128xi32, #tpu.memory_space<hbm>>
        %dma_wait3A_81 = tpu.memref_slice %arg2[%add3A_79] : memref<327680xi32, #tpu.memory_space<hbm>> -> memref<128xi32, #tpu.memory_space<hbm>>
        tpu.wait_dma2 semaphore(%run_scoped3A : memref<!tpu.dma_semaphore, #tpu.memory_space<semaphore_mem>>) src(%dma_wait3A_81 : memref<128xi32, #tpu.memory_space<hbm>>) dst(%arg4 : memref<128xi32, #tpu.memory_space<vmem>>)
        tpu.yield
      }) : () -> ()
      "tpu.region"() ({
        %run_scoped3A = tpu.sem_alloc : memref<!tpu.dma_semaphore, #tpu.memory_space<semaphore_mem>>
        %dma_start3A = arith.constant 0 : i32
        %dma_start3A_80 = arith.constant 0 : i32
        %dma_start3A_81 = tpu.memref_slice %arg6[%dma_start3A, %dma_start3A_80] : memref<10240x128xf32, #tpu.memory_space<vmem_shared>> -> memref<10240x128xf32, #tpu.memory_space<vmem_shared>>
        tpu.enqueue_indirect_dma source(%arg5 : memref<128x128xf32, #tpu.memory_space<vmem>>) target(%dma_start3A_81 : memref<10240x128xf32, #tpu.memory_space<vmem_shared>>) offsets(%arg4 : memref<128xi32, #tpu.memory_space<vmem>>) semaphore(%run_scoped3A : memref<!tpu.dma_semaphore, #tpu.memory_space<semaphore_mem>>) {add = true}
        %dma_wait3A = arith.constant 0 : i32
        %dma_wait3A_82 = arith.constant 0 : i32
        %dma_wait3A_83 = tpu.memref_slice %arg6[%dma_wait3A, %dma_wait3A_82] : memref<10240x128xf32, #tpu.memory_space<vmem_shared>> -> memref<10240x128xf32, #tpu.memory_space<vmem_shared>>
        tpu.wait_indirect_dma semaphore(%run_scoped3A : memref<!tpu.dma_semaphore, #tpu.memory_space<semaphore_mem>>) src(%arg5 : memref<128x128xf32, #tpu.memory_space<vmem>>) dst(%dma_wait3A_83 : memref<10240x128xf32, #tpu.memory_space<vmem_shared>>)
        tpu.yield
      }) : () -> ()
    }
    %scan3A_39 = arith.constant 80 : i32
    %barrier3A_40 = arith.constant 0 : index
    tpu.barrier barrier_id(%barrier3A_40)
    %mul3A_41 = arith.constant 640 : i32
    %mul3A_42 = arith.muli %arg1, %mul3A_41 : i32
    %add3A_43 = arith.constant 0 : i32
    %add3A_44 = arith.addi %mul3A_42, %add3A_43 : i32
    "tpu.region"() ({
      %run_scoped3A = tpu.sem_alloc : memref<!tpu.dma_semaphore, #tpu.memory_space<semaphore_mem>>
      %dma_start3A = arith.constant 0 : i32
      %dma_start3A_76 = tpu.memref_slice %arg6[%add3A_44, %dma_start3A] : memref<10240x128xf32, #tpu.memory_space<vmem_shared>> -> memref<128x128xf32, #tpu.memory_space<vmem_shared>>
      %dma_start3A_77 = arith.constant 0 : i32
      %dma_start3A_78 = tpu.memref_slice %arg6[%add3A_44, %dma_start3A_77] : memref<10240x128xf32, #tpu.memory_space<vmem_shared>> -> memref<128x128xf32, #tpu.memory_space<vmem_shared>>
      tpu.enqueue_dma source(%dma_start3A_78 : memref<128x128xf32, #tpu.memory_space<vmem_shared>>) target(%arg5 : memref<128x128xf32, #tpu.memory_space<vmem>>) target_semaphore(%run_scoped3A : memref<!tpu.dma_semaphore, #tpu.memory_space<semaphore_mem>>)
      %dma_wait3A = arith.constant 0 : i32
      %dma_wait3A_79 = tpu.memref_slice %arg6[%add3A_44, %dma_wait3A] : memref<10240x128xf32, #tpu.memory_space<vmem_shared>> -> memref<128x128xf32, #tpu.memory_space<vmem_shared>>
      %dma_wait3A_80 = arith.constant 0 : i32
      %dma_wait3A_81 = tpu.memref_slice %arg6[%add3A_44, %dma_wait3A_80] : memref<10240x128xf32, #tpu.memory_space<vmem_shared>> -> memref<128x128xf32, #tpu.memory_space<vmem_shared>>
      tpu.wait_dma2 semaphore(%run_scoped3A : memref<!tpu.dma_semaphore, #tpu.memory_space<semaphore_mem>>) src(%dma_wait3A_81 : memref<128x128xf32, #tpu.memory_space<vmem_shared>>) dst(%arg5 : memref<128x128xf32, #tpu.memory_space<vmem>>)
      tpu.yield
    }) : () -> ()
    %mul3A_45 = arith.constant 10240 : i32
    %mul3A_46 = arith.muli %arg0, %mul3A_45 : i32
    %add3A_47 = arith.addi %mul3A_46, %add3A_44 : i32
    "tpu.region"() ({
      %run_scoped3A = tpu.sem_alloc : memref<!tpu.dma_semaphore, #tpu.memory_space<semaphore_mem>>
      %dma_start3A = arith.constant 0 : i32
      %dma_start3A_76 = tpu.memref_slice %arg3[%add3A_47, %dma_start3A] : memref<20480x128xf32, #tpu.memory_space<hbm>> -> memref<128x128xf32, #tpu.memory_space<hbm>>
      %dma_start3A_77 = arith.constant 0 : i32
      %dma_start3A_78 = tpu.memref_slice %arg3[%add3A_47, %dma_start3A_77] : memref<20480x128xf32, #tpu.memory_space<hbm>> -> memref<128x128xf32, #tpu.memory_space<hbm>>
      tpu.enqueue_dma source(%arg5 : memref<128x128xf32, #tpu.memory_space<vmem>>) target(%dma_start3A_78 : memref<128x128xf32, #tpu.memory_space<hbm>>) target_semaphore(%run_scoped3A : memref<!tpu.dma_semaphore, #tpu.memory_space<semaphore_mem>>)
      %dma_wait3A = arith.constant 0 : i32
      %dma_wait3A_79 = tpu.memref_slice %arg3[%add3A_47, %dma_wait3A] : memref<20480x128xf32, #tpu.memory_space<hbm>> -> memref<128x128xf32, #tpu.memory_space<hbm>>
      %dma_wait3A_80 = arith.constant 0 : i32
      %dma_wait3A_81 = tpu.memref_slice %arg3[%add3A_47, %dma_wait3A_80] : memref<20480x128xf32, #tpu.memory_space<hbm>> -> memref<128x128xf32, #tpu.memory_space<hbm>>
      tpu.wait_dma2 semaphore(%run_scoped3A : memref<!tpu.dma_semaphore, #tpu.memory_space<semaphore_mem>>) src(%arg5 : memref<128x128xf32, #tpu.memory_space<vmem>>) dst(%dma_wait3A_81 : memref<128x128xf32, #tpu.memory_space<hbm>>)
      tpu.yield
    }) : () -> ()
    %mul3A_48 = arith.constant 640 : i32
    %mul3A_49 = arith.muli %arg1, %mul3A_48 : i32
    %add3A_50 = arith.constant 128 : i32
    %add3A_51 = arith.addi %mul3A_49, %add3A_50 : i32
    "tpu.region"() ({
      %run_scoped3A = tpu.sem_alloc : memref<!tpu.dma_semaphore, #tpu.memory_space<semaphore_mem>>
      %dma_start3A = arith.constant 0 : i32
      %dma_start3A_76 = tpu.memref_slice %arg6[%add3A_51, %dma_start3A] : memref<10240x128xf32, #tpu.memory_space<vmem_shared>> -> memref<128x128xf32, #tpu.memory_space<vmem_shared>>
      %dma_start3A_77 = arith.constant 0 : i32
      %dma_start3A_78 = tpu.memref_slice %arg6[%add3A_51, %dma_start3A_77] : memref<10240x128xf32, #tpu.memory_space<vmem_shared>> -> memref<128x128xf32, #tpu.memory_space<vmem_shared>>
      tpu.enqueue_dma source(%dma_start3A_78 : memref<128x128xf32, #tpu.memory_space<vmem_shared>>) target(%arg5 : memref<128x128xf32, #tpu.memory_space<vmem>>) target_semaphore(%run_scoped3A : memref<!tpu.dma_semaphore, #tpu.memory_space<semaphore_mem>>)
      %dma_wait3A = arith.constant 0 : i32
      %dma_wait3A_79 = tpu.memref_slice %arg6[%add3A_51, %dma_wait3A] : memref<10240x128xf32, #tpu.memory_space<vmem_shared>> -> memref<128x128xf32, #tpu.memory_space<vmem_shared>>
      %dma_wait3A_80 = arith.constant 0 : i32
      %dma_wait3A_81 = tpu.memref_slice %arg6[%add3A_51, %dma_wait3A_80] : memref<10240x128xf32, #tpu.memory_space<vmem_shared>> -> memref<128x128xf32, #tpu.memory_space<vmem_shared>>
      tpu.wait_dma2 semaphore(%run_scoped3A : memref<!tpu.dma_semaphore, #tpu.memory_space<semaphore_mem>>) src(%dma_wait3A_81 : memref<128x128xf32, #tpu.memory_space<vmem_shared>>) dst(%arg5 : memref<128x128xf32, #tpu.memory_space<vmem>>)
      tpu.yield
    }) : () -> ()
    %mul3A_52 = arith.constant 10240 : i32
    %mul3A_53 = arith.muli %arg0, %mul3A_52 : i32
    %add3A_54 = arith.addi %mul3A_53, %add3A_51 : i32
    "tpu.region"() ({
      %run_scoped3A = tpu.sem_alloc : memref<!tpu.dma_semaphore, #tpu.memory_space<semaphore_mem>>
      %dma_start3A = arith.constant 0 : i32
      %dma_start3A_76 = tpu.memref_slice %arg3[%add3A_54, %dma_start3A] : memref<20480x128xf32, #tpu.memory_space<hbm>> -> memref<128x128xf32, #tpu.memory_space<hbm>>
      %dma_start3A_77 = arith.constant 0 : i32
      %dma_start3A_78 = tpu.memref_slice %arg3[%add3A_54, %dma_start3A_77] : memref<20480x128xf32, #tpu.memory_space<hbm>> -> memref<128x128xf32, #tpu.memory_space<hbm>>
      tpu.enqueue_dma source(%arg5 : memref<128x128xf32, #tpu.memory_space<vmem>>) target(%dma_start3A_78 : memref<128x128xf32, #tpu.memory_space<hbm>>) target_semaphore(%run_scoped3A : memref<!tpu.dma_semaphore, #tpu.memory_space<semaphore_mem>>)
      %dma_wait3A = arith.constant 0 : i32
      %dma_wait3A_79 = tpu.memref_slice %arg3[%add3A_54, %dma_wait3A] : memref<20480x128xf32, #tpu.memory_space<hbm>> -> memref<128x128xf32, #tpu.memory_space<hbm>>
      %dma_wait3A_80 = arith.constant 0 : i32
      %dma_wait3A_81 = tpu.memref_slice %arg3[%add3A_54, %dma_wait3A_80] : memref<20480x128xf32, #tpu.memory_space<hbm>> -> memref<128x128xf32, #tpu.memory_space<hbm>>
      tpu.wait_dma2 semaphore(%run_scoped3A : memref<!tpu.dma_semaphore, #tpu.memory_space<semaphore_mem>>) src(%arg5 : memref<128x128xf32, #tpu.memory_space<vmem>>) dst(%dma_wait3A_81 : memref<128x128xf32, #tpu.memory_space<hbm>>)
      tpu.yield
    }) : () -> ()
    %mul3A_55 = arith.constant 640 : i32
    %mul3A_56 = arith.muli %arg1, %mul3A_55 : i32
    %add3A_57 = arith.constant 256 : i32
    %add3A_58 = arith.addi %mul3A_56, %add3A_57 : i32
    "tpu.region"() ({
      %run_scoped3A = tpu.sem_alloc : memref<!tpu.dma_semaphore, #tpu.memory_space<semaphore_mem>>
      %dma_start3A = arith.constant 0 : i32
      %dma_start3A_76 = tpu.memref_slice %arg6[%add3A_58, %dma_start3A] : memref<10240x128xf32, #tpu.memory_space<vmem_shared>> -> memref<128x128xf32, #tpu.memory_space<vmem_shared>>
      %dma_start3A_77 = arith.constant 0 : i32
      %dma_start3A_78 = tpu.memref_slice %arg6[%add3A_58, %dma_start3A_77] : memref<10240x128xf32, #tpu.memory_space<vmem_shared>> -> memref<128x128xf32, #tpu.memory_space<vmem_shared>>
      tpu.enqueue_dma source(%dma_start3A_78 : memref<128x128xf32, #tpu.memory_space<vmem_shared>>) target(%arg5 : memref<128x128xf32, #tpu.memory_space<vmem>>) target_semaphore(%run_scoped3A : memref<!tpu.dma_semaphore, #tpu.memory_space<semaphore_mem>>)
      %dma_wait3A = arith.constant 0 : i32
      %dma_wait3A_79 = tpu.memref_slice %arg6[%add3A_58, %dma_wait3A] : memref<10240x128xf32, #tpu.memory_space<vmem_shared>> -> memref<128x128xf32, #tpu.memory_space<vmem_shared>>
      %dma_wait3A_80 = arith.constant 0 : i32
      %dma_wait3A_81 = tpu.memref_slice %arg6[%add3A_58, %dma_wait3A_80] : memref<10240x128xf32, #tpu.memory_space<vmem_shared>> -> memref<128x128xf32, #tpu.memory_space<vmem_shared>>
      tpu.wait_dma2 semaphore(%run_scoped3A : memref<!tpu.dma_semaphore, #tpu.memory_space<semaphore_mem>>) src(%dma_wait3A_81 : memref<128x128xf32, #tpu.memory_space<vmem_shared>>) dst(%arg5 : memref<128x128xf32, #tpu.memory_space<vmem>>)
      tpu.yield
    }) : () -> ()
    %mul3A_59 = arith.constant 10240 : i32
    %mul3A_60 = arith.muli %arg0, %mul3A_59 : i32
    %add3A_61 = arith.addi %mul3A_60, %add3A_58 : i32
    "tpu.region"() ({
      %run_scoped3A = tpu.sem_alloc : memref<!tpu.dma_semaphore, #tpu.memory_space<semaphore_mem>>
      %dma_start3A = arith.constant 0 : i32
      %dma_start3A_76 = tpu.memref_slice %arg3[%add3A_61, %dma_start3A] : memref<20480x128xf32, #tpu.memory_space<hbm>> -> memref<128x128xf32, #tpu.memory_space<hbm>>
      %dma_start3A_77 = arith.constant 0 : i32
      %dma_start3A_78 = tpu.memref_slice %arg3[%add3A_61, %dma_start3A_77] : memref<20480x128xf32, #tpu.memory_space<hbm>> -> memref<128x128xf32, #tpu.memory_space<hbm>>
      tpu.enqueue_dma source(%arg5 : memref<128x128xf32, #tpu.memory_space<vmem>>) target(%dma_start3A_78 : memref<128x128xf32, #tpu.memory_space<hbm>>) target_semaphore(%run_scoped3A : memref<!tpu.dma_semaphore, #tpu.memory_space<semaphore_mem>>)
      %dma_wait3A = arith.constant 0 : i32
      %dma_wait3A_79 = tpu.memref_slice %arg3[%add3A_61, %dma_wait3A] : memref<20480x128xf32, #tpu.memory_space<hbm>> -> memref<128x128xf32, #tpu.memory_space<hbm>>
      %dma_wait3A_80 = arith.constant 0 : i32
      %dma_wait3A_81 = tpu.memref_slice %arg3[%add3A_61, %dma_wait3A_80] : memref<20480x128xf32, #tpu.memory_space<hbm>> -> memref<128x128xf32, #tpu.memory_space<hbm>>
      tpu.wait_dma2 semaphore(%run_scoped3A : memref<!tpu.dma_semaphore, #tpu.memory_space<semaphore_mem>>) src(%arg5 : memref<128x128xf32, #tpu.memory_space<vmem>>) dst(%dma_wait3A_81 : memref<128x128xf32, #tpu.memory_space<hbm>>)
      tpu.yield
    }) : () -> ()
    %mul3A_62 = arith.constant 640 : i32
    %mul3A_63 = arith.muli %arg1, %mul3A_62 : i32
    %add3A_64 = arith.constant 384 : i32
    %add3A_65 = arith.addi %mul3A_63, %add3A_64 : i32
    "tpu.region"() ({
      %run_scoped3A = tpu.sem_alloc : memref<!tpu.dma_semaphore, #tpu.memory_space<semaphore_mem>>
      %dma_start3A = arith.constant 0 : i32
      %dma_start3A_76 = tpu.memref_slice %arg6[%add3A_65, %dma_start3A] : memref<10240x128xf32, #tpu.memory_space<vmem_shared>> -> memref<128x128xf32, #tpu.memory_space<vmem_shared>>
      %dma_start3A_77 = arith.constant 0 : i32
      %dma_start3A_78 = tpu.memref_slice %arg6[%add3A_65, %dma_start3A_77] : memref<10240x128xf32, #tpu.memory_space<vmem_shared>> -> memref<128x128xf32, #tpu.memory_space<vmem_shared>>
      tpu.enqueue_dma source(%dma_start3A_78 : memref<128x128xf32, #tpu.memory_space<vmem_shared>>) target(%arg5 : memref<128x128xf32, #tpu.memory_space<vmem>>) target_semaphore(%run_scoped3A : memref<!tpu.dma_semaphore, #tpu.memory_space<semaphore_mem>>)
      %dma_wait3A = arith.constant 0 : i32
      %dma_wait3A_79 = tpu.memref_slice %arg6[%add3A_65, %dma_wait3A] : memref<10240x128xf32, #tpu.memory_space<vmem_shared>> -> memref<128x128xf32, #tpu.memory_space<vmem_shared>>
      %dma_wait3A_80 = arith.constant 0 : i32
      %dma_wait3A_81 = tpu.memref_slice %arg6[%add3A_65, %dma_wait3A_80] : memref<10240x128xf32, #tpu.memory_space<vmem_shared>> -> memref<128x128xf32, #tpu.memory_space<vmem_shared>>
      tpu.wait_dma2 semaphore(%run_scoped3A : memref<!tpu.dma_semaphore, #tpu.memory_space<semaphore_mem>>) src(%dma_wait3A_81 : memref<128x128xf32, #tpu.memory_space<vmem_shared>>) dst(%arg5 : memref<128x128xf32, #tpu.memory_space<vmem>>)
      tpu.yield
    }) : () -> ()
    %mul3A_66 = arith.constant 10240 : i32
    %mul3A_67 = arith.muli %arg0, %mul3A_66 : i32
    %add3A_68 = arith.addi %mul3A_67, %add3A_65 : i32
    "tpu.region"() ({
      %run_scoped3A = tpu.sem_alloc : memref<!tpu.dma_semaphore, #tpu.memory_space<semaphore_mem>>
      %dma_start3A = arith.constant 0 : i32
      %dma_start3A_76 = tpu.memref_slice %arg3[%add3A_68, %dma_start3A] : memref<20480x128xf32, #tpu.memory_space<hbm>> -> memref<128x128xf32, #tpu.memory_space<hbm>>
      %dma_start3A_77 = arith.constant 0 : i32
      %dma_start3A_78 = tpu.memref_slice %arg3[%add3A_68, %dma_start3A_77] : memref<20480x128xf32, #tpu.memory_space<hbm>> -> memref<128x128xf32, #tpu.memory_space<hbm>>
      tpu.enqueue_dma source(%arg5 : memref<128x128xf32, #tpu.memory_space<vmem>>) target(%dma_start3A_78 : memref<128x128xf32, #tpu.memory_space<hbm>>) target_semaphore(%run_scoped3A : memref<!tpu.dma_semaphore, #tpu.memory_space<semaphore_mem>>)
      %dma_wait3A = arith.constant 0 : i32
      %dma_wait3A_79 = tpu.memref_slice %arg3[%add3A_68, %dma_wait3A] : memref<20480x128xf32, #tpu.memory_space<hbm>> -> memref<128x128xf32, #tpu.memory_space<hbm>>
      %dma_wait3A_80 = arith.constant 0 : i32
      %dma_wait3A_81 = tpu.memref_slice %arg3[%add3A_68, %dma_wait3A_80] : memref<20480x128xf32, #tpu.memory_space<hbm>> -> memref<128x128xf32, #tpu.memory_space<hbm>>
      tpu.wait_dma2 semaphore(%run_scoped3A : memref<!tpu.dma_semaphore, #tpu.memory_space<semaphore_mem>>) src(%arg5 : memref<128x128xf32, #tpu.memory_space<vmem>>) dst(%dma_wait3A_81 : memref<128x128xf32, #tpu.memory_space<hbm>>)
      tpu.yield
    }) : () -> ()
    %mul3A_69 = arith.constant 640 : i32
    %mul3A_70 = arith.muli %arg1, %mul3A_69 : i32
    %add3A_71 = arith.constant 512 : i32
    %add3A_72 = arith.addi %mul3A_70, %add3A_71 : i32
    "tpu.region"() ({
      %run_scoped3A = tpu.sem_alloc : memref<!tpu.dma_semaphore, #tpu.memory_space<semaphore_mem>>
      %dma_start3A = arith.constant 0 : i32
      %dma_start3A_76 = tpu.memref_slice %arg6[%add3A_72, %dma_start3A] : memref<10240x128xf32, #tpu.memory_space<vmem_shared>> -> memref<128x128xf32, #tpu.memory_space<vmem_shared>>
      %dma_start3A_77 = arith.constant 0 : i32
      %dma_start3A_78 = tpu.memref_slice %arg6[%add3A_72, %dma_start3A_77] : memref<10240x128xf32, #tpu.memory_space<vmem_shared>> -> memref<128x128xf32, #tpu.memory_space<vmem_shared>>
      tpu.enqueue_dma source(%dma_start3A_78 : memref<128x128xf32, #tpu.memory_space<vmem_shared>>) target(%arg5 : memref<128x128xf32, #tpu.memory_space<vmem>>) target_semaphore(%run_scoped3A : memref<!tpu.dma_semaphore, #tpu.memory_space<semaphore_mem>>)
      %dma_wait3A = arith.constant 0 : i32
      %dma_wait3A_79 = tpu.memref_slice %arg6[%add3A_72, %dma_wait3A] : memref<10240x128xf32, #tpu.memory_space<vmem_shared>> -> memref<128x128xf32, #tpu.memory_space<vmem_shared>>
      %dma_wait3A_80 = arith.constant 0 : i32
      %dma_wait3A_81 = tpu.memref_slice %arg6[%add3A_72, %dma_wait3A_80] : memref<10240x128xf32, #tpu.memory_space<vmem_shared>> -> memref<128x128xf32, #tpu.memory_space<vmem_shared>>
      tpu.wait_dma2 semaphore(%run_scoped3A : memref<!tpu.dma_semaphore, #tpu.memory_space<semaphore_mem>>) src(%dma_wait3A_81 : memref<128x128xf32, #tpu.memory_space<vmem_shared>>) dst(%arg5 : memref<128x128xf32, #tpu.memory_space<vmem>>)
      tpu.yield
    }) : () -> ()
    %mul3A_73 = arith.constant 10240 : i32
    %mul3A_74 = arith.muli %arg0, %mul3A_73 : i32
    %add3A_75 = arith.addi %mul3A_74, %add3A_72 : i32
    "tpu.region"() ({
      %run_scoped3A = tpu.sem_alloc : memref<!tpu.dma_semaphore, #tpu.memory_space<semaphore_mem>>
      %dma_start3A = arith.constant 0 : i32
      %dma_start3A_76 = tpu.memref_slice %arg3[%add3A_75, %dma_start3A] : memref<20480x128xf32, #tpu.memory_space<hbm>> -> memref<128x128xf32, #tpu.memory_space<hbm>>
      %dma_start3A_77 = arith.constant 0 : i32
      %dma_start3A_78 = tpu.memref_slice %arg3[%add3A_75, %dma_start3A_77] : memref<20480x128xf32, #tpu.memory_space<hbm>> -> memref<128x128xf32, #tpu.memory_space<hbm>>
      tpu.enqueue_dma source(%arg5 : memref<128x128xf32, #tpu.memory_space<vmem>>) target(%dma_start3A_78 : memref<128x128xf32, #tpu.memory_space<hbm>>) target_semaphore(%run_scoped3A : memref<!tpu.dma_semaphore, #tpu.memory_space<semaphore_mem>>)
      %dma_wait3A = arith.constant 0 : i32
      %dma_wait3A_79 = tpu.memref_slice %arg3[%add3A_75, %dma_wait3A] : memref<20480x128xf32, #tpu.memory_space<hbm>> -> memref<128x128xf32, #tpu.memory_space<hbm>>
      %dma_wait3A_80 = arith.constant 0 : i32
      %dma_wait3A_81 = tpu.memref_slice %arg3[%add3A_75, %dma_wait3A_80] : memref<20480x128xf32, #tpu.memory_space<hbm>> -> memref<128x128xf32, #tpu.memory_space<hbm>>
      tpu.wait_dma2 semaphore(%run_scoped3A : memref<!tpu.dma_semaphore, #tpu.memory_space<semaphore_mem>>) src(%arg5 : memref<128x128xf32, #tpu.memory_space<vmem>>) dst(%dma_wait3A_81 : memref<128x128xf32, #tpu.memory_space<hbm>>)
      tpu.yield
    }) : () -> ()
    return
  }
}

#map = affine_map<(d0, d1) -> (0, 0)>
#map1 = affine_map<(d0, d1) -> (0)>
module attributes {stable_mosaic.version = 14 : i64} {
  func.func @_agg_body(%arg0: i32, %arg1: i32, %arg2: memref<10000x128xf32, #tpu.memory_space<hbm>>, %arg3: memref<327680xi32, #tpu.memory_space<hbm>>, %arg4: memref<327680xi32, #tpu.memory_space<hbm>>, %arg5: memref<20480x128xf32, #tpu.memory_space<hbm>>, %arg6: memref<128xi32, #tpu.memory_space<vmem>>, %arg7: memref<128xi32, #tpu.memory_space<vmem>>, %arg8: memref<128xi32, #tpu.memory_space<vmem>>, %arg9: memref<128xi32, #tpu.memory_space<vmem>>, %arg10: memref<128x128xf32, #tpu.memory_space<vmem>>, %arg11: memref<128x128xf32, #tpu.memory_space<vmem>>, %arg12: memref<10240x128xf32, #tpu.memory_space<vmem_shared>>, %arg13: memref<!tpu.dma_semaphore, #tpu.memory_space<semaphore_mem>>, %arg14: memref<!tpu.dma_semaphore, #tpu.memory_space<semaphore_mem>>, %arg15: memref<!tpu.dma_semaphore, #tpu.memory_space<semaphore_mem>>, %arg16: memref<!tpu.dma_semaphore, #tpu.memory_space<semaphore_mem>>) attributes {dimension_semantics = [#tpu.dimension_semantics<core_parallel>, #tpu.dimension_semantics<subcore_parallel>], iteration_bounds = array<i64: 2, 16>, scalar_prefetch = 0 : i64, scratch_operands = 11 : i64, tpu.core_type = #tpu.core_type<sc_vector_subcore>, window_params = [{transform_indices = #map}, {transform_indices = #map1}, {transform_indices = #map1}, {transform_indices = #map}]} {
    %mul3A = arith.constant 16 : i32
    %mul3A_0 = arith.muli %arg0, %mul3A : i32
    %add3A = arith.addi %mul3A_0, %arg1 : i32
    %scan3A = arith.constant 0 : i32
    %scan3A_1 = arith.constant 0 : i32
    %scan3A_2 = arith.constant 128 : i32
    %scan3A_3 = arith.addi %scan3A_1, %scan3A_2 : i32
    %scan3A_4 = arith.constant 1 : i32
    scf.for %scan3A_36 = %scan3A_1 to %scan3A_3 step %scan3A_4  : i32 {
      %broadcast_in_dim3A = arith.constant 0.000000e+00 : f32
      %broadcast_in_dim3A_37 = vector.broadcast %broadcast_in_dim3A : f32 to vector<16xf32>
      %swap3A = arith.index_cast %scan3A_36 : i32 to index
      %swap3A_38 = arith.constant 0 : index
      %swap3A_39 = tpu.vector_load %arg10[%swap3A, %swap3A_38] {strides = array<i32>} : memref<128x128xf32, #tpu.memory_space<vmem>>, vector<1x16xf32>,
      %swap3A_40 = vector.shape_cast %swap3A_39 : vector<1x16xf32> to vector<16xf32>
      %swap3A_41 = vector.shape_cast %broadcast_in_dim3A_37 : vector<16xf32> to vector<1x16xf32>
      tpu.vector_store %arg10[%swap3A, %swap3A_38], %swap3A_41 {strides = array<i32>} : memref<128x128xf32, #tpu.memory_space<vmem>>, vector<1x16xf32>,
      %broadcast_in_dim3A_42 = arith.constant 0.000000e+00 : f32
      %broadcast_in_dim3A_43 = vector.broadcast %broadcast_in_dim3A_42 : f32 to vector<16xf32>
      %swap3A_44 = arith.index_cast %scan3A_36 : i32 to index
      %swap3A_45 = arith.constant 16 : index
      %swap3A_46 = tpu.vector_load %arg10[%swap3A_44, %swap3A_45] {strides = array<i32>} : memref<128x128xf32, #tpu.memory_space<vmem>>, vector<1x16xf32>,
      %swap3A_47 = vector.shape_cast %swap3A_46 : vector<1x16xf32> to vector<16xf32>
      %swap3A_48 = vector.shape_cast %broadcast_in_dim3A_43 : vector<16xf32> to vector<1x16xf32>
      tpu.vector_store %arg10[%swap3A_44, %swap3A_45], %swap3A_48 {strides = array<i32>} : memref<128x128xf32, #tpu.memory_space<vmem>>, vector<1x16xf32>,
      %broadcast_in_dim3A_49 = arith.constant 0.000000e+00 : f32
      %broadcast_in_dim3A_50 = vector.broadcast %broadcast_in_dim3A_49 : f32 to vector<16xf32>
      %swap3A_51 = arith.index_cast %scan3A_36 : i32 to index
      %swap3A_52 = arith.constant 32 : index
      %swap3A_53 = tpu.vector_load %arg10[%swap3A_51, %swap3A_52] {strides = array<i32>} : memref<128x128xf32, #tpu.memory_space<vmem>>, vector<1x16xf32>,
      %swap3A_54 = vector.shape_cast %swap3A_53 : vector<1x16xf32> to vector<16xf32>
      %swap3A_55 = vector.shape_cast %broadcast_in_dim3A_50 : vector<16xf32> to vector<1x16xf32>
      tpu.vector_store %arg10[%swap3A_51, %swap3A_52], %swap3A_55 {strides = array<i32>} : memref<128x128xf32, #tpu.memory_space<vmem>>, vector<1x16xf32>,
      %broadcast_in_dim3A_56 = arith.constant 0.000000e+00 : f32
      %broadcast_in_dim3A_57 = vector.broadcast %broadcast_in_dim3A_56 : f32 to vector<16xf32>
      %swap3A_58 = arith.index_cast %scan3A_36 : i32 to index
      %swap3A_59 = arith.constant 48 : index
      %swap3A_60 = tpu.vector_load %arg10[%swap3A_58, %swap3A_59] {strides = array<i32>} : memref<128x128xf32, #tpu.memory_space<vmem>>, vector<1x16xf32>,
      %swap3A_61 = vector.shape_cast %swap3A_60 : vector<1x16xf32> to vector<16xf32>
      %swap3A_62 = vector.shape_cast %broadcast_in_dim3A_57 : vector<16xf32> to vector<1x16xf32>
      tpu.vector_store %arg10[%swap3A_58, %swap3A_59], %swap3A_62 {strides = array<i32>} : memref<128x128xf32, #tpu.memory_space<vmem>>, vector<1x16xf32>,
      %broadcast_in_dim3A_63 = arith.constant 0.000000e+00 : f32
      %broadcast_in_dim3A_64 = vector.broadcast %broadcast_in_dim3A_63 : f32 to vector<16xf32>
      %swap3A_65 = arith.index_cast %scan3A_36 : i32 to index
      %swap3A_66 = arith.constant 64 : index
      %swap3A_67 = tpu.vector_load %arg10[%swap3A_65, %swap3A_66] {strides = array<i32>} : memref<128x128xf32, #tpu.memory_space<vmem>>, vector<1x16xf32>,
      %swap3A_68 = vector.shape_cast %swap3A_67 : vector<1x16xf32> to vector<16xf32>
      %swap3A_69 = vector.shape_cast %broadcast_in_dim3A_64 : vector<16xf32> to vector<1x16xf32>
      tpu.vector_store %arg10[%swap3A_65, %swap3A_66], %swap3A_69 {strides = array<i32>} : memref<128x128xf32, #tpu.memory_space<vmem>>, vector<1x16xf32>,
      %broadcast_in_dim3A_70 = arith.constant 0.000000e+00 : f32
      %broadcast_in_dim3A_71 = vector.broadcast %broadcast_in_dim3A_70 : f32 to vector<16xf32>
      %swap3A_72 = arith.index_cast %scan3A_36 : i32 to index
      %swap3A_73 = arith.constant 80 : index
      %swap3A_74 = tpu.vector_load %arg10[%swap3A_72, %swap3A_73] {strides = array<i32>} : memref<128x128xf32, #tpu.memory_space<vmem>>, vector<1x16xf32>,
      %swap3A_75 = vector.shape_cast %swap3A_74 : vector<1x16xf32> to vector<16xf32>
      %swap3A_76 = vector.shape_cast %broadcast_in_dim3A_71 : vector<16xf32> to vector<1x16xf32>
      tpu.vector_store %arg10[%swap3A_72, %swap3A_73], %swap3A_76 {strides = array<i32>} : memref<128x128xf32, #tpu.memory_space<vmem>>, vector<1x16xf32>,
      %broadcast_in_dim3A_77 = arith.constant 0.000000e+00 : f32
      %broadcast_in_dim3A_78 = vector.broadcast %broadcast_in_dim3A_77 : f32 to vector<16xf32>
      %swap3A_79 = arith.index_cast %scan3A_36 : i32 to index
      %swap3A_80 = arith.constant 96 : index
      %swap3A_81 = tpu.vector_load %arg10[%swap3A_79, %swap3A_80] {strides = array<i32>} : memref<128x128xf32, #tpu.memory_space<vmem>>, vector<1x16xf32>,
      %swap3A_82 = vector.shape_cast %swap3A_81 : vector<1x16xf32> to vector<16xf32>
      %swap3A_83 = vector.shape_cast %broadcast_in_dim3A_78 : vector<16xf32> to vector<1x16xf32>
      tpu.vector_store %arg10[%swap3A_79, %swap3A_80], %swap3A_83 {strides = array<i32>} : memref<128x128xf32, #tpu.memory_space<vmem>>, vector<1x16xf32>,
      %broadcast_in_dim3A_84 = arith.constant 0.000000e+00 : f32
      %broadcast_in_dim3A_85 = vector.broadcast %broadcast_in_dim3A_84 : f32 to vector<16xf32>
      %swap3A_86 = arith.index_cast %scan3A_36 : i32 to index
      %swap3A_87 = arith.constant 112 : index
      %swap3A_88 = tpu.vector_load %arg10[%swap3A_86, %swap3A_87] {strides = array<i32>} : memref<128x128xf32, #tpu.memory_space<vmem>>, vector<1x16xf32>,
      %swap3A_89 = vector.shape_cast %swap3A_88 : vector<1x16xf32> to vector<16xf32>
      %swap3A_90 = vector.shape_cast %broadcast_in_dim3A_85 : vector<16xf32> to vector<1x16xf32>
      tpu.vector_store %arg10[%swap3A_86, %swap3A_87], %swap3A_90 {strides = array<i32>} : memref<128x128xf32, #tpu.memory_space<vmem>>, vector<1x16xf32>,
    }
    %scan3A_5 = arith.constant 128 : i32
    %scan3A_6 = arith.constant 0 : i32
    %scan3A_7 = arith.constant 0 : i32
    %scan3A_8 = arith.constant 5 : i32
    %scan3A_9 = arith.addi %scan3A_7, %scan3A_8 : i32
    %scan3A_10 = arith.constant 1 : i32
    scf.for %scan3A_36 = %scan3A_7 to %scan3A_9 step %scan3A_10  : i32 {
      %mul3A_37 = arith.constant 640 : i32
      %mul3A_38 = arith.muli %arg1, %mul3A_37 : i32
      %mul3A_39 = arith.constant 128 : i32
      %mul3A_40 = arith.muli %scan3A_36, %mul3A_39 : i32
      %add3A_41 = arith.addi %mul3A_38, %mul3A_40 : i32
      "tpu.region"() ({
        %run_scoped3A = tpu.sem_alloc : memref<!tpu.dma_semaphore, #tpu.memory_space<semaphore_mem>>
        %dma_start3A_42 = arith.constant 0 : i32
        %dma_start3A_43 = tpu.memref_slice %arg12[%add3A_41, %dma_start3A_42] : memref<10240x128xf32, #tpu.memory_space<vmem_shared>> -> memref<128x128xf32, #tpu.memory_space<vmem_shared>>
        %dma_start3A_44 = arith.constant 0 : i32
        %dma_start3A_45 = tpu.memref_slice %arg12[%add3A_41, %dma_start3A_44] : memref<10240x128xf32, #tpu.memory_space<vmem_shared>> -> memref<128x128xf32, #tpu.memory_space<vmem_shared>>
        tpu.enqueue_dma source(%arg10 : memref<128x128xf32, #tpu.memory_space<vmem>>) target(%dma_start3A_45 : memref<128x128xf32, #tpu.memory_space<vmem_shared>>) target_semaphore(%run_scoped3A : memref<!tpu.dma_semaphore, #tpu.memory_space<semaphore_mem>>)
        %dma_wait3A = arith.constant 0 : i32
        %dma_wait3A_46 = tpu.memref_slice %arg12[%add3A_41, %dma_wait3A] : memref<10240x128xf32, #tpu.memory_space<vmem_shared>> -> memref<128x128xf32, #tpu.memory_space<vmem_shared>>
        %dma_wait3A_47 = arith.constant 0 : i32
        %dma_wait3A_48 = tpu.memref_slice %arg12[%add3A_41, %dma_wait3A_47] : memref<10240x128xf32, #tpu.memory_space<vmem_shared>> -> memref<128x128xf32, #tpu.memory_space<vmem_shared>>
        tpu.wait_dma2 semaphore(%run_scoped3A : memref<!tpu.dma_semaphore, #tpu.memory_space<semaphore_mem>>) src(%arg10 : memref<128x128xf32, #tpu.memory_space<vmem>>) dst(%dma_wait3A_48 : memref<128x128xf32, #tpu.memory_space<vmem_shared>>)
        tpu.yield
      }) : () -> ()
    }
    %scan3A_11 = arith.constant 5 : i32
    %barrier3A = arith.constant 0 : index
    tpu.barrier barrier_id(%barrier3A)
    %mul3A_12 = arith.constant 10240 : i32
    %mul3A_13 = arith.muli %add3A, %mul3A_12 : i32
    %add3A_14 = arith.constant 0 : i32
    %add3A_15 = arith.addi %mul3A_13, %add3A_14 : i32
    "tpu.region"() ({
      %run_scoped3A = tpu.sem_alloc : memref<!tpu.dma_semaphore, #tpu.memory_space<semaphore_mem>>
      %dma_start3A_36 = tpu.memref_slice %arg3[%add3A_15] : memref<327680xi32, #tpu.memory_space<hbm>> -> memref<128xi32, #tpu.memory_space<hbm>>
      %dma_start3A_37 = tpu.memref_slice %arg3[%add3A_15] : memref<327680xi32, #tpu.memory_space<hbm>> -> memref<128xi32, #tpu.memory_space<hbm>>
      tpu.enqueue_dma source(%dma_start3A_37 : memref<128xi32, #tpu.memory_space<hbm>>) target(%arg6 : memref<128xi32, #tpu.memory_space<vmem>>) target_semaphore(%run_scoped3A : memref<!tpu.dma_semaphore, #tpu.memory_space<semaphore_mem>>)
      %dma_wait3A = tpu.memref_slice %arg3[%add3A_15] : memref<327680xi32, #tpu.memory_space<hbm>> -> memref<128xi32, #tpu.memory_space<hbm>>
      %dma_wait3A_38 = tpu.memref_slice %arg3[%add3A_15] : memref<327680xi32, #tpu.memory_space<hbm>> -> memref<128xi32, #tpu.memory_space<hbm>>
      tpu.wait_dma2 semaphore(%run_scoped3A : memref<!tpu.dma_semaphore, #tpu.memory_space<semaphore_mem>>) src(%dma_wait3A_38 : memref<128xi32, #tpu.memory_space<hbm>>) dst(%arg6 : memref<128xi32, #tpu.memory_space<vmem>>)
      tpu.yield
    }) : () -> ()
    "tpu.region"() ({
      %run_scoped3A = tpu.sem_alloc : memref<!tpu.dma_semaphore, #tpu.memory_space<semaphore_mem>>
      %dma_start3A_36 = tpu.memref_slice %arg4[%add3A_15] : memref<327680xi32, #tpu.memory_space<hbm>> -> memref<128xi32, #tpu.memory_space<hbm>>
      %dma_start3A_37 = tpu.memref_slice %arg4[%add3A_15] : memref<327680xi32, #tpu.memory_space<hbm>> -> memref<128xi32, #tpu.memory_space<hbm>>
      tpu.enqueue_dma source(%dma_start3A_37 : memref<128xi32, #tpu.memory_space<hbm>>) target(%arg8 : memref<128xi32, #tpu.memory_space<vmem>>) target_semaphore(%run_scoped3A : memref<!tpu.dma_semaphore, #tpu.memory_space<semaphore_mem>>)
      %dma_wait3A = tpu.memref_slice %arg4[%add3A_15] : memref<327680xi32, #tpu.memory_space<hbm>> -> memref<128xi32, #tpu.memory_space<hbm>>
      %dma_wait3A_38 = tpu.memref_slice %arg4[%add3A_15] : memref<327680xi32, #tpu.memory_space<hbm>> -> memref<128xi32, #tpu.memory_space<hbm>>
      tpu.wait_dma2 semaphore(%run_scoped3A : memref<!tpu.dma_semaphore, #tpu.memory_space<semaphore_mem>>) src(%dma_wait3A_38 : memref<128xi32, #tpu.memory_space<hbm>>) dst(%arg8 : memref<128xi32, #tpu.memory_space<vmem>>)
      tpu.yield
    }) : () -> ()
    %dma_start3A = arith.constant 0 : i32
    %dma_start3A_16 = arith.constant 0 : i32
    %dma_start3A_17 = tpu.memref_slice %arg2[%dma_start3A, %dma_start3A_16] : memref<10000x128xf32, #tpu.memory_space<hbm>> -> memref<10000x128xf32, #tpu.memory_space<hbm>>
    tpu.enqueue_indirect_dma source(%dma_start3A_17 : memref<10000x128xf32, #tpu.memory_space<hbm>>) target(%arg10 : memref<128x128xf32, #tpu.memory_space<vmem>>) offsets(%arg6 : memref<128xi32, #tpu.memory_space<vmem>>) semaphore(%arg13 : memref<!tpu.dma_semaphore, #tpu.memory_space<semaphore_mem>>)
    %add3A_18 = arith.constant 128 : i32
    %add3A_19 = arith.addi %mul3A_13, %add3A_18 : i32
    "tpu.region"() ({
      %run_scoped3A = tpu.sem_alloc : memref<!tpu.dma_semaphore, #tpu.memory_space<semaphore_mem>>
      %dma_start3A_36 = tpu.memref_slice %arg3[%add3A_19] : memref<327680xi32, #tpu.memory_space<hbm>> -> memref<128xi32, #tpu.memory_space<hbm>>
      %dma_start3A_37 = tpu.memref_slice %arg3[%add3A_19] : memref<327680xi32, #tpu.memory_space<hbm>> -> memref<128xi32, #tpu.memory_space<hbm>>
      tpu.enqueue_dma source(%dma_start3A_37 : memref<128xi32, #tpu.memory_space<hbm>>) target(%arg7 : memref<128xi32, #tpu.memory_space<vmem>>) target_semaphore(%run_scoped3A : memref<!tpu.dma_semaphore, #tpu.memory_space<semaphore_mem>>)
      %dma_wait3A = tpu.memref_slice %arg3[%add3A_19] : memref<327680xi32, #tpu.memory_space<hbm>> -> memref<128xi32, #tpu.memory_space<hbm>>
      %dma_wait3A_38 = tpu.memref_slice %arg3[%add3A_19] : memref<327680xi32, #tpu.memory_space<hbm>> -> memref<128xi32, #tpu.memory_space<hbm>>
      tpu.wait_dma2 semaphore(%run_scoped3A : memref<!tpu.dma_semaphore, #tpu.memory_space<semaphore_mem>>) src(%dma_wait3A_38 : memref<128xi32, #tpu.memory_space<hbm>>) dst(%arg7 : memref<128xi32, #tpu.memory_space<vmem>>)
      tpu.yield
    }) : () -> ()
    "tpu.region"() ({
      %run_scoped3A = tpu.sem_alloc : memref<!tpu.dma_semaphore, #tpu.memory_space<semaphore_mem>>
      %dma_start3A_36 = tpu.memref_slice %arg4[%add3A_19] : memref<327680xi32, #tpu.memory_space<hbm>> -> memref<128xi32, #tpu.memory_space<hbm>>
      %dma_start3A_37 = tpu.memref_slice %arg4[%add3A_19] : memref<327680xi32, #tpu.memory_space<hbm>> -> memref<128xi32, #tpu.memory_space<hbm>>
      tpu.enqueue_dma source(%dma_start3A_37 : memref<128xi32, #tpu.memory_space<hbm>>) target(%arg9 : memref<128xi32, #tpu.memory_space<vmem>>) target_semaphore(%run_scoped3A : memref<!tpu.dma_semaphore, #tpu.memory_space<semaphore_mem>>)
      %dma_wait3A = tpu.memref_slice %arg4[%add3A_19] : memref<327680xi32, #tpu.memory_space<hbm>> -> memref<128xi32, #tpu.memory_space<hbm>>
      %dma_wait3A_38 = tpu.memref_slice %arg4[%add3A_19] : memref<327680xi32, #tpu.memory_space<hbm>> -> memref<128xi32, #tpu.memory_space<hbm>>
      tpu.wait_dma2 semaphore(%run_scoped3A : memref<!tpu.dma_semaphore, #tpu.memory_space<semaphore_mem>>) src(%dma_wait3A_38 : memref<128xi32, #tpu.memory_space<hbm>>) dst(%arg9 : memref<128xi32, #tpu.memory_space<vmem>>)
      tpu.yield
    }) : () -> ()
    %dma_start3A_20 = arith.constant 0 : i32
    %dma_start3A_21 = arith.constant 0 : i32
    %dma_start3A_22 = tpu.memref_slice %arg2[%dma_start3A_20, %dma_start3A_21] : memref<10000x128xf32, #tpu.memory_space<hbm>> -> memref<10000x128xf32, #tpu.memory_space<hbm>>
    tpu.enqueue_indirect_dma source(%dma_start3A_22 : memref<10000x128xf32, #tpu.memory_space<hbm>>) target(%arg11 : memref<128x128xf32, #tpu.memory_space<vmem>>) offsets(%arg7 : memref<128xi32, #tpu.memory_space<vmem>>) semaphore(%arg14 : memref<!tpu.dma_semaphore, #tpu.memory_space<semaphore_mem>>)
    %scan3A_23 = arith.constant 0 : i32
    %scan3A_24 = arith.constant 0 : i32
    %scan3A_25 = arith.constant 40 : i32
    %scan3A_26 = arith.addi %scan3A_24, %scan3A_25 : i32
    %scan3A_27 = arith.constant 1 : i32
    scf.for %scan3A_36 = %scan3A_24 to %scan3A_26 step %scan3A_27  : i32 {
      %mul3A_37 = arith.constant 2 : i32
      %mul3A_38 = arith.muli %mul3A_37, %scan3A_36 : i32
      %add3A_39 = arith.constant 0 : i32
      %add3A_40 = arith.addi %mul3A_38, %add3A_39 : i32
      %dma_wait3A = arith.constant 0 : i32
      %dma_wait3A_41 = arith.constant 0 : i32
      %dma_wait3A_42 = tpu.memref_slice %arg2[%dma_wait3A, %dma_wait3A_41] : memref<10000x128xf32, #tpu.memory_space<hbm>> -> memref<10000x128xf32, #tpu.memory_space<hbm>>
      tpu.wait_indirect_dma semaphore(%arg13 : memref<!tpu.dma_semaphore, #tpu.memory_space<semaphore_mem>>) src(%dma_wait3A_42 : memref<10000x128xf32, #tpu.memory_space<hbm>>) dst(%arg10 : memref<128x128xf32, #tpu.memory_space<vmem>>)
      %dma_start3A_43 = arith.constant 0 : i32
      %dma_start3A_44 = arith.constant 0 : i32
      %dma_start3A_45 = tpu.memref_slice %arg12[%dma_start3A_43, %dma_start3A_44] : memref<10240x128xf32, #tpu.memory_space<vmem_shared>> -> memref<10240x128xf32, #tpu.memory_space<vmem_shared>>
      tpu.enqueue_indirect_dma source(%arg10 : memref<128x128xf32, #tpu.memory_space<vmem>>) target(%dma_start3A_45 : memref<10240x128xf32, #tpu.memory_space<vmem_shared>>) offsets(%arg8 : memref<128xi32, #tpu.memory_space<vmem>>) semaphore(%arg15 : memref<!tpu.dma_semaphore, #tpu.memory_space<semaphore_mem>>) {add = true}
      %dma_wait3A_46 = arith.constant 0 : i32
      %dma_wait3A_47 = arith.constant 0 : i32
      %dma_wait3A_48 = tpu.memref_slice %arg12[%dma_wait3A_46, %dma_wait3A_47] : memref<10240x128xf32, #tpu.memory_space<vmem_shared>> -> memref<10240x128xf32, #tpu.memory_space<vmem_shared>>
      tpu.wait_indirect_dma semaphore(%arg15 : memref<!tpu.dma_semaphore, #tpu.memory_space<semaphore_mem>>) src(%arg10 : memref<128x128xf32, #tpu.memory_space<vmem>>) dst(%dma_wait3A_48 : memref<10240x128xf32, #tpu.memory_space<vmem_shared>>)
      %add3A_49 = arith.constant 2 : i32
      %add3A_50 = arith.addi %add3A_40, %add3A_49 : i32
      %lt3A = arith.constant 80 : i32
      %lt3A_51 = arith.cmpi slt, %add3A_50, %lt3A : i32
      %convert_element_type3A = arith.extui %lt3A_51 : i1 to i32
      %cond3A = arith.constant 0 : i32
      %cond3A_52 = arith.cmpi ne, %convert_element_type3A, %cond3A : i32
      scf.if %cond3A_52 {
        %add3A_73 = arith.constant 2 : i32
        %add3A_74 = arith.addi %add3A_40, %add3A_73 : i32
        %mul3A_75 = arith.constant 128 : i32
        %mul3A_76 = arith.muli %add3A_74, %mul3A_75 : i32
        %add3A_77 = arith.addi %mul3A_13, %mul3A_76 : i32
        "tpu.region"() ({
          %run_scoped3A = tpu.sem_alloc : memref<!tpu.dma_semaphore, #tpu.memory_space<semaphore_mem>>
          %dma_start3A_81 = tpu.memref_slice %arg3[%add3A_77] : memref<327680xi32, #tpu.memory_space<hbm>> -> memref<128xi32, #tpu.memory_space<hbm>>
          %dma_start3A_82 = tpu.memref_slice %arg3[%add3A_77] : memref<327680xi32, #tpu.memory_space<hbm>> -> memref<128xi32, #tpu.memory_space<hbm>>
          tpu.enqueue_dma source(%dma_start3A_82 : memref<128xi32, #tpu.memory_space<hbm>>) target(%arg6 : memref<128xi32, #tpu.memory_space<vmem>>) target_semaphore(%run_scoped3A : memref<!tpu.dma_semaphore, #tpu.memory_space<semaphore_mem>>)
          %dma_wait3A_83 = tpu.memref_slice %arg3[%add3A_77] : memref<327680xi32, #tpu.memory_space<hbm>> -> memref<128xi32, #tpu.memory_space<hbm>>
          %dma_wait3A_84 = tpu.memref_slice %arg3[%add3A_77] : memref<327680xi32, #tpu.memory_space<hbm>> -> memref<128xi32, #tpu.memory_space<hbm>>
          tpu.wait_dma2 semaphore(%run_scoped3A : memref<!tpu.dma_semaphore, #tpu.memory_space<semaphore_mem>>) src(%dma_wait3A_84 : memref<128xi32, #tpu.memory_space<hbm>>) dst(%arg6 : memref<128xi32, #tpu.memory_space<vmem>>)
          tpu.yield
        }) : () -> ()
        "tpu.region"() ({
          %run_scoped3A = tpu.sem_alloc : memref<!tpu.dma_semaphore, #tpu.memory_space<semaphore_mem>>
          %dma_start3A_81 = tpu.memref_slice %arg4[%add3A_77] : memref<327680xi32, #tpu.memory_space<hbm>> -> memref<128xi32, #tpu.memory_space<hbm>>
          %dma_start3A_82 = tpu.memref_slice %arg4[%add3A_77] : memref<327680xi32, #tpu.memory_space<hbm>> -> memref<128xi32, #tpu.memory_space<hbm>>
          tpu.enqueue_dma source(%dma_start3A_82 : memref<128xi32, #tpu.memory_space<hbm>>) target(%arg8 : memref<128xi32, #tpu.memory_space<vmem>>) target_semaphore(%run_scoped3A : memref<!tpu.dma_semaphore, #tpu.memory_space<semaphore_mem>>)
          %dma_wait3A_83 = tpu.memref_slice %arg4[%add3A_77] : memref<327680xi32, #tpu.memory_space<hbm>> -> memref<128xi32, #tpu.memory_space<hbm>>
          %dma_wait3A_84 = tpu.memref_slice %arg4[%add3A_77] : memref<327680xi32, #tpu.memory_space<hbm>> -> memref<128xi32, #tpu.memory_space<hbm>>
          tpu.wait_dma2 semaphore(%run_scoped3A : memref<!tpu.dma_semaphore, #tpu.memory_space<semaphore_mem>>) src(%dma_wait3A_84 : memref<128xi32, #tpu.memory_space<hbm>>) dst(%arg8 : memref<128xi32, #tpu.memory_space<vmem>>)
          tpu.yield
        }) : () -> ()
        %dma_start3A_78 = arith.constant 0 : i32
        %dma_start3A_79 = arith.constant 0 : i32
        %dma_start3A_80 = tpu.memref_slice %arg2[%dma_start3A_78, %dma_start3A_79] : memref<10000x128xf32, #tpu.memory_space<hbm>> -> memref<10000x128xf32, #tpu.memory_space<hbm>>
        tpu.enqueue_indirect_dma source(%dma_start3A_80 : memref<10000x128xf32, #tpu.memory_space<hbm>>) target(%arg10 : memref<128x128xf32, #tpu.memory_space<vmem>>) offsets(%arg6 : memref<128xi32, #tpu.memory_space<vmem>>) semaphore(%arg13 : memref<!tpu.dma_semaphore, #tpu.memory_space<semaphore_mem>>)
      } else {
      }
      %mul3A_53 = arith.constant 2 : i32
      %mul3A_54 = arith.muli %mul3A_53, %scan3A_36 : i32
      %add3A_55 = arith.constant 1 : i32
      %add3A_56 = arith.addi %mul3A_54, %add3A_55 : i32
      %dma_wait3A_57 = arith.constant 0 : i32
      %dma_wait3A_58 = arith.constant 0 : i32
      %dma_wait3A_59 = tpu.memref_slice %arg2[%dma_wait3A_57, %dma_wait3A_58] : memref<10000x128xf32, #tpu.memory_space<hbm>> -> memref<10000x128xf32, #tpu.memory_space<hbm>>
      tpu.wait_indirect_dma semaphore(%arg14 : memref<!tpu.dma_semaphore, #tpu.memory_space<semaphore_mem>>) src(%dma_wait3A_59 : memref<10000x128xf32, #tpu.memory_space<hbm>>) dst(%arg11 : memref<128x128xf32, #tpu.memory_space<vmem>>)
      %dma_start3A_60 = arith.constant 0 : i32
      %dma_start3A_61 = arith.constant 0 : i32
      %dma_start3A_62 = tpu.memref_slice %arg12[%dma_start3A_60, %dma_start3A_61] : memref<10240x128xf32, #tpu.memory_space<vmem_shared>> -> memref<10240x128xf32, #tpu.memory_space<vmem_shared>>
      tpu.enqueue_indirect_dma source(%arg11 : memref<128x128xf32, #tpu.memory_space<vmem>>) target(%dma_start3A_62 : memref<10240x128xf32, #tpu.memory_space<vmem_shared>>) offsets(%arg9 : memref<128xi32, #tpu.memory_space<vmem>>) semaphore(%arg16 : memref<!tpu.dma_semaphore, #tpu.memory_space<semaphore_mem>>) {add = true}
      %dma_wait3A_63 = arith.constant 0 : i32
      %dma_wait3A_64 = arith.constant 0 : i32
      %dma_wait3A_65 = tpu.memref_slice %arg12[%dma_wait3A_63, %dma_wait3A_64] : memref<10240x128xf32, #tpu.memory_space<vmem_shared>> -> memref<10240x128xf32, #tpu.memory_space<vmem_shared>>
      tpu.wait_indirect_dma semaphore(%arg16 : memref<!tpu.dma_semaphore, #tpu.memory_space<semaphore_mem>>) src(%arg11 : memref<128x128xf32, #tpu.memory_space<vmem>>) dst(%dma_wait3A_65 : memref<10240x128xf32, #tpu.memory_space<vmem_shared>>)
      %add3A_66 = arith.constant 2 : i32
      %add3A_67 = arith.addi %add3A_56, %add3A_66 : i32
      %lt3A_68 = arith.constant 80 : i32
      %lt3A_69 = arith.cmpi slt, %add3A_67, %lt3A_68 : i32
      %convert_element_type3A_70 = arith.extui %lt3A_69 : i1 to i32
      %cond3A_71 = arith.constant 0 : i32
      %cond3A_72 = arith.cmpi ne, %convert_element_type3A_70, %cond3A_71 : i32
      scf.if %cond3A_72 {
        %add3A_73 = arith.constant 2 : i32
        %add3A_74 = arith.addi %add3A_56, %add3A_73 : i32
        %mul3A_75 = arith.constant 128 : i32
        %mul3A_76 = arith.muli %add3A_74, %mul3A_75 : i32
        %add3A_77 = arith.addi %mul3A_13, %mul3A_76 : i32
        "tpu.region"() ({
          %run_scoped3A = tpu.sem_alloc : memref<!tpu.dma_semaphore, #tpu.memory_space<semaphore_mem>>
          %dma_start3A_81 = tpu.memref_slice %arg3[%add3A_77] : memref<327680xi32, #tpu.memory_space<hbm>> -> memref<128xi32, #tpu.memory_space<hbm>>
          %dma_start3A_82 = tpu.memref_slice %arg3[%add3A_77] : memref<327680xi32, #tpu.memory_space<hbm>> -> memref<128xi32, #tpu.memory_space<hbm>>
          tpu.enqueue_dma source(%dma_start3A_82 : memref<128xi32, #tpu.memory_space<hbm>>) target(%arg7 : memref<128xi32, #tpu.memory_space<vmem>>) target_semaphore(%run_scoped3A : memref<!tpu.dma_semaphore, #tpu.memory_space<semaphore_mem>>)
          %dma_wait3A_83 = tpu.memref_slice %arg3[%add3A_77] : memref<327680xi32, #tpu.memory_space<hbm>> -> memref<128xi32, #tpu.memory_space<hbm>>
          %dma_wait3A_84 = tpu.memref_slice %arg3[%add3A_77] : memref<327680xi32, #tpu.memory_space<hbm>> -> memref<128xi32, #tpu.memory_space<hbm>>
          tpu.wait_dma2 semaphore(%run_scoped3A : memref<!tpu.dma_semaphore, #tpu.memory_space<semaphore_mem>>) src(%dma_wait3A_84 : memref<128xi32, #tpu.memory_space<hbm>>) dst(%arg7 : memref<128xi32, #tpu.memory_space<vmem>>)
          tpu.yield
        }) : () -> ()
        "tpu.region"() ({
          %run_scoped3A = tpu.sem_alloc : memref<!tpu.dma_semaphore, #tpu.memory_space<semaphore_mem>>
          %dma_start3A_81 = tpu.memref_slice %arg4[%add3A_77] : memref<327680xi32, #tpu.memory_space<hbm>> -> memref<128xi32, #tpu.memory_space<hbm>>
          %dma_start3A_82 = tpu.memref_slice %arg4[%add3A_77] : memref<327680xi32, #tpu.memory_space<hbm>> -> memref<128xi32, #tpu.memory_space<hbm>>
          tpu.enqueue_dma source(%dma_start3A_82 : memref<128xi32, #tpu.memory_space<hbm>>) target(%arg9 : memref<128xi32, #tpu.memory_space<vmem>>) target_semaphore(%run_scoped3A : memref<!tpu.dma_semaphore, #tpu.memory_space<semaphore_mem>>)
          %dma_wait3A_83 = tpu.memref_slice %arg4[%add3A_77] : memref<327680xi32, #tpu.memory_space<hbm>> -> memref<128xi32, #tpu.memory_space<hbm>>
          %dma_wait3A_84 = tpu.memref_slice %arg4[%add3A_77] : memref<327680xi32, #tpu.memory_space<hbm>> -> memref<128xi32, #tpu.memory_space<hbm>>
          tpu.wait_dma2 semaphore(%run_scoped3A : memref<!tpu.dma_semaphore, #tpu.memory_space<semaphore_mem>>) src(%dma_wait3A_84 : memref<128xi32, #tpu.memory_space<hbm>>) dst(%arg9 : memref<128xi32, #tpu.memory_space<vmem>>)
          tpu.yield
        }) : () -> ()
        %dma_start3A_78 = arith.constant 0 : i32
        %dma_start3A_79 = arith.constant 0 : i32
        %dma_start3A_80 = tpu.memref_slice %arg2[%dma_start3A_78, %dma_start3A_79] : memref<10000x128xf32, #tpu.memory_space<hbm>> -> memref<10000x128xf32, #tpu.memory_space<hbm>>
        tpu.enqueue_indirect_dma source(%dma_start3A_80 : memref<10000x128xf32, #tpu.memory_space<hbm>>) target(%arg11 : memref<128x128xf32, #tpu.memory_space<vmem>>) offsets(%arg7 : memref<128xi32, #tpu.memory_space<vmem>>) semaphore(%arg14 : memref<!tpu.dma_semaphore, #tpu.memory_space<semaphore_mem>>)
      } else {
      }
    }
    %scan3A_28 = arith.constant 40 : i32
    %barrier3A_29 = arith.constant 0 : index
    tpu.barrier barrier_id(%barrier3A_29)
    %scan3A_30 = arith.constant 0 : i32
    %scan3A_31 = arith.constant 0 : i32
    %scan3A_32 = arith.constant 5 : i32
    %scan3A_33 = arith.addi %scan3A_31, %scan3A_32 : i32
    %scan3A_34 = arith.constant 1 : i32
    scf.for %scan3A_36 = %scan3A_31 to %scan3A_33 step %scan3A_34  : i32 {
      %mul3A_37 = arith.constant 640 : i32
      %mul3A_38 = arith.muli %arg1, %mul3A_37 : i32
      %mul3A_39 = arith.constant 128 : i32
      %mul3A_40 = arith.muli %scan3A_36, %mul3A_39 : i32
      %add3A_41 = arith.addi %mul3A_38, %mul3A_40 : i32
      "tpu.region"() ({
        %run_scoped3A = tpu.sem_alloc : memref<!tpu.dma_semaphore, #tpu.memory_space<semaphore_mem>>
        %dma_start3A_45 = arith.constant 0 : i32
        %dma_start3A_46 = tpu.memref_slice %arg12[%add3A_41, %dma_start3A_45] : memref<10240x128xf32, #tpu.memory_space<vmem_shared>> -> memref<128x128xf32, #tpu.memory_space<vmem_shared>>
        %dma_start3A_47 = arith.constant 0 : i32
        %dma_start3A_48 = tpu.memref_slice %arg12[%add3A_41, %dma_start3A_47] : memref<10240x128xf32, #tpu.memory_space<vmem_shared>> -> memref<128x128xf32, #tpu.memory_space<vmem_shared>>
        tpu.enqueue_dma source(%dma_start3A_48 : memref<128x128xf32, #tpu.memory_space<vmem_shared>>) target(%arg10 : memref<128x128xf32, #tpu.memory_space<vmem>>) target_semaphore(%run_scoped3A : memref<!tpu.dma_semaphore, #tpu.memory_space<semaphore_mem>>)
        %dma_wait3A = arith.constant 0 : i32
        %dma_wait3A_49 = tpu.memref_slice %arg12[%add3A_41, %dma_wait3A] : memref<10240x128xf32, #tpu.memory_space<vmem_shared>> -> memref<128x128xf32, #tpu.memory_space<vmem_shared>>
        %dma_wait3A_50 = arith.constant 0 : i32
        %dma_wait3A_51 = tpu.memref_slice %arg12[%add3A_41, %dma_wait3A_50] : memref<10240x128xf32, #tpu.memory_space<vmem_shared>> -> memref<128x128xf32, #tpu.memory_space<vmem_shared>>
        tpu.wait_dma2 semaphore(%run_scoped3A : memref<!tpu.dma_semaphore, #tpu.memory_space<semaphore_mem>>) src(%dma_wait3A_51 : memref<128x128xf32, #tpu.memory_space<vmem_shared>>) dst(%arg10 : memref<128x128xf32, #tpu.memory_space<vmem>>)
        tpu.yield
      }) : () -> ()
      %mul3A_42 = arith.constant 10240 : i32
      %mul3A_43 = arith.muli %arg0, %mul3A_42 : i32
      %add3A_44 = arith.addi %mul3A_43, %add3A_41 : i32
      "tpu.region"() ({
        %run_scoped3A = tpu.sem_alloc : memref<!tpu.dma_semaphore, #tpu.memory_space<semaphore_mem>>
        %dma_start3A_45 = arith.constant 0 : i32
        %dma_start3A_46 = tpu.memref_slice %arg5[%add3A_44, %dma_start3A_45] : memref<20480x128xf32, #tpu.memory_space<hbm>> -> memref<128x128xf32, #tpu.memory_space<hbm>>
        %dma_start3A_47 = arith.constant 0 : i32
        %dma_start3A_48 = tpu.memref_slice %arg5[%add3A_44, %dma_start3A_47] : memref<20480x128xf32, #tpu.memory_space<hbm>> -> memref<128x128xf32, #tpu.memory_space<hbm>>
        tpu.enqueue_dma source(%arg10 : memref<128x128xf32, #tpu.memory_space<vmem>>) target(%dma_start3A_48 : memref<128x128xf32, #tpu.memory_space<hbm>>) target_semaphore(%run_scoped3A : memref<!tpu.dma_semaphore, #tpu.memory_space<semaphore_mem>>)
        %dma_wait3A = arith.constant 0 : i32
        %dma_wait3A_49 = tpu.memref_slice %arg5[%add3A_44, %dma_wait3A] : memref<20480x128xf32, #tpu.memory_space<hbm>> -> memref<128x128xf32, #tpu.memory_space<hbm>>
        %dma_wait3A_50 = arith.constant 0 : i32
        %dma_wait3A_51 = tpu.memref_slice %arg5[%add3A_44, %dma_wait3A_50] : memref<20480x128xf32, #tpu.memory_space<hbm>> -> memref<128x128xf32, #tpu.memory_space<hbm>>
        tpu.wait_dma2 semaphore(%run_scoped3A : memref<!tpu.dma_semaphore, #tpu.memory_space<semaphore_mem>>) src(%arg10 : memref<128x128xf32, #tpu.memory_space<vmem>>) dst(%dma_wait3A_51 : memref<128x128xf32, #tpu.memory_space<hbm>>)
        tpu.yield
      }) : () -> ()
    }
    %scan3A_35 = arith.constant 5 : i32
    return
  }
}

#map = affine_map<(d0, d1) -> (0, 0)>
#map1 = affine_map<(d0, d1) -> (0)>
module attributes {stable_mosaic.version = 14 : i64} {
  func.func @_agg_body(%arg0: i32, %arg1: i32, %arg2: memref<10000x128xf32, #tpu.memory_space<hbm>>, %arg3: memref<327680xi32, #tpu.memory_space<hbm>>, %arg4: memref<327680xi32, #tpu.memory_space<hbm>>, %arg5: memref<20480x128xf32, #tpu.memory_space<hbm>>, %arg6: memref<128xi32, #tpu.memory_space<vmem>>, %arg7: memref<128xi32, #tpu.memory_space<vmem>>, %arg8: memref<128xi32, #tpu.memory_space<vmem>>, %arg9: memref<128xi32, #tpu.memory_space<vmem>>, %arg10: memref<128x128xf32, #tpu.memory_space<vmem>>, %arg11: memref<128x128xf32, #tpu.memory_space<vmem>>, %arg12: memref<10240x128xf32, #tpu.memory_space<vmem_shared>>, %arg13: memref<!tpu.dma_semaphore, #tpu.memory_space<semaphore_mem>>, %arg14: memref<!tpu.dma_semaphore, #tpu.memory_space<semaphore_mem>>, %arg15: memref<!tpu.dma_semaphore, #tpu.memory_space<semaphore_mem>>, %arg16: memref<!tpu.dma_semaphore, #tpu.memory_space<semaphore_mem>>) attributes {dimension_semantics = [#tpu.dimension_semantics<core_parallel>, #tpu.dimension_semantics<subcore_parallel>], iteration_bounds = array<i64: 2, 16>, scalar_prefetch = 0 : i64, scratch_operands = 11 : i64, tpu.core_type = #tpu.core_type<sc_vector_subcore>, window_params = [{transform_indices = #map}, {transform_indices = #map1}, {transform_indices = #map1}, {transform_indices = #map}]} {
    %mul3A = arith.constant 16 : i32
    %mul3A_0 = arith.muli %arg0, %mul3A : i32
    %add3A = arith.addi %mul3A_0, %arg1 : i32
    %scan3A = arith.constant 0 : i32
    %scan3A_1 = arith.constant 0 : i32
    %scan3A_2 = arith.constant 128 : i32
    %scan3A_3 = arith.addi %scan3A_1, %scan3A_2 : i32
    %scan3A_4 = arith.constant 1 : i32
    scf.for %scan3A_36 = %scan3A_1 to %scan3A_3 step %scan3A_4  : i32 {
      %broadcast_in_dim3A = arith.constant 0.000000e+00 : f32
      %broadcast_in_dim3A_37 = vector.broadcast %broadcast_in_dim3A : f32 to vector<16xf32>
      %swap3A = arith.index_cast %scan3A_36 : i32 to index
      %swap3A_38 = arith.constant 0 : index
      %swap3A_39 = tpu.vector_load %arg10[%swap3A, %swap3A_38] {strides = array<i32>} : memref<128x128xf32, #tpu.memory_space<vmem>>, vector<1x16xf32>,
      %swap3A_40 = vector.shape_cast %swap3A_39 : vector<1x16xf32> to vector<16xf32>
      %swap3A_41 = vector.shape_cast %broadcast_in_dim3A_37 : vector<16xf32> to vector<1x16xf32>
      tpu.vector_store %arg10[%swap3A, %swap3A_38], %swap3A_41 {strides = array<i32>} : memref<128x128xf32, #tpu.memory_space<vmem>>, vector<1x16xf32>,
      %broadcast_in_dim3A_42 = arith.constant 0.000000e+00 : f32
      %broadcast_in_dim3A_43 = vector.broadcast %broadcast_in_dim3A_42 : f32 to vector<16xf32>
      %swap3A_44 = arith.index_cast %scan3A_36 : i32 to index
      %swap3A_45 = arith.constant 16 : index
      %swap3A_46 = tpu.vector_load %arg10[%swap3A_44, %swap3A_45] {strides = array<i32>} : memref<128x128xf32, #tpu.memory_space<vmem>>, vector<1x16xf32>,
      %swap3A_47 = vector.shape_cast %swap3A_46 : vector<1x16xf32> to vector<16xf32>
      %swap3A_48 = vector.shape_cast %broadcast_in_dim3A_43 : vector<16xf32> to vector<1x16xf32>
      tpu.vector_store %arg10[%swap3A_44, %swap3A_45], %swap3A_48 {strides = array<i32>} : memref<128x128xf32, #tpu.memory_space<vmem>>, vector<1x16xf32>,
      %broadcast_in_dim3A_49 = arith.constant 0.000000e+00 : f32
      %broadcast_in_dim3A_50 = vector.broadcast %broadcast_in_dim3A_49 : f32 to vector<16xf32>
      %swap3A_51 = arith.index_cast %scan3A_36 : i32 to index
      %swap3A_52 = arith.constant 32 : index
      %swap3A_53 = tpu.vector_load %arg10[%swap3A_51, %swap3A_52] {strides = array<i32>} : memref<128x128xf32, #tpu.memory_space<vmem>>, vector<1x16xf32>,
      %swap3A_54 = vector.shape_cast %swap3A_53 : vector<1x16xf32> to vector<16xf32>
      %swap3A_55 = vector.shape_cast %broadcast_in_dim3A_50 : vector<16xf32> to vector<1x16xf32>
      tpu.vector_store %arg10[%swap3A_51, %swap3A_52], %swap3A_55 {strides = array<i32>} : memref<128x128xf32, #tpu.memory_space<vmem>>, vector<1x16xf32>,
      %broadcast_in_dim3A_56 = arith.constant 0.000000e+00 : f32
      %broadcast_in_dim3A_57 = vector.broadcast %broadcast_in_dim3A_56 : f32 to vector<16xf32>
      %swap3A_58 = arith.index_cast %scan3A_36 : i32 to index
      %swap3A_59 = arith.constant 48 : index
      %swap3A_60 = tpu.vector_load %arg10[%swap3A_58, %swap3A_59] {strides = array<i32>} : memref<128x128xf32, #tpu.memory_space<vmem>>, vector<1x16xf32>,
      %swap3A_61 = vector.shape_cast %swap3A_60 : vector<1x16xf32> to vector<16xf32>
      %swap3A_62 = vector.shape_cast %broadcast_in_dim3A_57 : vector<16xf32> to vector<1x16xf32>
      tpu.vector_store %arg10[%swap3A_58, %swap3A_59], %swap3A_62 {strides = array<i32>} : memref<128x128xf32, #tpu.memory_space<vmem>>, vector<1x16xf32>,
      %broadcast_in_dim3A_63 = arith.constant 0.000000e+00 : f32
      %broadcast_in_dim3A_64 = vector.broadcast %broadcast_in_dim3A_63 : f32 to vector<16xf32>
      %swap3A_65 = arith.index_cast %scan3A_36 : i32 to index
      %swap3A_66 = arith.constant 64 : index
      %swap3A_67 = tpu.vector_load %arg10[%swap3A_65, %swap3A_66] {strides = array<i32>} : memref<128x128xf32, #tpu.memory_space<vmem>>, vector<1x16xf32>,
      %swap3A_68 = vector.shape_cast %swap3A_67 : vector<1x16xf32> to vector<16xf32>
      %swap3A_69 = vector.shape_cast %broadcast_in_dim3A_64 : vector<16xf32> to vector<1x16xf32>
      tpu.vector_store %arg10[%swap3A_65, %swap3A_66], %swap3A_69 {strides = array<i32>} : memref<128x128xf32, #tpu.memory_space<vmem>>, vector<1x16xf32>,
      %broadcast_in_dim3A_70 = arith.constant 0.000000e+00 : f32
      %broadcast_in_dim3A_71 = vector.broadcast %broadcast_in_dim3A_70 : f32 to vector<16xf32>
      %swap3A_72 = arith.index_cast %scan3A_36 : i32 to index
      %swap3A_73 = arith.constant 80 : index
      %swap3A_74 = tpu.vector_load %arg10[%swap3A_72, %swap3A_73] {strides = array<i32>} : memref<128x128xf32, #tpu.memory_space<vmem>>, vector<1x16xf32>,
      %swap3A_75 = vector.shape_cast %swap3A_74 : vector<1x16xf32> to vector<16xf32>
      %swap3A_76 = vector.shape_cast %broadcast_in_dim3A_71 : vector<16xf32> to vector<1x16xf32>
      tpu.vector_store %arg10[%swap3A_72, %swap3A_73], %swap3A_76 {strides = array<i32>} : memref<128x128xf32, #tpu.memory_space<vmem>>, vector<1x16xf32>,
      %broadcast_in_dim3A_77 = arith.constant 0.000000e+00 : f32
      %broadcast_in_dim3A_78 = vector.broadcast %broadcast_in_dim3A_77 : f32 to vector<16xf32>
      %swap3A_79 = arith.index_cast %scan3A_36 : i32 to index
      %swap3A_80 = arith.constant 96 : index
      %swap3A_81 = tpu.vector_load %arg10[%swap3A_79, %swap3A_80] {strides = array<i32>} : memref<128x128xf32, #tpu.memory_space<vmem>>, vector<1x16xf32>,
      %swap3A_82 = vector.shape_cast %swap3A_81 : vector<1x16xf32> to vector<16xf32>
      %swap3A_83 = vector.shape_cast %broadcast_in_dim3A_78 : vector<16xf32> to vector<1x16xf32>
      tpu.vector_store %arg10[%swap3A_79, %swap3A_80], %swap3A_83 {strides = array<i32>} : memref<128x128xf32, #tpu.memory_space<vmem>>, vector<1x16xf32>,
      %broadcast_in_dim3A_84 = arith.constant 0.000000e+00 : f32
      %broadcast_in_dim3A_85 = vector.broadcast %broadcast_in_dim3A_84 : f32 to vector<16xf32>
      %swap3A_86 = arith.index_cast %scan3A_36 : i32 to index
      %swap3A_87 = arith.constant 112 : index
      %swap3A_88 = tpu.vector_load %arg10[%swap3A_86, %swap3A_87] {strides = array<i32>} : memref<128x128xf32, #tpu.memory_space<vmem>>, vector<1x16xf32>,
      %swap3A_89 = vector.shape_cast %swap3A_88 : vector<1x16xf32> to vector<16xf32>
      %swap3A_90 = vector.shape_cast %broadcast_in_dim3A_85 : vector<16xf32> to vector<1x16xf32>
      tpu.vector_store %arg10[%swap3A_86, %swap3A_87], %swap3A_90 {strides = array<i32>} : memref<128x128xf32, #tpu.memory_space<vmem>>, vector<1x16xf32>,
    }
    %scan3A_5 = arith.constant 128 : i32
    %scan3A_6 = arith.constant 0 : i32
    %scan3A_7 = arith.constant 0 : i32
    %scan3A_8 = arith.constant 5 : i32
    %scan3A_9 = arith.addi %scan3A_7, %scan3A_8 : i32
    %scan3A_10 = arith.constant 1 : i32
    scf.for %scan3A_36 = %scan3A_7 to %scan3A_9 step %scan3A_10  : i32 {
      %mul3A_37 = arith.constant 640 : i32
      %mul3A_38 = arith.muli %arg1, %mul3A_37 : i32
      %mul3A_39 = arith.constant 128 : i32
      %mul3A_40 = arith.muli %scan3A_36, %mul3A_39 : i32
      %add3A_41 = arith.addi %mul3A_38, %mul3A_40 : i32
      "tpu.region"() ({
        %run_scoped3A = tpu.sem_alloc : memref<!tpu.dma_semaphore, #tpu.memory_space<semaphore_mem>>
        %dma_start3A_42 = arith.constant 0 : i32
        %dma_start3A_43 = tpu.memref_slice %arg12[%add3A_41, %dma_start3A_42] : memref<10240x128xf32, #tpu.memory_space<vmem_shared>> -> memref<128x128xf32, #tpu.memory_space<vmem_shared>>
        %dma_start3A_44 = arith.constant 0 : i32
        %dma_start3A_45 = tpu.memref_slice %arg12[%add3A_41, %dma_start3A_44] : memref<10240x128xf32, #tpu.memory_space<vmem_shared>> -> memref<128x128xf32, #tpu.memory_space<vmem_shared>>
        tpu.enqueue_dma source(%arg10 : memref<128x128xf32, #tpu.memory_space<vmem>>) target(%dma_start3A_45 : memref<128x128xf32, #tpu.memory_space<vmem_shared>>) target_semaphore(%run_scoped3A : memref<!tpu.dma_semaphore, #tpu.memory_space<semaphore_mem>>)
        %dma_wait3A = arith.constant 0 : i32
        %dma_wait3A_46 = tpu.memref_slice %arg12[%add3A_41, %dma_wait3A] : memref<10240x128xf32, #tpu.memory_space<vmem_shared>> -> memref<128x128xf32, #tpu.memory_space<vmem_shared>>
        %dma_wait3A_47 = arith.constant 0 : i32
        %dma_wait3A_48 = tpu.memref_slice %arg12[%add3A_41, %dma_wait3A_47] : memref<10240x128xf32, #tpu.memory_space<vmem_shared>> -> memref<128x128xf32, #tpu.memory_space<vmem_shared>>
        tpu.wait_dma2 semaphore(%run_scoped3A : memref<!tpu.dma_semaphore, #tpu.memory_space<semaphore_mem>>) src(%arg10 : memref<128x128xf32, #tpu.memory_space<vmem>>) dst(%dma_wait3A_48 : memref<128x128xf32, #tpu.memory_space<vmem_shared>>)
        tpu.yield
      }) : () -> ()
    }
    %scan3A_11 = arith.constant 5 : i32
    %barrier3A = arith.constant 0 : index
    tpu.barrier barrier_id(%barrier3A)
    %mul3A_12 = arith.constant 10240 : i32
    %mul3A_13 = arith.muli %add3A, %mul3A_12 : i32
    %add3A_14 = arith.constant 0 : i32
    %add3A_15 = arith.addi %mul3A_13, %add3A_14 : i32
    "tpu.region"() ({
      %run_scoped3A = tpu.sem_alloc : memref<!tpu.dma_semaphore, #tpu.memory_space<semaphore_mem>>
      %dma_start3A_36 = tpu.memref_slice %arg3[%add3A_15] : memref<327680xi32, #tpu.memory_space<hbm>> -> memref<128xi32, #tpu.memory_space<hbm>>
      %dma_start3A_37 = tpu.memref_slice %arg3[%add3A_15] : memref<327680xi32, #tpu.memory_space<hbm>> -> memref<128xi32, #tpu.memory_space<hbm>>
      tpu.enqueue_dma source(%dma_start3A_37 : memref<128xi32, #tpu.memory_space<hbm>>) target(%arg6 : memref<128xi32, #tpu.memory_space<vmem>>) target_semaphore(%run_scoped3A : memref<!tpu.dma_semaphore, #tpu.memory_space<semaphore_mem>>)
      %dma_wait3A = tpu.memref_slice %arg3[%add3A_15] : memref<327680xi32, #tpu.memory_space<hbm>> -> memref<128xi32, #tpu.memory_space<hbm>>
      %dma_wait3A_38 = tpu.memref_slice %arg3[%add3A_15] : memref<327680xi32, #tpu.memory_space<hbm>> -> memref<128xi32, #tpu.memory_space<hbm>>
      tpu.wait_dma2 semaphore(%run_scoped3A : memref<!tpu.dma_semaphore, #tpu.memory_space<semaphore_mem>>) src(%dma_wait3A_38 : memref<128xi32, #tpu.memory_space<hbm>>) dst(%arg6 : memref<128xi32, #tpu.memory_space<vmem>>)
      tpu.yield
    }) : () -> ()
    "tpu.region"() ({
      %run_scoped3A = tpu.sem_alloc : memref<!tpu.dma_semaphore, #tpu.memory_space<semaphore_mem>>
      %dma_start3A_36 = tpu.memref_slice %arg4[%add3A_15] : memref<327680xi32, #tpu.memory_space<hbm>> -> memref<128xi32, #tpu.memory_space<hbm>>
      %dma_start3A_37 = tpu.memref_slice %arg4[%add3A_15] : memref<327680xi32, #tpu.memory_space<hbm>> -> memref<128xi32, #tpu.memory_space<hbm>>
      tpu.enqueue_dma source(%dma_start3A_37 : memref<128xi32, #tpu.memory_space<hbm>>) target(%arg8 : memref<128xi32, #tpu.memory_space<vmem>>) target_semaphore(%run_scoped3A : memref<!tpu.dma_semaphore, #tpu.memory_space<semaphore_mem>>)
      %dma_wait3A = tpu.memref_slice %arg4[%add3A_15] : memref<327680xi32, #tpu.memory_space<hbm>> -> memref<128xi32, #tpu.memory_space<hbm>>
      %dma_wait3A_38 = tpu.memref_slice %arg4[%add3A_15] : memref<327680xi32, #tpu.memory_space<hbm>> -> memref<128xi32, #tpu.memory_space<hbm>>
      tpu.wait_dma2 semaphore(%run_scoped3A : memref<!tpu.dma_semaphore, #tpu.memory_space<semaphore_mem>>) src(%dma_wait3A_38 : memref<128xi32, #tpu.memory_space<hbm>>) dst(%arg8 : memref<128xi32, #tpu.memory_space<vmem>>)
      tpu.yield
    }) : () -> ()
    %dma_start3A = arith.constant 0 : i32
    %dma_start3A_16 = arith.constant 0 : i32
    %dma_start3A_17 = tpu.memref_slice %arg2[%dma_start3A, %dma_start3A_16] : memref<10000x128xf32, #tpu.memory_space<hbm>> -> memref<10000x128xf32, #tpu.memory_space<hbm>>
    tpu.enqueue_indirect_dma source(%dma_start3A_17 : memref<10000x128xf32, #tpu.memory_space<hbm>>) target(%arg10 : memref<128x128xf32, #tpu.memory_space<vmem>>) offsets(%arg6 : memref<128xi32, #tpu.memory_space<vmem>>) semaphore(%arg13 : memref<!tpu.dma_semaphore, #tpu.memory_space<semaphore_mem>>)
    %add3A_18 = arith.constant 128 : i32
    %add3A_19 = arith.addi %mul3A_13, %add3A_18 : i32
    "tpu.region"() ({
      %run_scoped3A = tpu.sem_alloc : memref<!tpu.dma_semaphore, #tpu.memory_space<semaphore_mem>>
      %dma_start3A_36 = tpu.memref_slice %arg3[%add3A_19] : memref<327680xi32, #tpu.memory_space<hbm>> -> memref<128xi32, #tpu.memory_space<hbm>>
      %dma_start3A_37 = tpu.memref_slice %arg3[%add3A_19] : memref<327680xi32, #tpu.memory_space<hbm>> -> memref<128xi32, #tpu.memory_space<hbm>>
      tpu.enqueue_dma source(%dma_start3A_37 : memref<128xi32, #tpu.memory_space<hbm>>) target(%arg7 : memref<128xi32, #tpu.memory_space<vmem>>) target_semaphore(%run_scoped3A : memref<!tpu.dma_semaphore, #tpu.memory_space<semaphore_mem>>)
      %dma_wait3A = tpu.memref_slice %arg3[%add3A_19] : memref<327680xi32, #tpu.memory_space<hbm>> -> memref<128xi32, #tpu.memory_space<hbm>>
      %dma_wait3A_38 = tpu.memref_slice %arg3[%add3A_19] : memref<327680xi32, #tpu.memory_space<hbm>> -> memref<128xi32, #tpu.memory_space<hbm>>
      tpu.wait_dma2 semaphore(%run_scoped3A : memref<!tpu.dma_semaphore, #tpu.memory_space<semaphore_mem>>) src(%dma_wait3A_38 : memref<128xi32, #tpu.memory_space<hbm>>) dst(%arg7 : memref<128xi32, #tpu.memory_space<vmem>>)
      tpu.yield
    }) : () -> ()
    "tpu.region"() ({
      %run_scoped3A = tpu.sem_alloc : memref<!tpu.dma_semaphore, #tpu.memory_space<semaphore_mem>>
      %dma_start3A_36 = tpu.memref_slice %arg4[%add3A_19] : memref<327680xi32, #tpu.memory_space<hbm>> -> memref<128xi32, #tpu.memory_space<hbm>>
      %dma_start3A_37 = tpu.memref_slice %arg4[%add3A_19] : memref<327680xi32, #tpu.memory_space<hbm>> -> memref<128xi32, #tpu.memory_space<hbm>>
      tpu.enqueue_dma source(%dma_start3A_37 : memref<128xi32, #tpu.memory_space<hbm>>) target(%arg9 : memref<128xi32, #tpu.memory_space<vmem>>) target_semaphore(%run_scoped3A : memref<!tpu.dma_semaphore, #tpu.memory_space<semaphore_mem>>)
      %dma_wait3A = tpu.memref_slice %arg4[%add3A_19] : memref<327680xi32, #tpu.memory_space<hbm>> -> memref<128xi32, #tpu.memory_space<hbm>>
      %dma_wait3A_38 = tpu.memref_slice %arg4[%add3A_19] : memref<327680xi32, #tpu.memory_space<hbm>> -> memref<128xi32, #tpu.memory_space<hbm>>
      tpu.wait_dma2 semaphore(%run_scoped3A : memref<!tpu.dma_semaphore, #tpu.memory_space<semaphore_mem>>) src(%dma_wait3A_38 : memref<128xi32, #tpu.memory_space<hbm>>) dst(%arg9 : memref<128xi32, #tpu.memory_space<vmem>>)
      tpu.yield
    }) : () -> ()
    %dma_start3A_20 = arith.constant 0 : i32
    %dma_start3A_21 = arith.constant 0 : i32
    %dma_start3A_22 = tpu.memref_slice %arg2[%dma_start3A_20, %dma_start3A_21] : memref<10000x128xf32, #tpu.memory_space<hbm>> -> memref<10000x128xf32, #tpu.memory_space<hbm>>
    tpu.enqueue_indirect_dma source(%dma_start3A_22 : memref<10000x128xf32, #tpu.memory_space<hbm>>) target(%arg11 : memref<128x128xf32, #tpu.memory_space<vmem>>) offsets(%arg7 : memref<128xi32, #tpu.memory_space<vmem>>) semaphore(%arg14 : memref<!tpu.dma_semaphore, #tpu.memory_space<semaphore_mem>>)
    %scan3A_23 = arith.constant 0 : i32
    %scan3A_24 = arith.constant 0 : i32
    %scan3A_25 = arith.constant 40 : i32
    %scan3A_26 = arith.addi %scan3A_24, %scan3A_25 : i32
    %scan3A_27 = arith.constant 1 : i32
    scf.for %scan3A_36 = %scan3A_24 to %scan3A_26 step %scan3A_27  : i32 {
      %mul3A_37 = arith.constant 2 : i32
      %mul3A_38 = arith.muli %mul3A_37, %scan3A_36 : i32
      %add3A_39 = arith.constant 0 : i32
      %add3A_40 = arith.addi %mul3A_38, %add3A_39 : i32
      %dma_wait3A = arith.constant 0 : i32
      %dma_wait3A_41 = arith.constant 0 : i32
      %dma_wait3A_42 = tpu.memref_slice %arg2[%dma_wait3A, %dma_wait3A_41] : memref<10000x128xf32, #tpu.memory_space<hbm>> -> memref<10000x128xf32, #tpu.memory_space<hbm>>
      tpu.wait_indirect_dma semaphore(%arg13 : memref<!tpu.dma_semaphore, #tpu.memory_space<semaphore_mem>>) src(%dma_wait3A_42 : memref<10000x128xf32, #tpu.memory_space<hbm>>) dst(%arg10 : memref<128x128xf32, #tpu.memory_space<vmem>>)
      %dma_start3A_43 = arith.constant 0 : i32
      %dma_start3A_44 = arith.constant 0 : i32
      %dma_start3A_45 = tpu.memref_slice %arg12[%dma_start3A_43, %dma_start3A_44] : memref<10240x128xf32, #tpu.memory_space<vmem_shared>> -> memref<10240x128xf32, #tpu.memory_space<vmem_shared>>
      tpu.enqueue_indirect_dma source(%arg10 : memref<128x128xf32, #tpu.memory_space<vmem>>) target(%dma_start3A_45 : memref<10240x128xf32, #tpu.memory_space<vmem_shared>>) offsets(%arg8 : memref<128xi32, #tpu.memory_space<vmem>>) semaphore(%arg15 : memref<!tpu.dma_semaphore, #tpu.memory_space<semaphore_mem>>) {add = true}
      %dma_wait3A_46 = arith.constant 0 : i32
      %dma_wait3A_47 = arith.constant 0 : i32
      %dma_wait3A_48 = tpu.memref_slice %arg12[%dma_wait3A_46, %dma_wait3A_47] : memref<10240x128xf32, #tpu.memory_space<vmem_shared>> -> memref<10240x128xf32, #tpu.memory_space<vmem_shared>>
      tpu.wait_indirect_dma semaphore(%arg15 : memref<!tpu.dma_semaphore, #tpu.memory_space<semaphore_mem>>) src(%arg10 : memref<128x128xf32, #tpu.memory_space<vmem>>) dst(%dma_wait3A_48 : memref<10240x128xf32, #tpu.memory_space<vmem_shared>>)
      %add3A_49 = arith.constant 2 : i32
      %add3A_50 = arith.addi %add3A_40, %add3A_49 : i32
      %lt3A = arith.constant 80 : i32
      %lt3A_51 = arith.cmpi slt, %add3A_50, %lt3A : i32
      %convert_element_type3A = arith.extui %lt3A_51 : i1 to i32
      %cond3A = arith.constant 0 : i32
      %cond3A_52 = arith.cmpi ne, %convert_element_type3A, %cond3A : i32
      scf.if %cond3A_52 {
        %add3A_73 = arith.constant 2 : i32
        %add3A_74 = arith.addi %add3A_40, %add3A_73 : i32
        %mul3A_75 = arith.constant 128 : i32
        %mul3A_76 = arith.muli %add3A_74, %mul3A_75 : i32
        %add3A_77 = arith.addi %mul3A_13, %mul3A_76 : i32
        "tpu.region"() ({
          %run_scoped3A = tpu.sem_alloc : memref<!tpu.dma_semaphore, #tpu.memory_space<semaphore_mem>>
          %dma_start3A_81 = tpu.memref_slice %arg3[%add3A_77] : memref<327680xi32, #tpu.memory_space<hbm>> -> memref<128xi32, #tpu.memory_space<hbm>>
          %dma_start3A_82 = tpu.memref_slice %arg3[%add3A_77] : memref<327680xi32, #tpu.memory_space<hbm>> -> memref<128xi32, #tpu.memory_space<hbm>>
          tpu.enqueue_dma source(%dma_start3A_82 : memref<128xi32, #tpu.memory_space<hbm>>) target(%arg6 : memref<128xi32, #tpu.memory_space<vmem>>) target_semaphore(%run_scoped3A : memref<!tpu.dma_semaphore, #tpu.memory_space<semaphore_mem>>)
          %dma_wait3A_83 = tpu.memref_slice %arg3[%add3A_77] : memref<327680xi32, #tpu.memory_space<hbm>> -> memref<128xi32, #tpu.memory_space<hbm>>
          %dma_wait3A_84 = tpu.memref_slice %arg3[%add3A_77] : memref<327680xi32, #tpu.memory_space<hbm>> -> memref<128xi32, #tpu.memory_space<hbm>>
          tpu.wait_dma2 semaphore(%run_scoped3A : memref<!tpu.dma_semaphore, #tpu.memory_space<semaphore_mem>>) src(%dma_wait3A_84 : memref<128xi32, #tpu.memory_space<hbm>>) dst(%arg6 : memref<128xi32, #tpu.memory_space<vmem>>)
          tpu.yield
        }) : () -> ()
        "tpu.region"() ({
          %run_scoped3A = tpu.sem_alloc : memref<!tpu.dma_semaphore, #tpu.memory_space<semaphore_mem>>
          %dma_start3A_81 = tpu.memref_slice %arg4[%add3A_77] : memref<327680xi32, #tpu.memory_space<hbm>> -> memref<128xi32, #tpu.memory_space<hbm>>
          %dma_start3A_82 = tpu.memref_slice %arg4[%add3A_77] : memref<327680xi32, #tpu.memory_space<hbm>> -> memref<128xi32, #tpu.memory_space<hbm>>
          tpu.enqueue_dma source(%dma_start3A_82 : memref<128xi32, #tpu.memory_space<hbm>>) target(%arg8 : memref<128xi32, #tpu.memory_space<vmem>>) target_semaphore(%run_scoped3A : memref<!tpu.dma_semaphore, #tpu.memory_space<semaphore_mem>>)
          %dma_wait3A_83 = tpu.memref_slice %arg4[%add3A_77] : memref<327680xi32, #tpu.memory_space<hbm>> -> memref<128xi32, #tpu.memory_space<hbm>>
          %dma_wait3A_84 = tpu.memref_slice %arg4[%add3A_77] : memref<327680xi32, #tpu.memory_space<hbm>> -> memref<128xi32, #tpu.memory_space<hbm>>
          tpu.wait_dma2 semaphore(%run_scoped3A : memref<!tpu.dma_semaphore, #tpu.memory_space<semaphore_mem>>) src(%dma_wait3A_84 : memref<128xi32, #tpu.memory_space<hbm>>) dst(%arg8 : memref<128xi32, #tpu.memory_space<vmem>>)
          tpu.yield
        }) : () -> ()
        %dma_start3A_78 = arith.constant 0 : i32
        %dma_start3A_79 = arith.constant 0 : i32
        %dma_start3A_80 = tpu.memref_slice %arg2[%dma_start3A_78, %dma_start3A_79] : memref<10000x128xf32, #tpu.memory_space<hbm>> -> memref<10000x128xf32, #tpu.memory_space<hbm>>
        tpu.enqueue_indirect_dma source(%dma_start3A_80 : memref<10000x128xf32, #tpu.memory_space<hbm>>) target(%arg10 : memref<128x128xf32, #tpu.memory_space<vmem>>) offsets(%arg6 : memref<128xi32, #tpu.memory_space<vmem>>) semaphore(%arg13 : memref<!tpu.dma_semaphore, #tpu.memory_space<semaphore_mem>>)
      } else {
      }
      %mul3A_53 = arith.constant 2 : i32
      %mul3A_54 = arith.muli %mul3A_53, %scan3A_36 : i32
      %add3A_55 = arith.constant 1 : i32
      %add3A_56 = arith.addi %mul3A_54, %add3A_55 : i32
      %dma_wait3A_57 = arith.constant 0 : i32
      %dma_wait3A_58 = arith.constant 0 : i32
      %dma_wait3A_59 = tpu.memref_slice %arg2[%dma_wait3A_57, %dma_wait3A_58] : memref<10000x128xf32, #tpu.memory_space<hbm>> -> memref<10000x128xf32, #tpu.memory_space<hbm>>
      tpu.wait_indirect_dma semaphore(%arg14 : memref<!tpu.dma_semaphore, #tpu.memory_space<semaphore_mem>>) src(%dma_wait3A_59 : memref<10000x128xf32, #tpu.memory_space<hbm>>) dst(%arg11 : memref<128x128xf32, #tpu.memory_space<vmem>>)
      %dma_start3A_60 = arith.constant 0 : i32
      %dma_start3A_61 = arith.constant 0 : i32
      %dma_start3A_62 = tpu.memref_slice %arg12[%dma_start3A_60, %dma_start3A_61] : memref<10240x128xf32, #tpu.memory_space<vmem_shared>> -> memref<10240x128xf32, #tpu.memory_space<vmem_shared>>
      tpu.enqueue_indirect_dma source(%arg11 : memref<128x128xf32, #tpu.memory_space<vmem>>) target(%dma_start3A_62 : memref<10240x128xf32, #tpu.memory_space<vmem_shared>>) offsets(%arg9 : memref<128xi32, #tpu.memory_space<vmem>>) semaphore(%arg16 : memref<!tpu.dma_semaphore, #tpu.memory_space<semaphore_mem>>) {add = true}
      %dma_wait3A_63 = arith.constant 0 : i32
      %dma_wait3A_64 = arith.constant 0 : i32
      %dma_wait3A_65 = tpu.memref_slice %arg12[%dma_wait3A_63, %dma_wait3A_64] : memref<10240x128xf32, #tpu.memory_space<vmem_shared>> -> memref<10240x128xf32, #tpu.memory_space<vmem_shared>>
      tpu.wait_indirect_dma semaphore(%arg16 : memref<!tpu.dma_semaphore, #tpu.memory_space<semaphore_mem>>) src(%arg11 : memref<128x128xf32, #tpu.memory_space<vmem>>) dst(%dma_wait3A_65 : memref<10240x128xf32, #tpu.memory_space<vmem_shared>>)
      %add3A_66 = arith.constant 2 : i32
      %add3A_67 = arith.addi %add3A_56, %add3A_66 : i32
      %lt3A_68 = arith.constant 80 : i32
      %lt3A_69 = arith.cmpi slt, %add3A_67, %lt3A_68 : i32
      %convert_element_type3A_70 = arith.extui %lt3A_69 : i1 to i32
      %cond3A_71 = arith.constant 0 : i32
      %cond3A_72 = arith.cmpi ne, %convert_element_type3A_70, %cond3A_71 : i32
      scf.if %cond3A_72 {
        %add3A_73 = arith.constant 2 : i32
        %add3A_74 = arith.addi %add3A_56, %add3A_73 : i32
        %mul3A_75 = arith.constant 128 : i32
        %mul3A_76 = arith.muli %add3A_74, %mul3A_75 : i32
        %add3A_77 = arith.addi %mul3A_13, %mul3A_76 : i32
        "tpu.region"() ({
          %run_scoped3A = tpu.sem_alloc : memref<!tpu.dma_semaphore, #tpu.memory_space<semaphore_mem>>
          %dma_start3A_81 = tpu.memref_slice %arg3[%add3A_77] : memref<327680xi32, #tpu.memory_space<hbm>> -> memref<128xi32, #tpu.memory_space<hbm>>
          %dma_start3A_82 = tpu.memref_slice %arg3[%add3A_77] : memref<327680xi32, #tpu.memory_space<hbm>> -> memref<128xi32, #tpu.memory_space<hbm>>
          tpu.enqueue_dma source(%dma_start3A_82 : memref<128xi32, #tpu.memory_space<hbm>>) target(%arg7 : memref<128xi32, #tpu.memory_space<vmem>>) target_semaphore(%run_scoped3A : memref<!tpu.dma_semaphore, #tpu.memory_space<semaphore_mem>>)
          %dma_wait3A_83 = tpu.memref_slice %arg3[%add3A_77] : memref<327680xi32, #tpu.memory_space<hbm>> -> memref<128xi32, #tpu.memory_space<hbm>>
          %dma_wait3A_84 = tpu.memref_slice %arg3[%add3A_77] : memref<327680xi32, #tpu.memory_space<hbm>> -> memref<128xi32, #tpu.memory_space<hbm>>
          tpu.wait_dma2 semaphore(%run_scoped3A : memref<!tpu.dma_semaphore, #tpu.memory_space<semaphore_mem>>) src(%dma_wait3A_84 : memref<128xi32, #tpu.memory_space<hbm>>) dst(%arg7 : memref<128xi32, #tpu.memory_space<vmem>>)
          tpu.yield
        }) : () -> ()
        "tpu.region"() ({
          %run_scoped3A = tpu.sem_alloc : memref<!tpu.dma_semaphore, #tpu.memory_space<semaphore_mem>>
          %dma_start3A_81 = tpu.memref_slice %arg4[%add3A_77] : memref<327680xi32, #tpu.memory_space<hbm>> -> memref<128xi32, #tpu.memory_space<hbm>>
          %dma_start3A_82 = tpu.memref_slice %arg4[%add3A_77] : memref<327680xi32, #tpu.memory_space<hbm>> -> memref<128xi32, #tpu.memory_space<hbm>>
          tpu.enqueue_dma source(%dma_start3A_82 : memref<128xi32, #tpu.memory_space<hbm>>) target(%arg9 : memref<128xi32, #tpu.memory_space<vmem>>) target_semaphore(%run_scoped3A : memref<!tpu.dma_semaphore, #tpu.memory_space<semaphore_mem>>)
          %dma_wait3A_83 = tpu.memref_slice %arg4[%add3A_77] : memref<327680xi32, #tpu.memory_space<hbm>> -> memref<128xi32, #tpu.memory_space<hbm>>
          %dma_wait3A_84 = tpu.memref_slice %arg4[%add3A_77] : memref<327680xi32, #tpu.memory_space<hbm>> -> memref<128xi32, #tpu.memory_space<hbm>>
          tpu.wait_dma2 semaphore(%run_scoped3A : memref<!tpu.dma_semaphore, #tpu.memory_space<semaphore_mem>>) src(%dma_wait3A_84 : memref<128xi32, #tpu.memory_space<hbm>>) dst(%arg9 : memref<128xi32, #tpu.memory_space<vmem>>)
          tpu.yield
        }) : () -> ()
        %dma_start3A_78 = arith.constant 0 : i32
        %dma_start3A_79 = arith.constant 0 : i32
        %dma_start3A_80 = tpu.memref_slice %arg2[%dma_start3A_78, %dma_start3A_79] : memref<10000x128xf32, #tpu.memory_space<hbm>> -> memref<10000x128xf32, #tpu.memory_space<hbm>>
        tpu.enqueue_indirect_dma source(%dma_start3A_80 : memref<10000x128xf32, #tpu.memory_space<hbm>>) target(%arg11 : memref<128x128xf32, #tpu.memory_space<vmem>>) offsets(%arg7 : memref<128xi32, #tpu.memory_space<vmem>>) semaphore(%arg14 : memref<!tpu.dma_semaphore, #tpu.memory_space<semaphore_mem>>)
      } else {
      }
    }
    %scan3A_28 = arith.constant 40 : i32
    %barrier3A_29 = arith.constant 0 : index
    tpu.barrier barrier_id(%barrier3A_29)
    %scan3A_30 = arith.constant 0 : i32
    %scan3A_31 = arith.constant 0 : i32
    %scan3A_32 = arith.constant 5 : i32
    %scan3A_33 = arith.addi %scan3A_31, %scan3A_32 : i32
    %scan3A_34 = arith.constant 1 : i32
    scf.for %scan3A_36 = %scan3A_31 to %scan3A_33 step %scan3A_34  : i32 {
      %mul3A_37 = arith.constant 640 : i32
      %mul3A_38 = arith.muli %arg1, %mul3A_37 : i32
      %mul3A_39 = arith.constant 128 : i32
      %mul3A_40 = arith.muli %scan3A_36, %mul3A_39 : i32
      %add3A_41 = arith.addi %mul3A_38, %mul3A_40 : i32
      "tpu.region"() ({
        %run_scoped3A = tpu.sem_alloc : memref<!tpu.dma_semaphore, #tpu.memory_space<semaphore_mem>>
        %dma_start3A_45 = arith.constant 0 : i32
        %dma_start3A_46 = tpu.memref_slice %arg12[%add3A_41, %dma_start3A_45] : memref<10240x128xf32, #tpu.memory_space<vmem_shared>> -> memref<128x128xf32, #tpu.memory_space<vmem_shared>>
        %dma_start3A_47 = arith.constant 0 : i32
        %dma_start3A_48 = tpu.memref_slice %arg12[%add3A_41, %dma_start3A_47] : memref<10240x128xf32, #tpu.memory_space<vmem_shared>> -> memref<128x128xf32, #tpu.memory_space<vmem_shared>>
        tpu.enqueue_dma source(%dma_start3A_48 : memref<128x128xf32, #tpu.memory_space<vmem_shared>>) target(%arg10 : memref<128x128xf32, #tpu.memory_space<vmem>>) target_semaphore(%run_scoped3A : memref<!tpu.dma_semaphore, #tpu.memory_space<semaphore_mem>>)
        %dma_wait3A = arith.constant 0 : i32
        %dma_wait3A_49 = tpu.memref_slice %arg12[%add3A_41, %dma_wait3A] : memref<10240x128xf32, #tpu.memory_space<vmem_shared>> -> memref<128x128xf32, #tpu.memory_space<vmem_shared>>
        %dma_wait3A_50 = arith.constant 0 : i32
        %dma_wait3A_51 = tpu.memref_slice %arg12[%add3A_41, %dma_wait3A_50] : memref<10240x128xf32, #tpu.memory_space<vmem_shared>> -> memref<128x128xf32, #tpu.memory_space<vmem_shared>>
        tpu.wait_dma2 semaphore(%run_scoped3A : memref<!tpu.dma_semaphore, #tpu.memory_space<semaphore_mem>>) src(%dma_wait3A_51 : memref<128x128xf32, #tpu.memory_space<vmem_shared>>) dst(%arg10 : memref<128x128xf32, #tpu.memory_space<vmem>>)
        tpu.yield
      }) : () -> ()
      %mul3A_42 = arith.constant 10240 : i32
      %mul3A_43 = arith.muli %arg0, %mul3A_42 : i32
      %add3A_44 = arith.addi %mul3A_43, %add3A_41 : i32
      "tpu.region"() ({
        %run_scoped3A = tpu.sem_alloc : memref<!tpu.dma_semaphore, #tpu.memory_space<semaphore_mem>>
        %dma_start3A_45 = arith.constant 0 : i32
        %dma_start3A_46 = tpu.memref_slice %arg5[%add3A_44, %dma_start3A_45] : memref<20480x128xf32, #tpu.memory_space<hbm>> -> memref<128x128xf32, #tpu.memory_space<hbm>>
        %dma_start3A_47 = arith.constant 0 : i32
        %dma_start3A_48 = tpu.memref_slice %arg5[%add3A_44, %dma_start3A_47] : memref<20480x128xf32, #tpu.memory_space<hbm>> -> memref<128x128xf32, #tpu.memory_space<hbm>>
        tpu.enqueue_dma source(%arg10 : memref<128x128xf32, #tpu.memory_space<vmem>>) target(%dma_start3A_48 : memref<128x128xf32, #tpu.memory_space<hbm>>) target_semaphore(%run_scoped3A : memref<!tpu.dma_semaphore, #tpu.memory_space<semaphore_mem>>)
        %dma_wait3A = arith.constant 0 : i32
        %dma_wait3A_49 = tpu.memref_slice %arg5[%add3A_44, %dma_wait3A] : memref<20480x128xf32, #tpu.memory_space<hbm>> -> memref<128x128xf32, #tpu.memory_space<hbm>>
        %dma_wait3A_50 = arith.constant 0 : i32
        %dma_wait3A_51 = tpu.memref_slice %arg5[%add3A_44, %dma_wait3A_50] : memref<20480x128xf32, #tpu.memory_space<hbm>> -> memref<128x128xf32, #tpu.memory_space<hbm>>
        tpu.wait_dma2 semaphore(%run_scoped3A : memref<!tpu.dma_semaphore, #tpu.memory_space<semaphore_mem>>) src(%arg10 : memref<128x128xf32, #tpu.memory_space<vmem>>) dst(%dma_wait3A_51 : memref<128x128xf32, #tpu.memory_space<hbm>>)
        tpu.yield
      }) : () -> ()
    }
    %scan3A_35 = arith.constant 5 : i32
    return
  }
}

#map = affine_map<(d0, d1) -> (0, 0)>
#map1 = affine_map<(d0, d1) -> (0)>
module attributes {stable_mosaic.version = 14 : i64} {
  func.func @_agg_body(%arg0: i32, %arg1: i32, %arg2: memref<10000x128xf32, #tpu.memory_space<hbm>>, %arg3: memref<327680xi32, #tpu.memory_space<hbm>>, %arg4: memref<327680xi32, #tpu.memory_space<hbm>>, %arg5: memref<20480x128xf32, #tpu.memory_space<hbm>>, %arg6: memref<128xi32, #tpu.memory_space<vmem>>, %arg7: memref<128xi32, #tpu.memory_space<vmem>>, %arg8: memref<128xi32, #tpu.memory_space<vmem>>, %arg9: memref<128xi32, #tpu.memory_space<vmem>>, %arg10: memref<128x128xf32, #tpu.memory_space<vmem>>, %arg11: memref<128x128xf32, #tpu.memory_space<vmem>>, %arg12: memref<10240x128xf32, #tpu.memory_space<vmem_shared>>, %arg13: memref<!tpu.dma_semaphore, #tpu.memory_space<semaphore_mem>>, %arg14: memref<!tpu.dma_semaphore, #tpu.memory_space<semaphore_mem>>, %arg15: memref<!tpu.dma_semaphore, #tpu.memory_space<semaphore_mem>>, %arg16: memref<!tpu.dma_semaphore, #tpu.memory_space<semaphore_mem>>) attributes {dimension_semantics = [#tpu.dimension_semantics<core_parallel>, #tpu.dimension_semantics<subcore_parallel>], iteration_bounds = array<i64: 2, 16>, scalar_prefetch = 0 : i64, scratch_operands = 11 : i64, tpu.core_type = #tpu.core_type<sc_vector_subcore>, window_params = [{transform_indices = #map}, {transform_indices = #map1}, {transform_indices = #map1}, {transform_indices = #map}]} {
    %mul3A = arith.constant 16 : i32
    %mul3A_0 = arith.muli %arg0, %mul3A : i32
    %add3A = arith.addi %mul3A_0, %arg1 : i32
    %scan3A = arith.constant 0 : i32
    %scan3A_1 = arith.constant 0 : i32
    %scan3A_2 = arith.constant 128 : i32
    %scan3A_3 = arith.addi %scan3A_1, %scan3A_2 : i32
    %scan3A_4 = arith.constant 1 : i32
    scf.for %scan3A_36 = %scan3A_1 to %scan3A_3 step %scan3A_4  : i32 {
      %broadcast_in_dim3A = arith.constant 0.000000e+00 : f32
      %broadcast_in_dim3A_37 = vector.broadcast %broadcast_in_dim3A : f32 to vector<16xf32>
      %swap3A = arith.index_cast %scan3A_36 : i32 to index
      %swap3A_38 = arith.constant 0 : index
      %swap3A_39 = tpu.vector_load %arg10[%swap3A, %swap3A_38] {strides = array<i32>} : memref<128x128xf32, #tpu.memory_space<vmem>>, vector<1x16xf32>,
      %swap3A_40 = vector.shape_cast %swap3A_39 : vector<1x16xf32> to vector<16xf32>
      %swap3A_41 = vector.shape_cast %broadcast_in_dim3A_37 : vector<16xf32> to vector<1x16xf32>
      tpu.vector_store %arg10[%swap3A, %swap3A_38], %swap3A_41 {strides = array<i32>} : memref<128x128xf32, #tpu.memory_space<vmem>>, vector<1x16xf32>,
      %broadcast_in_dim3A_42 = arith.constant 0.000000e+00 : f32
      %broadcast_in_dim3A_43 = vector.broadcast %broadcast_in_dim3A_42 : f32 to vector<16xf32>
      %swap3A_44 = arith.index_cast %scan3A_36 : i32 to index
      %swap3A_45 = arith.constant 16 : index
      %swap3A_46 = tpu.vector_load %arg10[%swap3A_44, %swap3A_45] {strides = array<i32>} : memref<128x128xf32, #tpu.memory_space<vmem>>, vector<1x16xf32>,
      %swap3A_47 = vector.shape_cast %swap3A_46 : vector<1x16xf32> to vector<16xf32>
      %swap3A_48 = vector.shape_cast %broadcast_in_dim3A_43 : vector<16xf32> to vector<1x16xf32>
      tpu.vector_store %arg10[%swap3A_44, %swap3A_45], %swap3A_48 {strides = array<i32>} : memref<128x128xf32, #tpu.memory_space<vmem>>, vector<1x16xf32>,
      %broadcast_in_dim3A_49 = arith.constant 0.000000e+00 : f32
      %broadcast_in_dim3A_50 = vector.broadcast %broadcast_in_dim3A_49 : f32 to vector<16xf32>
      %swap3A_51 = arith.index_cast %scan3A_36 : i32 to index
      %swap3A_52 = arith.constant 32 : index
      %swap3A_53 = tpu.vector_load %arg10[%swap3A_51, %swap3A_52] {strides = array<i32>} : memref<128x128xf32, #tpu.memory_space<vmem>>, vector<1x16xf32>,
      %swap3A_54 = vector.shape_cast %swap3A_53 : vector<1x16xf32> to vector<16xf32>
      %swap3A_55 = vector.shape_cast %broadcast_in_dim3A_50 : vector<16xf32> to vector<1x16xf32>
      tpu.vector_store %arg10[%swap3A_51, %swap3A_52], %swap3A_55 {strides = array<i32>} : memref<128x128xf32, #tpu.memory_space<vmem>>, vector<1x16xf32>,
      %broadcast_in_dim3A_56 = arith.constant 0.000000e+00 : f32
      %broadcast_in_dim3A_57 = vector.broadcast %broadcast_in_dim3A_56 : f32 to vector<16xf32>
      %swap3A_58 = arith.index_cast %scan3A_36 : i32 to index
      %swap3A_59 = arith.constant 48 : index
      %swap3A_60 = tpu.vector_load %arg10[%swap3A_58, %swap3A_59] {strides = array<i32>} : memref<128x128xf32, #tpu.memory_space<vmem>>, vector<1x16xf32>,
      %swap3A_61 = vector.shape_cast %swap3A_60 : vector<1x16xf32> to vector<16xf32>
      %swap3A_62 = vector.shape_cast %broadcast_in_dim3A_57 : vector<16xf32> to vector<1x16xf32>
      tpu.vector_store %arg10[%swap3A_58, %swap3A_59], %swap3A_62 {strides = array<i32>} : memref<128x128xf32, #tpu.memory_space<vmem>>, vector<1x16xf32>,
      %broadcast_in_dim3A_63 = arith.constant 0.000000e+00 : f32
      %broadcast_in_dim3A_64 = vector.broadcast %broadcast_in_dim3A_63 : f32 to vector<16xf32>
      %swap3A_65 = arith.index_cast %scan3A_36 : i32 to index
      %swap3A_66 = arith.constant 64 : index
      %swap3A_67 = tpu.vector_load %arg10[%swap3A_65, %swap3A_66] {strides = array<i32>} : memref<128x128xf32, #tpu.memory_space<vmem>>, vector<1x16xf32>,
      %swap3A_68 = vector.shape_cast %swap3A_67 : vector<1x16xf32> to vector<16xf32>
      %swap3A_69 = vector.shape_cast %broadcast_in_dim3A_64 : vector<16xf32> to vector<1x16xf32>
      tpu.vector_store %arg10[%swap3A_65, %swap3A_66], %swap3A_69 {strides = array<i32>} : memref<128x128xf32, #tpu.memory_space<vmem>>, vector<1x16xf32>,
      %broadcast_in_dim3A_70 = arith.constant 0.000000e+00 : f32
      %broadcast_in_dim3A_71 = vector.broadcast %broadcast_in_dim3A_70 : f32 to vector<16xf32>
      %swap3A_72 = arith.index_cast %scan3A_36 : i32 to index
      %swap3A_73 = arith.constant 80 : index
      %swap3A_74 = tpu.vector_load %arg10[%swap3A_72, %swap3A_73] {strides = array<i32>} : memref<128x128xf32, #tpu.memory_space<vmem>>, vector<1x16xf32>,
      %swap3A_75 = vector.shape_cast %swap3A_74 : vector<1x16xf32> to vector<16xf32>
      %swap3A_76 = vector.shape_cast %broadcast_in_dim3A_71 : vector<16xf32> to vector<1x16xf32>
      tpu.vector_store %arg10[%swap3A_72, %swap3A_73], %swap3A_76 {strides = array<i32>} : memref<128x128xf32, #tpu.memory_space<vmem>>, vector<1x16xf32>,
      %broadcast_in_dim3A_77 = arith.constant 0.000000e+00 : f32
      %broadcast_in_dim3A_78 = vector.broadcast %broadcast_in_dim3A_77 : f32 to vector<16xf32>
      %swap3A_79 = arith.index_cast %scan3A_36 : i32 to index
      %swap3A_80 = arith.constant 96 : index
      %swap3A_81 = tpu.vector_load %arg10[%swap3A_79, %swap3A_80] {strides = array<i32>} : memref<128x128xf32, #tpu.memory_space<vmem>>, vector<1x16xf32>,
      %swap3A_82 = vector.shape_cast %swap3A_81 : vector<1x16xf32> to vector<16xf32>
      %swap3A_83 = vector.shape_cast %broadcast_in_dim3A_78 : vector<16xf32> to vector<1x16xf32>
      tpu.vector_store %arg10[%swap3A_79, %swap3A_80], %swap3A_83 {strides = array<i32>} : memref<128x128xf32, #tpu.memory_space<vmem>>, vector<1x16xf32>,
      %broadcast_in_dim3A_84 = arith.constant 0.000000e+00 : f32
      %broadcast_in_dim3A_85 = vector.broadcast %broadcast_in_dim3A_84 : f32 to vector<16xf32>
      %swap3A_86 = arith.index_cast %scan3A_36 : i32 to index
      %swap3A_87 = arith.constant 112 : index
      %swap3A_88 = tpu.vector_load %arg10[%swap3A_86, %swap3A_87] {strides = array<i32>} : memref<128x128xf32, #tpu.memory_space<vmem>>, vector<1x16xf32>,
      %swap3A_89 = vector.shape_cast %swap3A_88 : vector<1x16xf32> to vector<16xf32>
      %swap3A_90 = vector.shape_cast %broadcast_in_dim3A_85 : vector<16xf32> to vector<1x16xf32>
      tpu.vector_store %arg10[%swap3A_86, %swap3A_87], %swap3A_90 {strides = array<i32>} : memref<128x128xf32, #tpu.memory_space<vmem>>, vector<1x16xf32>,
    }
    %scan3A_5 = arith.constant 128 : i32
    %scan3A_6 = arith.constant 0 : i32
    %scan3A_7 = arith.constant 0 : i32
    %scan3A_8 = arith.constant 5 : i32
    %scan3A_9 = arith.addi %scan3A_7, %scan3A_8 : i32
    %scan3A_10 = arith.constant 1 : i32
    scf.for %scan3A_36 = %scan3A_7 to %scan3A_9 step %scan3A_10  : i32 {
      %mul3A_37 = arith.constant 640 : i32
      %mul3A_38 = arith.muli %arg1, %mul3A_37 : i32
      %mul3A_39 = arith.constant 128 : i32
      %mul3A_40 = arith.muli %scan3A_36, %mul3A_39 : i32
      %add3A_41 = arith.addi %mul3A_38, %mul3A_40 : i32
      "tpu.region"() ({
        %run_scoped3A = tpu.sem_alloc : memref<!tpu.dma_semaphore, #tpu.memory_space<semaphore_mem>>
        %dma_start3A_42 = arith.constant 0 : i32
        %dma_start3A_43 = tpu.memref_slice %arg12[%add3A_41, %dma_start3A_42] : memref<10240x128xf32, #tpu.memory_space<vmem_shared>> -> memref<128x128xf32, #tpu.memory_space<vmem_shared>>
        %dma_start3A_44 = arith.constant 0 : i32
        %dma_start3A_45 = tpu.memref_slice %arg12[%add3A_41, %dma_start3A_44] : memref<10240x128xf32, #tpu.memory_space<vmem_shared>> -> memref<128x128xf32, #tpu.memory_space<vmem_shared>>
        tpu.enqueue_dma source(%arg10 : memref<128x128xf32, #tpu.memory_space<vmem>>) target(%dma_start3A_45 : memref<128x128xf32, #tpu.memory_space<vmem_shared>>) target_semaphore(%run_scoped3A : memref<!tpu.dma_semaphore, #tpu.memory_space<semaphore_mem>>)
        %dma_wait3A = arith.constant 0 : i32
        %dma_wait3A_46 = tpu.memref_slice %arg12[%add3A_41, %dma_wait3A] : memref<10240x128xf32, #tpu.memory_space<vmem_shared>> -> memref<128x128xf32, #tpu.memory_space<vmem_shared>>
        %dma_wait3A_47 = arith.constant 0 : i32
        %dma_wait3A_48 = tpu.memref_slice %arg12[%add3A_41, %dma_wait3A_47] : memref<10240x128xf32, #tpu.memory_space<vmem_shared>> -> memref<128x128xf32, #tpu.memory_space<vmem_shared>>
        tpu.wait_dma2 semaphore(%run_scoped3A : memref<!tpu.dma_semaphore, #tpu.memory_space<semaphore_mem>>) src(%arg10 : memref<128x128xf32, #tpu.memory_space<vmem>>) dst(%dma_wait3A_48 : memref<128x128xf32, #tpu.memory_space<vmem_shared>>)
        tpu.yield
      }) : () -> ()
    }
    %scan3A_11 = arith.constant 5 : i32
    %barrier3A = arith.constant 0 : index
    tpu.barrier barrier_id(%barrier3A)
    %mul3A_12 = arith.constant 10240 : i32
    %mul3A_13 = arith.muli %add3A, %mul3A_12 : i32
    %add3A_14 = arith.constant 0 : i32
    %add3A_15 = arith.addi %mul3A_13, %add3A_14 : i32
    "tpu.region"() ({
      %run_scoped3A = tpu.sem_alloc : memref<!tpu.dma_semaphore, #tpu.memory_space<semaphore_mem>>
      %dma_start3A_36 = tpu.memref_slice %arg3[%add3A_15] : memref<327680xi32, #tpu.memory_space<hbm>> -> memref<128xi32, #tpu.memory_space<hbm>>
      %dma_start3A_37 = tpu.memref_slice %arg3[%add3A_15] : memref<327680xi32, #tpu.memory_space<hbm>> -> memref<128xi32, #tpu.memory_space<hbm>>
      tpu.enqueue_dma source(%dma_start3A_37 : memref<128xi32, #tpu.memory_space<hbm>>) target(%arg6 : memref<128xi32, #tpu.memory_space<vmem>>) target_semaphore(%run_scoped3A : memref<!tpu.dma_semaphore, #tpu.memory_space<semaphore_mem>>)
      %dma_wait3A = tpu.memref_slice %arg3[%add3A_15] : memref<327680xi32, #tpu.memory_space<hbm>> -> memref<128xi32, #tpu.memory_space<hbm>>
      %dma_wait3A_38 = tpu.memref_slice %arg3[%add3A_15] : memref<327680xi32, #tpu.memory_space<hbm>> -> memref<128xi32, #tpu.memory_space<hbm>>
      tpu.wait_dma2 semaphore(%run_scoped3A : memref<!tpu.dma_semaphore, #tpu.memory_space<semaphore_mem>>) src(%dma_wait3A_38 : memref<128xi32, #tpu.memory_space<hbm>>) dst(%arg6 : memref<128xi32, #tpu.memory_space<vmem>>)
      tpu.yield
    }) : () -> ()
    "tpu.region"() ({
      %run_scoped3A = tpu.sem_alloc : memref<!tpu.dma_semaphore, #tpu.memory_space<semaphore_mem>>
      %dma_start3A_36 = tpu.memref_slice %arg4[%add3A_15] : memref<327680xi32, #tpu.memory_space<hbm>> -> memref<128xi32, #tpu.memory_space<hbm>>
      %dma_start3A_37 = tpu.memref_slice %arg4[%add3A_15] : memref<327680xi32, #tpu.memory_space<hbm>> -> memref<128xi32, #tpu.memory_space<hbm>>
      tpu.enqueue_dma source(%dma_start3A_37 : memref<128xi32, #tpu.memory_space<hbm>>) target(%arg8 : memref<128xi32, #tpu.memory_space<vmem>>) target_semaphore(%run_scoped3A : memref<!tpu.dma_semaphore, #tpu.memory_space<semaphore_mem>>)
      %dma_wait3A = tpu.memref_slice %arg4[%add3A_15] : memref<327680xi32, #tpu.memory_space<hbm>> -> memref<128xi32, #tpu.memory_space<hbm>>
      %dma_wait3A_38 = tpu.memref_slice %arg4[%add3A_15] : memref<327680xi32, #tpu.memory_space<hbm>> -> memref<128xi32, #tpu.memory_space<hbm>>
      tpu.wait_dma2 semaphore(%run_scoped3A : memref<!tpu.dma_semaphore, #tpu.memory_space<semaphore_mem>>) src(%dma_wait3A_38 : memref<128xi32, #tpu.memory_space<hbm>>) dst(%arg8 : memref<128xi32, #tpu.memory_space<vmem>>)
      tpu.yield
    }) : () -> ()
    %dma_start3A = arith.constant 0 : i32
    %dma_start3A_16 = arith.constant 0 : i32
    %dma_start3A_17 = tpu.memref_slice %arg2[%dma_start3A, %dma_start3A_16] : memref<10000x128xf32, #tpu.memory_space<hbm>> -> memref<10000x128xf32, #tpu.memory_space<hbm>>
    tpu.enqueue_indirect_dma source(%dma_start3A_17 : memref<10000x128xf32, #tpu.memory_space<hbm>>) target(%arg10 : memref<128x128xf32, #tpu.memory_space<vmem>>) offsets(%arg6 : memref<128xi32, #tpu.memory_space<vmem>>) semaphore(%arg13 : memref<!tpu.dma_semaphore, #tpu.memory_space<semaphore_mem>>)
    %add3A_18 = arith.constant 128 : i32
    %add3A_19 = arith.addi %mul3A_13, %add3A_18 : i32
    "tpu.region"() ({
      %run_scoped3A = tpu.sem_alloc : memref<!tpu.dma_semaphore, #tpu.memory_space<semaphore_mem>>
      %dma_start3A_36 = tpu.memref_slice %arg3[%add3A_19] : memref<327680xi32, #tpu.memory_space<hbm>> -> memref<128xi32, #tpu.memory_space<hbm>>
      %dma_start3A_37 = tpu.memref_slice %arg3[%add3A_19] : memref<327680xi32, #tpu.memory_space<hbm>> -> memref<128xi32, #tpu.memory_space<hbm>>
      tpu.enqueue_dma source(%dma_start3A_37 : memref<128xi32, #tpu.memory_space<hbm>>) target(%arg7 : memref<128xi32, #tpu.memory_space<vmem>>) target_semaphore(%run_scoped3A : memref<!tpu.dma_semaphore, #tpu.memory_space<semaphore_mem>>)
      %dma_wait3A = tpu.memref_slice %arg3[%add3A_19] : memref<327680xi32, #tpu.memory_space<hbm>> -> memref<128xi32, #tpu.memory_space<hbm>>
      %dma_wait3A_38 = tpu.memref_slice %arg3[%add3A_19] : memref<327680xi32, #tpu.memory_space<hbm>> -> memref<128xi32, #tpu.memory_space<hbm>>
      tpu.wait_dma2 semaphore(%run_scoped3A : memref<!tpu.dma_semaphore, #tpu.memory_space<semaphore_mem>>) src(%dma_wait3A_38 : memref<128xi32, #tpu.memory_space<hbm>>) dst(%arg7 : memref<128xi32, #tpu.memory_space<vmem>>)
      tpu.yield
    }) : () -> ()
    "tpu.region"() ({
      %run_scoped3A = tpu.sem_alloc : memref<!tpu.dma_semaphore, #tpu.memory_space<semaphore_mem>>
      %dma_start3A_36 = tpu.memref_slice %arg4[%add3A_19] : memref<327680xi32, #tpu.memory_space<hbm>> -> memref<128xi32, #tpu.memory_space<hbm>>
      %dma_start3A_37 = tpu.memref_slice %arg4[%add3A_19] : memref<327680xi32, #tpu.memory_space<hbm>> -> memref<128xi32, #tpu.memory_space<hbm>>
      tpu.enqueue_dma source(%dma_start3A_37 : memref<128xi32, #tpu.memory_space<hbm>>) target(%arg9 : memref<128xi32, #tpu.memory_space<vmem>>) target_semaphore(%run_scoped3A : memref<!tpu.dma_semaphore, #tpu.memory_space<semaphore_mem>>)
      %dma_wait3A = tpu.memref_slice %arg4[%add3A_19] : memref<327680xi32, #tpu.memory_space<hbm>> -> memref<128xi32, #tpu.memory_space<hbm>>
      %dma_wait3A_38 = tpu.memref_slice %arg4[%add3A_19] : memref<327680xi32, #tpu.memory_space<hbm>> -> memref<128xi32, #tpu.memory_space<hbm>>
      tpu.wait_dma2 semaphore(%run_scoped3A : memref<!tpu.dma_semaphore, #tpu.memory_space<semaphore_mem>>) src(%dma_wait3A_38 : memref<128xi32, #tpu.memory_space<hbm>>) dst(%arg9 : memref<128xi32, #tpu.memory_space<vmem>>)
      tpu.yield
    }) : () -> ()
    %dma_start3A_20 = arith.constant 0 : i32
    %dma_start3A_21 = arith.constant 0 : i32
    %dma_start3A_22 = tpu.memref_slice %arg2[%dma_start3A_20, %dma_start3A_21] : memref<10000x128xf32, #tpu.memory_space<hbm>> -> memref<10000x128xf32, #tpu.memory_space<hbm>>
    tpu.enqueue_indirect_dma source(%dma_start3A_22 : memref<10000x128xf32, #tpu.memory_space<hbm>>) target(%arg11 : memref<128x128xf32, #tpu.memory_space<vmem>>) offsets(%arg7 : memref<128xi32, #tpu.memory_space<vmem>>) semaphore(%arg14 : memref<!tpu.dma_semaphore, #tpu.memory_space<semaphore_mem>>)
    %scan3A_23 = arith.constant 0 : i32
    %scan3A_24 = arith.constant 0 : i32
    %scan3A_25 = arith.constant 40 : i32
    %scan3A_26 = arith.addi %scan3A_24, %scan3A_25 : i32
    %scan3A_27 = arith.constant 1 : i32
    scf.for %scan3A_36 = %scan3A_24 to %scan3A_26 step %scan3A_27  : i32 {
      %mul3A_37 = arith.constant 2 : i32
      %mul3A_38 = arith.muli %mul3A_37, %scan3A_36 : i32
      %add3A_39 = arith.constant 0 : i32
      %add3A_40 = arith.addi %mul3A_38, %add3A_39 : i32
      %dma_wait3A = arith.constant 0 : i32
      %dma_wait3A_41 = arith.constant 0 : i32
      %dma_wait3A_42 = tpu.memref_slice %arg2[%dma_wait3A, %dma_wait3A_41] : memref<10000x128xf32, #tpu.memory_space<hbm>> -> memref<10000x128xf32, #tpu.memory_space<hbm>>
      tpu.wait_indirect_dma semaphore(%arg13 : memref<!tpu.dma_semaphore, #tpu.memory_space<semaphore_mem>>) src(%dma_wait3A_42 : memref<10000x128xf32, #tpu.memory_space<hbm>>) dst(%arg10 : memref<128x128xf32, #tpu.memory_space<vmem>>)
      %dma_start3A_43 = arith.constant 0 : i32
      %dma_start3A_44 = arith.constant 0 : i32
      %dma_start3A_45 = tpu.memref_slice %arg12[%dma_start3A_43, %dma_start3A_44] : memref<10240x128xf32, #tpu.memory_space<vmem_shared>> -> memref<10240x128xf32, #tpu.memory_space<vmem_shared>>
      tpu.enqueue_indirect_dma source(%arg10 : memref<128x128xf32, #tpu.memory_space<vmem>>) target(%dma_start3A_45 : memref<10240x128xf32, #tpu.memory_space<vmem_shared>>) offsets(%arg8 : memref<128xi32, #tpu.memory_space<vmem>>) semaphore(%arg15 : memref<!tpu.dma_semaphore, #tpu.memory_space<semaphore_mem>>) {add = true}
      %dma_wait3A_46 = arith.constant 0 : i32
      %dma_wait3A_47 = arith.constant 0 : i32
      %dma_wait3A_48 = tpu.memref_slice %arg12[%dma_wait3A_46, %dma_wait3A_47] : memref<10240x128xf32, #tpu.memory_space<vmem_shared>> -> memref<10240x128xf32, #tpu.memory_space<vmem_shared>>
      tpu.wait_indirect_dma semaphore(%arg15 : memref<!tpu.dma_semaphore, #tpu.memory_space<semaphore_mem>>) src(%arg10 : memref<128x128xf32, #tpu.memory_space<vmem>>) dst(%dma_wait3A_48 : memref<10240x128xf32, #tpu.memory_space<vmem_shared>>)
      %add3A_49 = arith.constant 2 : i32
      %add3A_50 = arith.addi %add3A_40, %add3A_49 : i32
      %lt3A = arith.constant 80 : i32
      %lt3A_51 = arith.cmpi slt, %add3A_50, %lt3A : i32
      %convert_element_type3A = arith.extui %lt3A_51 : i1 to i32
      %cond3A = arith.constant 0 : i32
      %cond3A_52 = arith.cmpi ne, %convert_element_type3A, %cond3A : i32
      scf.if %cond3A_52 {
        %add3A_73 = arith.constant 2 : i32
        %add3A_74 = arith.addi %add3A_40, %add3A_73 : i32
        %mul3A_75 = arith.constant 128 : i32
        %mul3A_76 = arith.muli %add3A_74, %mul3A_75 : i32
        %add3A_77 = arith.addi %mul3A_13, %mul3A_76 : i32
        "tpu.region"() ({
          %run_scoped3A = tpu.sem_alloc : memref<!tpu.dma_semaphore, #tpu.memory_space<semaphore_mem>>
          %dma_start3A_81 = tpu.memref_slice %arg3[%add3A_77] : memref<327680xi32, #tpu.memory_space<hbm>> -> memref<128xi32, #tpu.memory_space<hbm>>
          %dma_start3A_82 = tpu.memref_slice %arg3[%add3A_77] : memref<327680xi32, #tpu.memory_space<hbm>> -> memref<128xi32, #tpu.memory_space<hbm>>
          tpu.enqueue_dma source(%dma_start3A_82 : memref<128xi32, #tpu.memory_space<hbm>>) target(%arg6 : memref<128xi32, #tpu.memory_space<vmem>>) target_semaphore(%run_scoped3A : memref<!tpu.dma_semaphore, #tpu.memory_space<semaphore_mem>>)
          %dma_wait3A_83 = tpu.memref_slice %arg3[%add3A_77] : memref<327680xi32, #tpu.memory_space<hbm>> -> memref<128xi32, #tpu.memory_space<hbm>>
          %dma_wait3A_84 = tpu.memref_slice %arg3[%add3A_77] : memref<327680xi32, #tpu.memory_space<hbm>> -> memref<128xi32, #tpu.memory_space<hbm>>
          tpu.wait_dma2 semaphore(%run_scoped3A : memref<!tpu.dma_semaphore, #tpu.memory_space<semaphore_mem>>) src(%dma_wait3A_84 : memref<128xi32, #tpu.memory_space<hbm>>) dst(%arg6 : memref<128xi32, #tpu.memory_space<vmem>>)
          tpu.yield
        }) : () -> ()
        "tpu.region"() ({
          %run_scoped3A = tpu.sem_alloc : memref<!tpu.dma_semaphore, #tpu.memory_space<semaphore_mem>>
          %dma_start3A_81 = tpu.memref_slice %arg4[%add3A_77] : memref<327680xi32, #tpu.memory_space<hbm>> -> memref<128xi32, #tpu.memory_space<hbm>>
          %dma_start3A_82 = tpu.memref_slice %arg4[%add3A_77] : memref<327680xi32, #tpu.memory_space<hbm>> -> memref<128xi32, #tpu.memory_space<hbm>>
          tpu.enqueue_dma source(%dma_start3A_82 : memref<128xi32, #tpu.memory_space<hbm>>) target(%arg8 : memref<128xi32, #tpu.memory_space<vmem>>) target_semaphore(%run_scoped3A : memref<!tpu.dma_semaphore, #tpu.memory_space<semaphore_mem>>)
          %dma_wait3A_83 = tpu.memref_slice %arg4[%add3A_77] : memref<327680xi32, #tpu.memory_space<hbm>> -> memref<128xi32, #tpu.memory_space<hbm>>
          %dma_wait3A_84 = tpu.memref_slice %arg4[%add3A_77] : memref<327680xi32, #tpu.memory_space<hbm>> -> memref<128xi32, #tpu.memory_space<hbm>>
          tpu.wait_dma2 semaphore(%run_scoped3A : memref<!tpu.dma_semaphore, #tpu.memory_space<semaphore_mem>>) src(%dma_wait3A_84 : memref<128xi32, #tpu.memory_space<hbm>>) dst(%arg8 : memref<128xi32, #tpu.memory_space<vmem>>)
          tpu.yield
        }) : () -> ()
        %dma_start3A_78 = arith.constant 0 : i32
        %dma_start3A_79 = arith.constant 0 : i32
        %dma_start3A_80 = tpu.memref_slice %arg2[%dma_start3A_78, %dma_start3A_79] : memref<10000x128xf32, #tpu.memory_space<hbm>> -> memref<10000x128xf32, #tpu.memory_space<hbm>>
        tpu.enqueue_indirect_dma source(%dma_start3A_80 : memref<10000x128xf32, #tpu.memory_space<hbm>>) target(%arg10 : memref<128x128xf32, #tpu.memory_space<vmem>>) offsets(%arg6 : memref<128xi32, #tpu.memory_space<vmem>>) semaphore(%arg13 : memref<!tpu.dma_semaphore, #tpu.memory_space<semaphore_mem>>)
      } else {
      }
      %mul3A_53 = arith.constant 2 : i32
      %mul3A_54 = arith.muli %mul3A_53, %scan3A_36 : i32
      %add3A_55 = arith.constant 1 : i32
      %add3A_56 = arith.addi %mul3A_54, %add3A_55 : i32
      %dma_wait3A_57 = arith.constant 0 : i32
      %dma_wait3A_58 = arith.constant 0 : i32
      %dma_wait3A_59 = tpu.memref_slice %arg2[%dma_wait3A_57, %dma_wait3A_58] : memref<10000x128xf32, #tpu.memory_space<hbm>> -> memref<10000x128xf32, #tpu.memory_space<hbm>>
      tpu.wait_indirect_dma semaphore(%arg14 : memref<!tpu.dma_semaphore, #tpu.memory_space<semaphore_mem>>) src(%dma_wait3A_59 : memref<10000x128xf32, #tpu.memory_space<hbm>>) dst(%arg11 : memref<128x128xf32, #tpu.memory_space<vmem>>)
      %dma_start3A_60 = arith.constant 0 : i32
      %dma_start3A_61 = arith.constant 0 : i32
      %dma_start3A_62 = tpu.memref_slice %arg12[%dma_start3A_60, %dma_start3A_61] : memref<10240x128xf32, #tpu.memory_space<vmem_shared>> -> memref<10240x128xf32, #tpu.memory_space<vmem_shared>>
      tpu.enqueue_indirect_dma source(%arg11 : memref<128x128xf32, #tpu.memory_space<vmem>>) target(%dma_start3A_62 : memref<10240x128xf32, #tpu.memory_space<vmem_shared>>) offsets(%arg9 : memref<128xi32, #tpu.memory_space<vmem>>) semaphore(%arg16 : memref<!tpu.dma_semaphore, #tpu.memory_space<semaphore_mem>>) {add = true}
      %dma_wait3A_63 = arith.constant 0 : i32
      %dma_wait3A_64 = arith.constant 0 : i32
      %dma_wait3A_65 = tpu.memref_slice %arg12[%dma_wait3A_63, %dma_wait3A_64] : memref<10240x128xf32, #tpu.memory_space<vmem_shared>> -> memref<10240x128xf32, #tpu.memory_space<vmem_shared>>
      tpu.wait_indirect_dma semaphore(%arg16 : memref<!tpu.dma_semaphore, #tpu.memory_space<semaphore_mem>>) src(%arg11 : memref<128x128xf32, #tpu.memory_space<vmem>>) dst(%dma_wait3A_65 : memref<10240x128xf32, #tpu.memory_space<vmem_shared>>)
      %add3A_66 = arith.constant 2 : i32
      %add3A_67 = arith.addi %add3A_56, %add3A_66 : i32
      %lt3A_68 = arith.constant 80 : i32
      %lt3A_69 = arith.cmpi slt, %add3A_67, %lt3A_68 : i32
      %convert_element_type3A_70 = arith.extui %lt3A_69 : i1 to i32
      %cond3A_71 = arith.constant 0 : i32
      %cond3A_72 = arith.cmpi ne, %convert_element_type3A_70, %cond3A_71 : i32
      scf.if %cond3A_72 {
        %add3A_73 = arith.constant 2 : i32
        %add3A_74 = arith.addi %add3A_56, %add3A_73 : i32
        %mul3A_75 = arith.constant 128 : i32
        %mul3A_76 = arith.muli %add3A_74, %mul3A_75 : i32
        %add3A_77 = arith.addi %mul3A_13, %mul3A_76 : i32
        "tpu.region"() ({
          %run_scoped3A = tpu.sem_alloc : memref<!tpu.dma_semaphore, #tpu.memory_space<semaphore_mem>>
          %dma_start3A_81 = tpu.memref_slice %arg3[%add3A_77] : memref<327680xi32, #tpu.memory_space<hbm>> -> memref<128xi32, #tpu.memory_space<hbm>>
          %dma_start3A_82 = tpu.memref_slice %arg3[%add3A_77] : memref<327680xi32, #tpu.memory_space<hbm>> -> memref<128xi32, #tpu.memory_space<hbm>>
          tpu.enqueue_dma source(%dma_start3A_82 : memref<128xi32, #tpu.memory_space<hbm>>) target(%arg7 : memref<128xi32, #tpu.memory_space<vmem>>) target_semaphore(%run_scoped3A : memref<!tpu.dma_semaphore, #tpu.memory_space<semaphore_mem>>)
          %dma_wait3A_83 = tpu.memref_slice %arg3[%add3A_77] : memref<327680xi32, #tpu.memory_space<hbm>> -> memref<128xi32, #tpu.memory_space<hbm>>
          %dma_wait3A_84 = tpu.memref_slice %arg3[%add3A_77] : memref<327680xi32, #tpu.memory_space<hbm>> -> memref<128xi32, #tpu.memory_space<hbm>>
          tpu.wait_dma2 semaphore(%run_scoped3A : memref<!tpu.dma_semaphore, #tpu.memory_space<semaphore_mem>>) src(%dma_wait3A_84 : memref<128xi32, #tpu.memory_space<hbm>>) dst(%arg7 : memref<128xi32, #tpu.memory_space<vmem>>)
          tpu.yield
        }) : () -> ()
        "tpu.region"() ({
          %run_scoped3A = tpu.sem_alloc : memref<!tpu.dma_semaphore, #tpu.memory_space<semaphore_mem>>
          %dma_start3A_81 = tpu.memref_slice %arg4[%add3A_77] : memref<327680xi32, #tpu.memory_space<hbm>> -> memref<128xi32, #tpu.memory_space<hbm>>
          %dma_start3A_82 = tpu.memref_slice %arg4[%add3A_77] : memref<327680xi32, #tpu.memory_space<hbm>> -> memref<128xi32, #tpu.memory_space<hbm>>
          tpu.enqueue_dma source(%dma_start3A_82 : memref<128xi32, #tpu.memory_space<hbm>>) target(%arg9 : memref<128xi32, #tpu.memory_space<vmem>>) target_semaphore(%run_scoped3A : memref<!tpu.dma_semaphore, #tpu.memory_space<semaphore_mem>>)
          %dma_wait3A_83 = tpu.memref_slice %arg4[%add3A_77] : memref<327680xi32, #tpu.memory_space<hbm>> -> memref<128xi32, #tpu.memory_space<hbm>>
          %dma_wait3A_84 = tpu.memref_slice %arg4[%add3A_77] : memref<327680xi32, #tpu.memory_space<hbm>> -> memref<128xi32, #tpu.memory_space<hbm>>
          tpu.wait_dma2 semaphore(%run_scoped3A : memref<!tpu.dma_semaphore, #tpu.memory_space<semaphore_mem>>) src(%dma_wait3A_84 : memref<128xi32, #tpu.memory_space<hbm>>) dst(%arg9 : memref<128xi32, #tpu.memory_space<vmem>>)
          tpu.yield
        }) : () -> ()
        %dma_start3A_78 = arith.constant 0 : i32
        %dma_start3A_79 = arith.constant 0 : i32
        %dma_start3A_80 = tpu.memref_slice %arg2[%dma_start3A_78, %dma_start3A_79] : memref<10000x128xf32, #tpu.memory_space<hbm>> -> memref<10000x128xf32, #tpu.memory_space<hbm>>
        tpu.enqueue_indirect_dma source(%dma_start3A_80 : memref<10000x128xf32, #tpu.memory_space<hbm>>) target(%arg11 : memref<128x128xf32, #tpu.memory_space<vmem>>) offsets(%arg7 : memref<128xi32, #tpu.memory_space<vmem>>) semaphore(%arg14 : memref<!tpu.dma_semaphore, #tpu.memory_space<semaphore_mem>>)
      } else {
      }
    }
    %scan3A_28 = arith.constant 40 : i32
    %barrier3A_29 = arith.constant 0 : index
    tpu.barrier barrier_id(%barrier3A_29)
    %scan3A_30 = arith.constant 0 : i32
    %scan3A_31 = arith.constant 0 : i32
    %scan3A_32 = arith.constant 5 : i32
    %scan3A_33 = arith.addi %scan3A_31, %scan3A_32 : i32
    %scan3A_34 = arith.constant 1 : i32
    scf.for %scan3A_36 = %scan3A_31 to %scan3A_33 step %scan3A_34  : i32 {
      %mul3A_37 = arith.constant 640 : i32
      %mul3A_38 = arith.muli %arg1, %mul3A_37 : i32
      %mul3A_39 = arith.constant 128 : i32
      %mul3A_40 = arith.muli %scan3A_36, %mul3A_39 : i32
      %add3A_41 = arith.addi %mul3A_38, %mul3A_40 : i32
      "tpu.region"() ({
        %run_scoped3A = tpu.sem_alloc : memref<!tpu.dma_semaphore, #tpu.memory_space<semaphore_mem>>
        %dma_start3A_45 = arith.constant 0 : i32
        %dma_start3A_46 = tpu.memref_slice %arg12[%add3A_41, %dma_start3A_45] : memref<10240x128xf32, #tpu.memory_space<vmem_shared>> -> memref<128x128xf32, #tpu.memory_space<vmem_shared>>
        %dma_start3A_47 = arith.constant 0 : i32
        %dma_start3A_48 = tpu.memref_slice %arg12[%add3A_41, %dma_start3A_47] : memref<10240x128xf32, #tpu.memory_space<vmem_shared>> -> memref<128x128xf32, #tpu.memory_space<vmem_shared>>
        tpu.enqueue_dma source(%dma_start3A_48 : memref<128x128xf32, #tpu.memory_space<vmem_shared>>) target(%arg10 : memref<128x128xf32, #tpu.memory_space<vmem>>) target_semaphore(%run_scoped3A : memref<!tpu.dma_semaphore, #tpu.memory_space<semaphore_mem>>)
        %dma_wait3A = arith.constant 0 : i32
        %dma_wait3A_49 = tpu.memref_slice %arg12[%add3A_41, %dma_wait3A] : memref<10240x128xf32, #tpu.memory_space<vmem_shared>> -> memref<128x128xf32, #tpu.memory_space<vmem_shared>>
        %dma_wait3A_50 = arith.constant 0 : i32
        %dma_wait3A_51 = tpu.memref_slice %arg12[%add3A_41, %dma_wait3A_50] : memref<10240x128xf32, #tpu.memory_space<vmem_shared>> -> memref<128x128xf32, #tpu.memory_space<vmem_shared>>
        tpu.wait_dma2 semaphore(%run_scoped3A : memref<!tpu.dma_semaphore, #tpu.memory_space<semaphore_mem>>) src(%dma_wait3A_51 : memref<128x128xf32, #tpu.memory_space<vmem_shared>>) dst(%arg10 : memref<128x128xf32, #tpu.memory_space<vmem>>)
        tpu.yield
      }) : () -> ()
      %mul3A_42 = arith.constant 10240 : i32
      %mul3A_43 = arith.muli %arg0, %mul3A_42 : i32
      %add3A_44 = arith.addi %mul3A_43, %add3A_41 : i32
      "tpu.region"() ({
        %run_scoped3A = tpu.sem_alloc : memref<!tpu.dma_semaphore, #tpu.memory_space<semaphore_mem>>
        %dma_start3A_45 = arith.constant 0 : i32
        %dma_start3A_46 = tpu.memref_slice %arg5[%add3A_44, %dma_start3A_45] : memref<20480x128xf32, #tpu.memory_space<hbm>> -> memref<128x128xf32, #tpu.memory_space<hbm>>
        %dma_start3A_47 = arith.constant 0 : i32
        %dma_start3A_48 = tpu.memref_slice %arg5[%add3A_44, %dma_start3A_47] : memref<20480x128xf32, #tpu.memory_space<hbm>> -> memref<128x128xf32, #tpu.memory_space<hbm>>
        tpu.enqueue_dma source(%arg10 : memref<128x128xf32, #tpu.memory_space<vmem>>) target(%dma_start3A_48 : memref<128x128xf32, #tpu.memory_space<hbm>>) target_semaphore(%run_scoped3A : memref<!tpu.dma_semaphore, #tpu.memory_space<semaphore_mem>>)
        %dma_wait3A = arith.constant 0 : i32
        %dma_wait3A_49 = tpu.memref_slice %arg5[%add3A_44, %dma_wait3A] : memref<20480x128xf32, #tpu.memory_space<hbm>> -> memref<128x128xf32, #tpu.memory_space<hbm>>
        %dma_wait3A_50 = arith.constant 0 : i32
        %dma_wait3A_51 = tpu.memref_slice %arg5[%add3A_44, %dma_wait3A_50] : memref<20480x128xf32, #tpu.memory_space<hbm>> -> memref<128x128xf32, #tpu.memory_space<hbm>>
        tpu.wait_dma2 semaphore(%run_scoped3A : memref<!tpu.dma_semaphore, #tpu.memory_space<semaphore_mem>>) src(%arg10 : memref<128x128xf32, #tpu.memory_space<vmem>>) dst(%dma_wait3A_51 : memref<128x128xf32, #tpu.memory_space<hbm>>)
        tpu.yield
      }) : () -> ()
    }
    %scan3A_35 = arith.constant 5 : i32
    return
  }
}

module attributes {stable_mosaic.version = 14 : i64} {
  func.func @_combine_body(%arg0: i32, %arg1: memref<2x1000x128xf32, #tpu.memory_space<vmem>>, %arg2: memref<2x1000x1xf32, #tpu.memory_space<vmem>>, %arg3: memref<1000x128xf32, #tpu.memory_space<vmem>>, %arg4: memref<128x128xf32, #tpu.memory_space<vmem>>, %arg5: memref<128x128xf32, #tpu.memory_space<vmem>>, %arg6: memref<1x128xf32, #tpu.memory_space<vmem>>, %arg7: memref<1000x128xf32, #tpu.memory_space<vmem>>) attributes {dimension_semantics = [#tpu.dimension_semantics<arbitrary>], iteration_bounds = array<i64: 10>, scalar_prefetch = 0 : i64, scratch_operands = 0 : i64, tpu.core_type = #tpu.core_type<tc>, window_params = [{transform_indices = @transform_0, window_bounds = array<i64: 2, 1000, 128>}, {transform_indices = @transform_1, window_bounds = array<i64: 2, 1000, 1>}, {transform_indices = @transform_2, window_bounds = array<i64: 1000, 128>}, {pipeline_mode = #tpu.pipeline_mode<synchronous>, transform_indices = @transform_3, window_bounds = array<i64: 128, 128>}, {pipeline_mode = #tpu.pipeline_mode<synchronous>, transform_indices = @transform_4, window_bounds = array<i64: 128, 128>}, {pipeline_mode = #tpu.pipeline_mode<synchronous>, transform_indices = @transform_5, window_bounds = array<i64: 1, 128>}, {transform_indices = @transform_6, window_bounds = array<i64: 1000, 128>}]} {
    %get3A = arith.constant 0 : index
    %get3A_0 = arith.constant 0 : index
    %get3A_1 = arith.constant 0 : index
    %get3A_2 = vector.load %arg2[%get3A, %get3A_0, %get3A_1] : memref<2x1000x1xf32, #tpu.memory_space<vmem>>, vector<1x1000x1xf32>
    %get3A_3 = vector.shape_cast %get3A_2 : vector<1x1000x1xf32> to vector<1000xf32>
    %get3A_4 = arith.constant 1 : index
    %get3A_5 = arith.constant 0 : index
    %get3A_6 = arith.constant 0 : index
    %get3A_7 = vector.load %arg2[%get3A_4, %get3A_5, %get3A_6] : memref<2x1000x1xf32, #tpu.memory_space<vmem>>, vector<1x1000x1xf32>
    %get3A_8 = vector.shape_cast %get3A_7 : vector<1x1000x1xf32> to vector<1000xf32>
    %add3A = arith.addf %get3A_3, %get3A_8 : vector<1000xf32>
    %max3A = arith.constant 1.000000e+00 : f32
    %max3A_9 = vector.broadcast %max3A : f32 to vector<1000xf32>
    %max3A_10 = arith.maximumf %add3A, %max3A_9 : vector<1000xf32>
    %get3A_11 = arith.constant 0 : index
    %get3A_12 = arith.constant 0 : index
    %get3A_13 = arith.constant 0 : index
    %get3A_14 = vector.load %arg1[%get3A_11, %get3A_12, %get3A_13] : memref<2x1000x128xf32, #tpu.memory_space<vmem>>, vector<1x1000x128xf32>
    %get3A_15 = vector.shape_cast %get3A_14 : vector<1x1000x128xf32> to vector<1000x128xf32>
    %get3A_16 = arith.constant 1 : index
    %get3A_17 = arith.constant 0 : index
    %get3A_18 = arith.constant 0 : index
    %get3A_19 = vector.load %arg1[%get3A_16, %get3A_17, %get3A_18] : memref<2x1000x128xf32, #tpu.memory_space<vmem>>, vector<1x1000x128xf32>
    %get3A_20 = vector.shape_cast %get3A_19 : vector<1x1000x128xf32> to vector<1000x128xf32>
    %add3A_21 = arith.addf %get3A_15, %get3A_20 : vector<1000x128xf32>
    %broadcast_in_dim3A = vector.shape_cast %max3A_10 : vector<1000xf32> to vector<1000x1xf32>
    %div3A = vector.broadcast %broadcast_in_dim3A : vector<1000x1xf32> to vector<1000x128xf32>
    %div3A_22 = arith.divf %add3A_21, %div3A : vector<1000x128xf32>
    %get3A_23 = arith.constant 0 : index
    %get3A_24 = arith.constant 0 : index
    %get3A_25 = vector.load %arg3[%get3A_23, %get3A_24] : memref<1000x128xf32, #tpu.memory_space<vmem>>, vector<1000x128xf32>
    %get3A_26 = arith.constant 0 : index
    %get3A_27 = arith.constant 0 : index
    %get3A_28 = vector.load %arg4[%get3A_26, %get3A_27] : memref<128x128xf32, #tpu.memory_space<vmem>>, vector<128x128xf32>
    %dot_general3A = arith.constant dense<0.000000e+00> : vector<1000x128xf32>
    %dot_general3A_29 = tpu.matmul %get3A_25, %get3A_28, %dot_general3A {dimension_numbers = #tpu.dot_dimension_numbers<[1], [0], [0], [1], [0, 0, 1, 1], [], []>, transpose_lhs_hint = false} : vector<1000x128xf32>, vector<128x128xf32>, vector<1000x128xf32> -> vector<1000x128xf32>
    %get3A_30 = arith.constant 0 : index
    %get3A_31 = arith.constant 0 : index
    %get3A_32 = vector.load %arg5[%get3A_30, %get3A_31] : memref<128x128xf32, #tpu.memory_space<vmem>>, vector<128x128xf32>
    %dot_general3A_33 = arith.constant dense<0.000000e+00> : vector<1000x128xf32>
    %dot_general3A_34 = tpu.matmul %div3A_22, %get3A_32, %dot_general3A_33 {dimension_numbers = #tpu.dot_dimension_numbers<[1], [0], [0], [1], [0, 0, 1, 1], [], []>, transpose_lhs_hint = false} : vector<1000x128xf32>, vector<128x128xf32>, vector<1000x128xf32> -> vector<1000x128xf32>
    %add3A_35 = arith.addf %dot_general3A_29, %dot_general3A_34 : vector<1000x128xf32>
    %get3A_36 = arith.constant 0 : index
    %get3A_37 = arith.constant 0 : index
    %get3A_38 = vector.load %arg6[%get3A_36, %get3A_37] : memref<1x128xf32, #tpu.memory_space<vmem>>, vector<1x128xf32>
    %add3A_39 = vector.broadcast %get3A_38 : vector<1x128xf32> to vector<1000x128xf32>
    %add3A_40 = arith.addf %add3A_35, %add3A_39 : vector<1000x128xf32>
    %max3A_41 = arith.constant 0.000000e+00 : f32
    %max3A_42 = vector.broadcast %max3A_41 : f32 to vector<1000x128xf32>
    %max3A_43 = arith.maximumf %add3A_40, %max3A_42 : vector<1000x128xf32>
    %swap3A = arith.constant 0 : index
    %swap3A_44 = arith.constant 0 : index
    %swap3A_45 = vector.load %arg7[%swap3A, %swap3A_44] : memref<1000x128xf32, #tpu.memory_space<vmem>>, vector<1000x128xf32>
    tpu.vector_store %arg7[%swap3A, %swap3A_44], %max3A_43 {strides = array<i32>} : memref<1000x128xf32, #tpu.memory_space<vmem>>, vector<1000x128xf32>,
    return
  }
  func.func @transform_0(%arg0: i32) -> (i32, i32, i32) {
    %c0_i32 = arith.constant 0 : i32
    %c0_i32_0 = arith.constant 0 : i32
    %c0_i32_1 = arith.constant 0 : i32
    return %c0_i32, %arg0, %c0_i32_0 : i32, i32, i32
  }
  func.func @transform_1(%arg0: i32) -> (i32, i32, i32) {
    %c0_i32 = arith.constant 0 : i32
    %c0_i32_0 = arith.constant 0 : i32
    %c0_i32_1 = arith.constant 0 : i32
    return %c0_i32, %arg0, %c0_i32_0 : i32, i32, i32
  }
  func.func @transform_2(%arg0: i32) -> (i32, i32) {
    %c0_i32 = arith.constant 0 : i32
    %c0_i32_0 = arith.constant 0 : i32
    return %arg0, %c0_i32 : i32, i32
  }
  func.func @transform_3(%arg0: i32) -> (i32, i32) {
    %c0_i32 = arith.constant 0 : i32
    %c0_i32_0 = arith.constant 0 : i32
    %c0_i32_1 = arith.constant 0 : i32
    return %c0_i32, %c0_i32_0 : i32, i32
  }
  func.func @transform_4(%arg0: i32) -> (i32, i32) {
    %c0_i32 = arith.constant 0 : i32
    %c0_i32_0 = arith.constant 0 : i32
    %c0_i32_1 = arith.constant 0 : i32
    return %c0_i32, %c0_i32_0 : i32, i32
  }
  func.func @transform_5(%arg0: i32) -> (i32, i32) {
    %c0_i32 = arith.constant 0 : i32
    %c0_i32_0 = arith.constant 0 : i32
    %c0_i32_1 = arith.constant 0 : i32
    return %c0_i32, %c0_i32_0 : i32, i32
  }
  func.func @transform_6(%arg0: i32) -> (i32, i32) {
    %c0_i32 = arith.constant 0 : i32
    %c0_i32_0 = arith.constant 0 : i32
    return %arg0, %c0_i32 : i32, i32
  }
}

module attributes {stable_mosaic.version = 14 : i64} {
  func.func @_combine_body(%arg0: i32, %arg1: memref<2x1000x128xf32, #tpu.memory_space<vmem>>, %arg2: memref<2x1000x1xf32, #tpu.memory_space<vmem>>, %arg3: memref<1000x128xf32, #tpu.memory_space<vmem>>, %arg4: memref<128x48xf32, #tpu.memory_space<vmem>>, %arg5: memref<128x48xf32, #tpu.memory_space<vmem>>, %arg6: memref<1x48xf32, #tpu.memory_space<vmem>>, %arg7: memref<1000x48xf32, #tpu.memory_space<vmem>>) attributes {dimension_semantics = [#tpu.dimension_semantics<arbitrary>], iteration_bounds = array<i64: 10>, scalar_prefetch = 0 : i64, scratch_operands = 0 : i64, tpu.core_type = #tpu.core_type<tc>, window_params = [{transform_indices = @transform_0, window_bounds = array<i64: 2, 1000, 128>}, {transform_indices = @transform_1, window_bounds = array<i64: 2, 1000, 1>}, {transform_indices = @transform_2, window_bounds = array<i64: 1000, 128>}, {pipeline_mode = #tpu.pipeline_mode<synchronous>, transform_indices = @transform_3, window_bounds = array<i64: 128, 48>}, {pipeline_mode = #tpu.pipeline_mode<synchronous>, transform_indices = @transform_4, window_bounds = array<i64: 128, 48>}, {pipeline_mode = #tpu.pipeline_mode<synchronous>, transform_indices = @transform_5, window_bounds = array<i64: 1, 48>}, {transform_indices = @transform_6, window_bounds = array<i64: 1000, 48>}]} {
    %get3A = arith.constant 0 : index
    %get3A_0 = arith.constant 0 : index
    %get3A_1 = arith.constant 0 : index
    %get3A_2 = vector.load %arg2[%get3A, %get3A_0, %get3A_1] : memref<2x1000x1xf32, #tpu.memory_space<vmem>>, vector<1x1000x1xf32>
    %get3A_3 = vector.shape_cast %get3A_2 : vector<1x1000x1xf32> to vector<1000xf32>
    %get3A_4 = arith.constant 1 : index
    %get3A_5 = arith.constant 0 : index
    %get3A_6 = arith.constant 0 : index
    %get3A_7 = vector.load %arg2[%get3A_4, %get3A_5, %get3A_6] : memref<2x1000x1xf32, #tpu.memory_space<vmem>>, vector<1x1000x1xf32>
    %get3A_8 = vector.shape_cast %get3A_7 : vector<1x1000x1xf32> to vector<1000xf32>
    %add3A = arith.addf %get3A_3, %get3A_8 : vector<1000xf32>
    %max3A = arith.constant 1.000000e+00 : f32
    %max3A_9 = vector.broadcast %max3A : f32 to vector<1000xf32>
    %max3A_10 = arith.maximumf %add3A, %max3A_9 : vector<1000xf32>
    %get3A_11 = arith.constant 0 : index
    %get3A_12 = arith.constant 0 : index
    %get3A_13 = arith.constant 0 : index
    %get3A_14 = vector.load %arg1[%get3A_11, %get3A_12, %get3A_13] : memref<2x1000x128xf32, #tpu.memory_space<vmem>>, vector<1x1000x128xf32>
    %get3A_15 = vector.shape_cast %get3A_14 : vector<1x1000x128xf32> to vector<1000x128xf32>
    %get3A_16 = arith.constant 1 : index
    %get3A_17 = arith.constant 0 : index
    %get3A_18 = arith.constant 0 : index
    %get3A_19 = vector.load %arg1[%get3A_16, %get3A_17, %get3A_18] : memref<2x1000x128xf32, #tpu.memory_space<vmem>>, vector<1x1000x128xf32>
    %get3A_20 = vector.shape_cast %get3A_19 : vector<1x1000x128xf32> to vector<1000x128xf32>
    %add3A_21 = arith.addf %get3A_15, %get3A_20 : vector<1000x128xf32>
    %broadcast_in_dim3A = vector.shape_cast %max3A_10 : vector<1000xf32> to vector<1000x1xf32>
    %div3A = vector.broadcast %broadcast_in_dim3A : vector<1000x1xf32> to vector<1000x128xf32>
    %div3A_22 = arith.divf %add3A_21, %div3A : vector<1000x128xf32>
    %get3A_23 = arith.constant 0 : index
    %get3A_24 = arith.constant 0 : index
    %get3A_25 = vector.load %arg3[%get3A_23, %get3A_24] : memref<1000x128xf32, #tpu.memory_space<vmem>>, vector<1000x128xf32>
    %get3A_26 = arith.constant 0 : index
    %get3A_27 = arith.constant 0 : index
    %get3A_28 = vector.load %arg4[%get3A_26, %get3A_27] : memref<128x48xf32, #tpu.memory_space<vmem>>, vector<128x48xf32>
    %dot_general3A = arith.constant dense<0.000000e+00> : vector<1000x48xf32>
    %dot_general3A_29 = tpu.matmul %get3A_25, %get3A_28, %dot_general3A {dimension_numbers = #tpu.dot_dimension_numbers<[1], [0], [0], [1], [0, 0, 1, 1], [], []>, transpose_lhs_hint = false} : vector<1000x128xf32>, vector<128x48xf32>, vector<1000x48xf32> -> vector<1000x48xf32>
    %get3A_30 = arith.constant 0 : index
    %get3A_31 = arith.constant 0 : index
    %get3A_32 = vector.load %arg5[%get3A_30, %get3A_31] : memref<128x48xf32, #tpu.memory_space<vmem>>, vector<128x48xf32>
    %dot_general3A_33 = arith.constant dense<0.000000e+00> : vector<1000x48xf32>
    %dot_general3A_34 = tpu.matmul %div3A_22, %get3A_32, %dot_general3A_33 {dimension_numbers = #tpu.dot_dimension_numbers<[1], [0], [0], [1], [0, 0, 1, 1], [], []>, transpose_lhs_hint = false} : vector<1000x128xf32>, vector<128x48xf32>, vector<1000x48xf32> -> vector<1000x48xf32>
    %add3A_35 = arith.addf %dot_general3A_29, %dot_general3A_34 : vector<1000x48xf32>
    %get3A_36 = arith.constant 0 : index
    %get3A_37 = arith.constant 0 : index
    %get3A_38 = vector.load %arg6[%get3A_36, %get3A_37] : memref<1x48xf32, #tpu.memory_space<vmem>>, vector<1x48xf32>
    %add3A_39 = vector.broadcast %get3A_38 : vector<1x48xf32> to vector<1000x48xf32>
    %add3A_40 = arith.addf %add3A_35, %add3A_39 : vector<1000x48xf32>
    %swap3A = arith.constant 0 : index
    %swap3A_41 = arith.constant 0 : index
    %swap3A_42 = vector.load %arg7[%swap3A, %swap3A_41] : memref<1000x48xf32, #tpu.memory_space<vmem>>, vector<1000x48xf32>
    tpu.vector_store %arg7[%swap3A, %swap3A_41], %add3A_40 {strides = array<i32>} : memref<1000x48xf32, #tpu.memory_space<vmem>>, vector<1000x48xf32>,
    return
  }
  func.func @transform_0(%arg0: i32) -> (i32, i32, i32) {
    %c0_i32 = arith.constant 0 : i32
    %c0_i32_0 = arith.constant 0 : i32
    %c0_i32_1 = arith.constant 0 : i32
    return %c0_i32, %arg0, %c0_i32_0 : i32, i32, i32
  }
  func.func @transform_1(%arg0: i32) -> (i32, i32, i32) {
    %c0_i32 = arith.constant 0 : i32
    %c0_i32_0 = arith.constant 0 : i32
    %c0_i32_1 = arith.constant 0 : i32
    return %c0_i32, %arg0, %c0_i32_0 : i32, i32, i32
  }
  func.func @transform_2(%arg0: i32) -> (i32, i32) {
    %c0_i32 = arith.constant 0 : i32
    %c0_i32_0 = arith.constant 0 : i32
    return %arg0, %c0_i32 : i32, i32
  }
  func.func @transform_3(%arg0: i32) -> (i32, i32) {
    %c0_i32 = arith.constant 0 : i32
    %c0_i32_0 = arith.constant 0 : i32
    %c0_i32_1 = arith.constant 0 : i32
    return %c0_i32, %c0_i32_0 : i32, i32
  }
  func.func @transform_4(%arg0: i32) -> (i32, i32) {
    %c0_i32 = arith.constant 0 : i32
    %c0_i32_0 = arith.constant 0 : i32
    %c0_i32_1 = arith.constant 0 : i32
    return %c0_i32, %c0_i32_0 : i32, i32
  }
  func.func @transform_5(%arg0: i32) -> (i32, i32) {
    %c0_i32 = arith.constant 0 : i32
    %c0_i32_0 = arith.constant 0 : i32
    %c0_i32_1 = arith.constant 0 : i32
    return %c0_i32, %c0_i32_0 : i32, i32
  }
  func.func @transform_6(%arg0: i32) -> (i32, i32) {
    %c0_i32 = arith.constant 0 : i32
    %c0_i32_0 = arith.constant 0 : i32
    return %arg0, %c0_i32 : i32, i32
  }
}

</mosaic_0001>

<sc_bundles>
// kernel: kernel.12.cloned.1.call-start
scs
__scs_entry_jumppad:
0x0: {  	(pc) =	sbr.rel $0x88, $3  }
0x1: {  	(tag) =	ssettag $0x0;
	lr =	simm.s32 $0x1  }
0x2: {  	[smem:$0x3F96] =	sst lr;
	_ =	strace $0xD0000000  }
0x3: {  	_ = 	snop  }
0x4: {  	_ = 	snop  }
0x5: {  	_ = 	snop  }
0x6: {  	_ = 	snop  }
0x7: {  	_ = 	snop  }
__scs_overlays_trampoline_lowered:
0x8: {  	[smem:$0x3FA5] =	sst s0  }
0x9: {  	[smem:$0x3FA6] =	sst s1  }
0xa: {  	[smem:$0x3FA7] =	sst s2  }
0xb: {  	[smem:$0x3FA8] =	sst s3  }
0xc: {  	[smem:$0x3FA9] =	sst s4  }
0xd: {  	[smem:$0x3FAA] =	sst s5  }
0xe: {  	[smem:$0x3FAB] =	sst s6  }
0xf: {  	[smem:$0x3FAC] =	sst s7  }
0x10: {  	[smem:$0x3FAD] =	sst s8  }
0x11: {  	[smem:$0x3FAE] =	sst s9;
	s0 =	simm.s32 @!p0 $0x0  }
0x12: {  	s1 =	sld [smem:$0x3F94];
	s0 =	simm.s32 @p0 $0x1  }
0x13: {  	[smem:$0x3FAF] =	sst s0;
	s0 =	simm.s32 @!p1 $0x0  }
0x14: {  	s2 =	sld [smem:$0x3F93];
	s0 =	simm.s32 @p1 $0x1  }
0x15: {  	[smem:$0x3FB0] =	sst s0;
	s0 =	simm.s32 @!p2 $0x0  }
0x16: {  	s3 =	sld [smem:$0x3FDB];
	s0 =	simm.s32 @p2 $0x1  }
0x17: {  	s4 =	simm.s32 $0x1BF5;
	[smem:$0x3FB2] =	sst s0  }
0x18: {  	s0 =	sld [smem:$0x3F95];
	_ =	swait.ge [sflag:s4], $0x0  }
0x19: {  	s7 =	sld [smem:$0x3F96]  }
0x1a: {  	s8 =	sadd.s32 $0xFFFFE003, lr  }
0x1b: {  	s9 =	sadd.s32 $0xFFFFFEF7, lr;
	s5 =	simm.s32 $0xFFFFFFFF;
	p2 =	slt.u32 s8, $0xFFFFF086  }
0x1c: {  	p1 =	slt.u32 s9, $0xF7A;
	s5 =	simm.s32 @!p2 $0x0  }
0x1d: {  	s5 =	simm.s32 @p1 $0x1;
	p0 =	seq.s32 s7, s2  }
0x1e: {  	s7 =	smul.u32 @!p0 $0xF7A, s2;
	p2 =	seq.s32 @!p0 s5, $0x0  }
0x1f: {  	s9 =	smul.u32 $0xF7A, s1;
	s8 =	simm.s32 @!p0 $0x1BF5;
	p2 =	por !p2, p0  }
0x20: {  	[sflag:s8] =	ssyncset.s32 @!p0 $0xFFFFF086;
	s6 =	sadd.s32 @!p0 s3, s7;
	s7 =	simm.s32 @!p0 $0x108  }
0x21: {  	s3 =	sadd.s32 s3, s9;
	s6 =	sadd.s32 @!p0 $0x88, s6;
	s7 =	simm.s32 @p2 $0x1082  }
0x22: {  	[simem:s7], [sflag:s8] =	dma.local @!p0 [hbm:s6], $0xF7A  }
0x23: {  	s9 =	sor.u32 $0xD0000000, s2;
	s6 =	simm.s32 $0x108;
	_ =	swait.ge @!p0 [sflag:s8], $0x0  }
0x24: {  	s3 =	sadd.s32 $0x88, s3;
	s6 =	simm.s32 @!p1 $0x1082;
	[sflag:s4] =	ssyncset.s32 $0xFFFFF086  }
0x25: {  	[simem:s6], [sflag:s4] =	dma.local [hbm:s3], $0xF7A  }
0x26: {  	[smem:$0x3F96] =	sst s1;
	(tag) =	ssettag s2;
	_ =	strace s9  }
0x27: {  	s1 =	sld [smem:$0x3FA6]  }
0x28: {  	s2 =	sld [smem:$0x3FA7]  }
0x29: {  	s4 =	sld [smem:$0x3FA9]  }
0x2a: {  	p0 =	seq.s32 s5, $0x0;
	s5 =	sld [smem:$0x3FAA]  }
0x2b: {  	s6 =	sld [smem:$0x3FAB]  }
0x2c: {  	s7 =	sld [smem:$0x3FAC]  }
0x2d: {  	s3 =	simm.s32 $0x108;
	s8 =	sld [smem:$0x3FAD]  }
0x2e: {  	s3 =	simm.s32 @!p0 $0x1082;
	s9 =	sld [smem:$0x3FAE]  }
0x2f: {  	lr =	sadd.s32 s0, s3;
	s0 =	sld [smem:$0x3FA5]  }
0x30: {  	s3 =	sld [smem:$0x3FA8]  }
0x31: {  	[smem:$0x3FB1] =	sst s10  }
0x32: {  	s10 =	sld [smem:$0x3FAF];
	_ =	sdelay $0x3  }
0x33: {  	p0 =	seq.s32 s10, $0x1;
	s10 =	sld [smem:$0x3FB1];
	_ =	sdelay $0x3  }
0x34: {  	[smem:$0x3FB1] =	sst s10  }
0x35: {  	s10 =	sld [smem:$0x3FB0];
	_ =	sdelay $0x3  }
0x36: {  	p1 =	seq.s32 s10, $0x1;
	s10 =	sld [smem:$0x3FB1];
	_ =	sdelay $0x3  }
0x37: {  	[smem:$0x3FB1] =	sst s10  }
0x38: {  	s10 =	sld [smem:$0x3FB2]  }
0x39: {  	_ = 	snop;
	(pc) =	sbr.ind lr, $3  }
0x3a: {  	_ = 	snop  }
0x3b: {  	_ = 	snop  }
0x3c: {  	p2 =	seq.s32 s10, $0x1;
	s10 =	sld [smem:$0x3FB1]  }
0x3d: {  	_ =	shalt  }
0x3e: {  	_ =	shalt  }
0x3f: {  	_ =	shalt  }
0x40: {  	_ =	shalt  }
0x41: {  	_ =	shalt  }
0x42: {  	_ =	shalt  }
0x43: {  	_ =	shalt  }
0x44: {  	_ =	shalt  }
0x45: {  	_ =	shalt  }
0x46: {  	_ =	shalt  }
0x47: {  	_ =	shalt  }
0x48: {  	_ =	shalt  }
0x49: {  	_ =	shalt  }
0x4a: {  	_ =	shalt  }
0x4b: {  	_ =	shalt  }
0x4c: {  	_ =	shalt  }
0x4d: {  	_ =	shalt  }
0x4e: {  	_ =	shalt  }
0x4f: {  	_ =	shalt  }
0x50: {  	_ =	shalt  }
0x51: {  	_ =	shalt  }
0x52: {  	_ =	shalt  }
0x53: {  	_ =	shalt  }
0x54: {  	_ =	shalt  }
0x55: {  	_ =	shalt  }
0x56: {  	_ =	shalt  }
0x57: {  	_ =	shalt  }
0x58: {  	_ =	shalt  }
0x59: {  	_ =	shalt  }
0x5a: {  	_ =	shalt  }
0x5b: {  	_ =	shalt  }
0x5c: {  	_ =	shalt  }
0x5d: {  	_ =	shalt  }
0x5e: {  	_ =	shalt  }
0x5f: {  	_ =	shalt  }
0x60: {  	_ =	shalt  }
0x61: {  	_ =	shalt  }
0x62: {  	_ =	shalt  }
0x63: {  	_ =	shalt  }
0x64: {  	_ =	shalt  }
0x65: {  	_ =	shalt  }
0x66: {  	_ =	shalt  }
0x67: {  	_ =	shalt  }
0x68: {  	_ =	shalt  }
0x69: {  	_ =	shalt  }
0x6a: {  	_ =	shalt  }
0x6b: {  	_ =	shalt  }
0x6c: {  	_ =	shalt  }
0x6d: {  	_ =	shalt  }
0x6e: {  	_ =	shalt  }
0x6f: {  	_ =	shalt  }
0x70: {  	_ =	shalt  }
0x71: {  	_ =	shalt  }
0x72: {  	_ =	shalt  }
0x73: {  	_ =	shalt  }
0x74: {  	_ =	shalt  }
0x75: {  	_ =	shalt  }
0x76: {  	_ =	shalt  }
0x77: {  	_ =	shalt  }
0x78: {  	_ =	shalt  }
0x79: {  	_ =	shalt  }
0x7a: {  	_ =	shalt  }
0x7b: {  	_ =	shalt  }
0x7c: {  	_ =	shalt  }
0x7d: {  	_ =	shalt  }
0x7e: {  	_ =	shalt  }
0x7f: {  	_ =	shalt  }
0x80: {  	_ =	shalt  }
0x81: {  	_ =	shalt  }
0x82: {  	_ =	shalt  }
0x83: {  	_ =	shalt  }
0x84: {  	_ =	shalt  }
0x85: {  	_ =	shalt  }
0x86: {  	_ =	shalt  }
0x87: {  	_ =	shalt  }
.Lfunc_end0:
.L_simem_size_0:
called_computation.1_lowered:
.L_overlay_start_0:
0x88: {  	s2 =	sld [smem:$0x3FD9]  }
0x89: {  	s3 =	sld [smem:$0x3FFE];
	_ =	sdelay $0x1  }
0x8a: {  	s1 =	srdreg.scid  }
0x8b: {  	s0 =	sand.u32 $0x1, s1  }
0x8c: {  	s17 =	sshll.u32 s0, $0xA;
	s2 =	sadd.s32 s3, s2  }
0x8d: {  	s2 =	sadd.s32 s2, s17  }
0x8e: {  	[smem:$0x3FBD] =	sst s2  }
0x8f: {  	_ = 	snop  }
0x90: {  	s2 =	sld [smem:$0x3FC9]  }
0x91: {  	s18 =	sld [smem:$0x3FD0];
	(tm) =	ssettm $0x1  }
0x92: {  	s4 =	sld [smem:$0x3FFB];
	_ =	sdelay $0x3  }
0x93: {  	_ =	strace s4  }
0x94: {  	s4 =	sld [smem:$0x3FFC];
	_ =	sdelay $0x3  }
0x95: {  	_ =	strace s4  }
0x96: {  	s4 =	sld [smem:$0x3FFD];
	_ =	sdelay $0x3  }
0x97: {  	_ =	strace s4  }
0x98: {  	_ =	strace $0x8FFFFFFF  }
0x99: {  	s19 =	sld [smem:$0x3FDB];
	_ =	sdelay $0x1  }
0x9a: {  	s5 =	simm.s32 $_scs_section_size  }
0x9b: {  	s6 =	simm.s32 $_size__tile_overlayer_lowered;
	s7 =	simm.s32 $_tile_overlayer_lowered  }
0x9c: {  	s22 =	simm.s32 $0x1BFF;
	s21 =	sshll.u32 s7, $0x1;
	s4 =	sadd.s32 s5, s19  }
0x9d: {  	s8 =	simm.s32 $0x0;
	s20 =	sshll.u32 s6, $0x1;
	s6 =	sadd.s32 s21, s4  }
0x9e: {  	[timem:s8], [sflag:s22] =	dma.local [hbm:s6], s20  }
0x9f: {  	_ =	swait.ge [sflag:s22], s20  }
0xa0: {  	s5 =	ssub.s32 $0x0, s20;
	[sflag:s22] =	ssyncset.done $0x0  }
0xa1: {  	[sflag:s22] =	ssyncadd.s32 s5;
	_ =	sdelay $0x1  }
0xa2: {  	s23 =	simm.s32 $0x1B8B  }
0xa3: {  	_ =	swait.ge [sflag:s23], $0x1  }
0xa4: {  	[sflag:s23] =	ssyncset.done $0x0  }
0xa5: {  	s25 =	simm.s32 $0x1B8E;
	s24 =	sld [smem:$0x3FFE];
	[sflag:s23] =	ssyncadd.s32 $0xFFFFFFFF  }
0xa6: {  	s26 =	simm.s32 $execute0_lowered;
	[smem:$0x3FD2] =	sst s25  }
0xa7: {  	s6 =	sshll.u32 s26, $0x1;
	_ =	strace $0x80000046;
	[dreg:$0x1] =	wrdreg $0xFFFFFFFF  }
0xa8: {  	s28 =	simm.s32 $_size_execute0_lowered;
	s4 =	sadd.s32 s4, s6;
	[dreg:$0x0] =	wrdreg $0x0  }
0xa9: {  	s6 =	sshll.u32 s28, $0x1;
	[dreg:$0x2] =	wrdreg s4  }
0xaa: {  	[dreg:$0x3] =	wrdreg s6  }
0xab: {  	[dreg:$0x4] =	wrdreg $0xC0  }
0xac: {  	_ =	task [dreg:s8], $0x5FFFF  }
0xad: {  	[dreg:$0x1] =	wrdreg $0xFFFFFFFF  }
0xae: {  	[dreg:$0x0] =	wrdreg $0x60  }
0xaf: {  	[dreg:$0x2] =	wrdreg s2  }
0xb0: {  	[dreg:$0x3] =	wrdreg s18  }
0xb1: {  	[dreg:$0x4] =	wrdreg s24  }
0xb2: {  	[dreg:$0x5] =	wrdreg $0x82000  }
0xb3: {  	[dreg:$0x6] =	wrdreg $0xA  }
0xb4: {  	_ =	task.clear_ibuf [dreg:s8], $0x7FFFF;
	_ =	strace $0x90000046  }
0xb5: {  	s29 =	simm.s32 $0xA;
	_ =	strace $0x80000048  }
0xb6: {  	_ =	swait.ge [sflag:s29], $0x1  }
0xb7: {  	[sflag:s29] =	ssyncadd.s32 $0xFFFFFFFF  }
0xb8: {  	_ =	strace $0x90000048  }
0xb9: {  	_ =	sfence  }
0xba: {  	s30 =	sld [smem:$0x0];
	_ =	sdelay $0x2  }
0xbb: {  	s31 =	sshll.u32 s1, $0xD;
	s1 =	sshrl.u32 s1, $0x2  }
0xbc: {  	s3 =	sand.u32 $0x4000, s31;
	s1 =	sadd.s32 s1, s30  }
0xbd: {  	s0 =	sor.u32 s3, s0;
	s1 =	sshll.u32 s1, $0x11  }
0xbe: {  	s0 =	sor.u32 s1, s0  }
0xbf: {  	s0 =	sadd.s32 $0x8F2B, s0  }
0xc0: {  	[sflag:s0] =	ssyncadd.remote.s32 $0x1  }
0xc1: {  	_ =	sfence.sel $0xFFFF  }
0xc2: {  	[dreg:$0x0] =	wrdreg $0xFFFFFFFF;
	(pc) =	sbr.abs _section_cstart, $3  }
0xc3: {  	[dreg:$0x1] =	wrdreg $0xFFFFFFFF  }
0xc4: {  	_ =	task.clear_ibuf [dreg:s8], $0x2FFFF;
	_ =	strace $0x9FFFFFFF  }
0xc5: {  	(tm) =	ssettm $0x7FFFFFFF  }
tec
execute0_lowered:
.L_overlay_start_1:
0x0: {  	(tag) =	ssettag $0x1  }
0x1: {  	s1 =	rddreg [dreg:$0x0]  }
0x2: {  	s0 =	rddreg [dreg:$0x1]  }
0x3: {  	s4 =	rddreg [dreg:$0x2]  }
0x4: {  	s2 =	rddreg [dreg:$0x3];
	s3 =	simm.s32 $0x0  }
0x5: {  	s5 =	srdreg.scid;
	s14 =	stileid.u32;
	s29 =	simm.s32 $0x200  }
0x6: {  	s30 =	simm.s32 $0x5;
	s31 =	simm.s32 $0x100;
	s8 =	smul.u32 $0x50000, s14  }
0x7: {  	[smem:$0x7FF] =	sst s3;
	s6 =	sand.u32 $0x1, s5;
	s17 =	smul.u32 $0x280, s14  }
0x8: {  	s9 =	sadd.s32 $0x3200, s4;
	s4 =	sadd.s32 $0xD200, s4;
	s15 =	smul.u32 $0x2800, s14  }
0x9: {  	_ =	strace $0x80000047;
	s5 =	sshll.u32 s6, $0x4;
	s12 =	smul.u32 $0x2800, s6  }
0xa: {  	s7 =	ssub.s32 $0x2, s6;
	s6 =	smul.u32 $0x28000, s6;
	s5 =	sor.u32 s14, s5  }
0xb: {  	s10 =	sshrl.u32 s7, $0x1;
	s8 =	sshrl.u32 s8, $0x2;
	s24 =	sadd.s32 $0x80, s17  }
0xc: {  	s26 =	sadd.s32 $0x100, s17;
	s5 =	smul.u32 $0x2800, s5;
	s7 =	ssub.s32 s7, s10  }
0xd: {  	s21 =	sadd.s32 s12, s17;
	s25 =	sshll.u32 s24, $0x7;
	s13 =	sadd.s32 s12, s26  }
0xe: {  	s10 =	sadd.s32 $0x200, s17;
	s6 =	sadd.s32 s15, s6;
	s7 =	smax.u32 s7, $0x1  }
0xf: {  	s22 =	sshll.u32 s21, $0x4;
	s13 =	sshll.u32 s13, $0x4;
	s21 =	sor.u32 $0x180, s6  }
0x10: {  	s6 =	sor.u32 $0x100, s6;
	s11 =	sshrl.u32 s5, $0x3;
	s5 =	sadd.s32 s8, s2  }
0x11: {  	[dreg:$0x9] =	wrdreg s7;
	s7 =	sadd.s32 s4, s22;
	s22 =	sshrl.u32 s6, $0x3  }
0x12: {  	s6 =	simm.s32 $0x4200;
	s18 =	sadd.s32 s0, s11;
	s19 =	sor.u32 $0x10, s11  }
0x13: {  	s11 =	sadd.s32 s9, s11;
	s23 =	sadd.s32 $0x4000, s5;
	[dreg:$0xb] =	wrdreg s7  }
0x14: {  	s7 =	sadd.s32 s12, s24;
	s24 =	sadd.s32 $0x180, s17;
	[dreg:$0x5] =	wrdreg s18  }
0x15: {  	s28 =	sadd.s32 $0x10000, s5;
	[dreg:$0x6] =	wrdreg s11;
	s20 =	sadd.s32 s0, s19  }
0x16: {  	s8 =	sadd.s32 s9, s19;
	[dreg:$0xa] =	wrdreg s23;
	s7 =	sshll.u32 s7, $0x4  }
0x17: {  	s18 =	sadd.s32 s4, s13;
	s19 =	sadd.s32 s12, s24;
	[dreg:$0x7] =	wrdreg s20  }
0x18: {  	s23 =	sshll.u32 s26, $0x7;
	s26 =	sshll.u32 s10, $0x7;
	[dreg:$0x8] =	wrdreg s8  }
0x19: {  	s11 =	simm.s32 $0x0;
	s7 =	sadd.s32 s4, s7;
	[dreg:$0xd] =	wrdreg s18  }
0x1a: {  	s20 =	sadd.s32 s12, s10;
	s12 =	sshrl.u32 s21, $0x3;
	s21 =	sadd.s32 $0x8000, s5  }
0x1b: {  	s23 =	sadd.s32 s23, s2;
	s8 =	simm.s32 $0x3;
	s10 =	simm.s32 $0x4  }
0x1c: {  	[dreg:$0xc] =	wrdreg s7;
	s7 =	sshll.u32 s19, $0x4;
	s17 =	sadd.s32 s12, s9  }
0x1d: {  	s18 =	sadd.s32 s12, s0;
	s19 =	sadd.s32 s22, s9;
	s9 =	simm.s32 $0x2  }
0x1e: {  	s15 =	sadd.s32 s4, s7;
	s7 =	sshll.u32 s20, $0x4;
	s20 =	sadd.s32 s22, s0  }
0x1f: {  	s22 =	sadd.s32 s25, s2;
	s25 =	sshll.u32 s24, $0x7;
	s0 =	simm.s32 $0x80  }
0x20: {  	s16 =	sadd.s32 s4, s7;
	s24 =	sadd.s32 s25, s2;
	s25 =	sadd.s32 s26, s2  }
0x21: {  	v0 =	vimm.f32 $0.0e+00;
	s26 =	sadd.s32 $0xC000, s5;
	s4 =	simm.s32 $0x180;
	s7 =	simm.s32 $0x1  }
.LBB2_1:
0x22: {  	s12 =	simm.s32 $0x0;
	s13 =	simm.s32 $0x200  }
.LBB2_2:
0x23: {  	p0 =	sne.s32 s13, $0xFE00;
	[tilespmem:s12+$0x270] =	vst v0  }
0x24: {  	[tilespmem:s12+$0x200] =	vst v0  }
0x25: {  	[tilespmem:s12+$0x210] =	vst v0  }
.Ltmp0:
0x26: {  	[tilespmem:s12+$0x220] =	vst v0;
	(pc) =	sbr.rel @p0 .LBB2_2-.Ltmp0, $4  }
0x27: {  	[tilespmem:s12+$0x230] =	vst v0  }
0x28: {  	[tilespmem:s12+$0x240] =	vst v0  }
0x29: {  	[tilespmem:s12+$0x250] =	vst v0  }
0x2a: {  	[tilespmem:s12+$0x260] =	vst v0;
	s12 =	sshra.s32 s13, $0x2;
	s13 =	sadd.s32 $0x200, s13  }
0x2b: {  	[tilespmem:s12+$0x270] =	vst v0  }
0x2c: {  	[tilespmem:s12+$0x200] =	vst v0  }
0x2d: {  	[tilespmem:s12+$0x210] =	vst v0  }
0x2e: {  	[tilespmem:s12+$0x220] =	vst v0  }
0x2f: {  	[tilespmem:s12+$0x230] =	vst v0  }
0x30: {  	[tilespmem:s12+$0x240] =	vst v0  }
0x31: {  	[tilespmem:s12+$0x250] =	vst v0  }
0x32: {  	[tilespmem:s12+$0x260] =	vst v0  }
0x33: {  	[spmem:s5] =	stream.linear.scatter [tilespmem:s29], [sflag:$0x5], $0x4000, $0x38;
	[tilespmem:$0x1C200] =	vst v63  }
0x34: {  	_ =	swait.ge [sflag:s30], $0x4000  }
0x35: {  	[sflag:s30] =	ssyncset.done $0x0  }
0x36: {  	s13 =	rddreg [dreg:$0xa];
	[sflag:s30] =	ssyncadd.s32 $0xFFFFC000  }
0x37: {  	[spmem:s13] =	stream.linear.scatter [tilespmem:s29], [sflag:$0x5], $0x4000, $0x38;
	[tilespmem:$0x1C200] =	vst v63  }
0x38: {  	_ =	swait.ge [sflag:s30], $0x4000  }
0x39: {  	[sflag:s30] =	ssyncset.done $0x0  }
0x3a: {  	[sflag:s30] =	ssyncadd.s32 $0xFFFFC000  }
0x3b: {  	[spmem:s21] =	stream.linear.scatter [tilespmem:s29], [sflag:$0x5], $0x4000, $0x38;
	[tilespmem:$0x1C200] =	vst v63  }
0x3c: {  	_ =	swait.ge [sflag:s30], $0x4000  }
0x3d: {  	[sflag:s30] =	ssyncset.done $0x0  }
0x3e: {  	[sflag:s30] =	ssyncadd.s32 $0xFFFFC000  }
0x3f: {  	[spmem:s26] =	stream.linear.scatter [tilespmem:s29], [sflag:$0x5], $0x4000, $0x38;
	[tilespmem:$0x1C200] =	vst v63  }
0x40: {  	_ =	swait.ge [sflag:s30], $0x4000  }
0x41: {  	[sflag:s30] =	ssyncset.done $0x0  }
0x42: {  	[sflag:s30] =	ssyncadd.s32 $0xFFFFC000  }
0x43: {  	[spmem:s28] =	stream.linear.scatter [tilespmem:s29], [sflag:$0x5], $0x4000, $0x38;
	[tilespmem:$0x1C200] =	vst v63  }
0x44: {  	_ =	swait.ge [sflag:s30], $0x4000  }
0x45: {  	[sflag:s30] =	ssyncset.done $0x0  }
0x46: {  	[sflag:s30] =	ssyncadd.s32 $0xFFFFC000  }
0x47: {  	[bflag:$0x0] =	sbarrier.arrive $0xFFFF  }
0x48: {  	s12 =	simm.s32 $0x0;
	s13 =	rddreg [dreg:$0x5]  }
0x49: {  	[tilespmem:s12], [sflag:$0x5] =	stream.linear.gather [hbm4b:s13+s12], $0x80, $0x38;
	[tilespmem:$0x1C200] =	vst v63  }
0x4a: {  	_ =	swait.ge [sflag:s30], $0x80  }
0x4b: {  	[sflag:s30] =	ssyncset.done $0x0  }
0x4c: {  	s14 =	rddreg [dreg:$0x6];
	[sflag:s30] =	ssyncadd.s32 $0xFFFFFF80  }
0x4d: {  	[tilespmem:s31], [sflag:$0x5] =	stream.linear.gather [hbm4b:s14+s12], $0x80, $0x38;
	[tilespmem:$0x1C200] =	vst v63  }
0x4e: {  	_ =	swait.ge [sflag:s30], $0x80  }
0x4f: {  	[sflag:s30] =	ssyncset.done $0x0  }
0x50: {  	[sflag:s30] =	ssyncadd.s32 $0xFFFFFF80  }
0x51: {  	[tilespmem:s29], [sflag:$0x1] =	stream.indirect.gather [hbm4b:s1+s0], $0x80, s12, s0, $0xb8;
	[tilespmem:$0x1C200] =	vst v63  }
0x52: {  	s14 =	rddreg [dreg:$0x7]  }
0x53: {  	[tilespmem:s0], [sflag:$0x5] =	stream.linear.gather [hbm4b:s14+s12], $0x80, $0x38;
	[tilespmem:$0x1C200] =	vst v63  }
0x54: {  	_ =	swait.ge [sflag:s30], $0x80  }
0x55: {  	[sflag:s30] =	ssyncset.done $0x0  }
0x56: {  	s14 =	rddreg [dreg:$0x8];
	[sflag:s30] =	ssyncadd.s32 $0xFFFFFF80  }
0x57: {  	[tilespmem:s4], [sflag:$0x5] =	stream.linear.gather [hbm4b:s14+s12], $0x80, $0x38;
	[tilespmem:$0x1C200] =	vst v63  }
0x58: {  	_ =	swait.ge [sflag:s30], $0x80  }
0x59: {  	[sflag:s30] =	ssyncset.done $0x0  }
0x5a: {  	[sflag:s30] =	ssyncadd.s32 $0xFFFFFF80  }
0x5b: {  	[tilespmem:s6], [sflag:$0x2] =	stream.indirect.gather [hbm4b:s1+s0], $0x80, s0, s0, $0xb8;
	[tilespmem:$0x1C200] =	vst v63  }
0x5c: {  	_ =	swait.ge [sflag:s7], $0x4000  }
0x5d: {  	[sflag:s7] =	ssyncset.done $0x0  }
0x5e: {  	[sflag:s7] =	ssyncadd.s32 $0xFFFFC000  }
0x5f: {  	[spmem:s2] =	stream.indirect.scatter.add.f32 [tilespmem:s29], [sflag:$0x3], $0x80, s31, s0, $0xb8;
	[tilespmem:$0x1C200] =	vst v63  }
0x60: {  	_ =	swait.ge [sflag:s8], $0x4000  }
0x61: {  	[sflag:s8] =	ssyncset.done $0x0  }
0x62: {  	s13 =	sadd.s32 $0x0, s20;
	[sflag:s8] =	ssyncadd.s32 $0xFFFFC000  }
0x63: {  	[tilespmem:s3], [sflag:$0x5] =	stream.linear.gather [hbm4b:s13+s3], $0x80, $0x38;
	[tilespmem:$0x1C200] =	vst v63  }
0x64: {  	_ =	swait.ge [sflag:s30], $0x80  }
0x65: {  	[sflag:s30] =	ssyncset.done $0x0  }
0x66: {  	s14 =	sadd.s32 $0x0, s19;
	[sflag:s30] =	ssyncadd.s32 $0xFFFFFF80  }
0x67: {  	[tilespmem:s31], [sflag:$0x5] =	stream.linear.gather [hbm4b:s14+s3], $0x80, $0x38;
	[tilespmem:$0x1C200] =	vst v63  }
0x68: {  	_ =	swait.ge [sflag:s30], $0x80  }
0x69: {  	[sflag:s30] =	ssyncset.done $0x0  }
0x6a: {  	[sflag:s30] =	ssyncadd.s32 $0xFFFFFF80  }
0x6b: {  	[tilespmem:s29], [sflag:$0x1] =	stream.indirect.gather [hbm4b:s1+s0], $0x80, s3, s0, $0xb8;
	[tilespmem:$0x1C200] =	vst v63  }
0x6c: {  	_ =	swait.ge [sflag:s9], $0x4000  }
0x6d: {  	[sflag:s9] =	ssyncset.done $0x0  }
0x6e: {  	[sflag:s9] =	ssyncadd.s32 $0xFFFFC000  }
0x6f: {  	[spmem:s2] =	stream.indirect.scatter.add.f32 [tilespmem:s6], [sflag:$0x4], $0x80, s4, s0, $0xb8;
	[tilespmem:$0x1C200] =	vst v63  }
0x70: {  	_ =	swait.ge [sflag:s10], $0x4000  }
0x71: {  	[sflag:s10] =	ssyncset.done $0x0  }
0x72: {  	s13 =	sadd.s32 $0x0, s18;
	[sflag:s10] =	ssyncadd.s32 $0xFFFFC000  }
0x73: {  	[tilespmem:s0], [sflag:$0x5] =	stream.linear.gather [hbm4b:s13+s3], $0x80, $0x38;
	[tilespmem:$0x1C200] =	vst v63  }
0x74: {  	_ =	swait.ge [sflag:s30], $0x80  }
0x75: {  	[sflag:s30] =	ssyncset.done $0x0  }
0x76: {  	s14 =	sadd.s32 $0x0, s17;
	[sflag:s30] =	ssyncadd.s32 $0xFFFFFF80  }
0x77: {  	[tilespmem:s4], [sflag:$0x5] =	stream.linear.gather [hbm4b:s14+s3], $0x80, $0x38;
	[tilespmem:$0x1C200] =	vst v63  }
0x78: {  	_ =	swait.ge [sflag:s30], $0x80  }
0x79: {  	[sflag:s30] =	ssyncset.done $0x0  }
0x7a: {  	s12 =	simm.s32 $0x20;
	[sflag:s30] =	ssyncadd.s32 $0xFFFFFF80  }
.LBB2_4:
0x7b: {  	[tilespmem:s6], [sflag:$0x2] =	stream.indirect.gather [hbm4b:s1+s0], $0x80, s0, s0, $0xb8;
	[tilespmem:$0x1C200] =	vst v63  }
0x7c: {  	s13 =	smov.u32 s12  }
0x7d: {  	p0 =	sne.s32 s12, $0x4C0;
	s12 =	sadd.s32 $0x20, s12;
	_ =	swait.ge [sflag:s7], $0x4000  }
0x7e: {  	[sflag:s7] =	ssyncset.done $0x0  }
0x7f: {  	[sflag:s7] =	ssyncadd.s32 $0xFFFFC000  }
0x80: {  	[spmem:s2] =	stream.indirect.scatter.add.f32 [tilespmem:s29], [sflag:$0x3], $0x80, s31, s0, $0xb8;
	[tilespmem:$0x1C200] =	vst v63  }
0x81: {  	_ =	swait.ge [sflag:s8], $0x4000  }
0x82: {  	[sflag:s8] =	ssyncset.done $0x0  }
0x83: {  	s14 =	sadd.s32 s13, s20;
	[sflag:s8] =	ssyncadd.s32 $0xFFFFC000  }
0x84: {  	[tilespmem:s3], [sflag:$0x5] =	stream.linear.gather [hbm4b:s14+s3], $0x80, $0x38;
	[tilespmem:$0x1C200] =	vst v63  }
0x85: {  	_ =	swait.ge [sflag:s30], $0x80  }
0x86: {  	[sflag:s30] =	ssyncset.done $0x0  }
0x87: {  	s14 =	sadd.s32 s13, s19;
	[sflag:s30] =	ssyncadd.s32 $0xFFFFFF80  }
0x88: {  	[tilespmem:s31], [sflag:$0x5] =	stream.linear.gather [hbm4b:s14+s3], $0x80, $0x38;
	[tilespmem:$0x1C200] =	vst v63  }
0x89: {  	_ =	swait.ge [sflag:s30], $0x80  }
0x8a: {  	[sflag:s30] =	ssyncset.done $0x0  }
0x8b: {  	[sflag:s30] =	ssyncadd.s32 $0xFFFFFF80  }
0x8c: {  	[tilespmem:s29], [sflag:$0x1] =	stream.indirect.gather [hbm4b:s1+s0], $0x80, s3, s0, $0xb8;
	[tilespmem:$0x1C200] =	vst v63  }
0x8d: {  	_ =	swait.ge [sflag:s9], $0x4000  }
0x8e: {  	[sflag:s9] =	ssyncset.done $0x0  }
0x8f: {  	[sflag:s9] =	ssyncadd.s32 $0xFFFFC000  }
0x90: {  	[spmem:s2] =	stream.indirect.scatter.add.f32 [tilespmem:s6], [sflag:$0x4], $0x80, s4, s0, $0xb8;
	[tilespmem:$0x1C200] =	vst v63  }
0x91: {  	_ =	swait.ge [sflag:s10], $0x4000  }
0x92: {  	[sflag:s10] =	ssyncset.done $0x0  }
0x93: {  	s14 =	sadd.s32 s13, s18;
	[sflag:s10] =	ssyncadd.s32 $0xFFFFC000  }
0x94: {  	[tilespmem:s0], [sflag:$0x5] =	stream.linear.gather [hbm4b:s14+s3], $0x80, $0x38;
	[tilespmem:$0x1C200] =	vst v63  }
0x95: {  	_ =	swait.ge [sflag:s30], $0x80  }
0x96: {  	[sflag:s30] =	ssyncset.done $0x0  }
.Ltmp1:
0x97: {  	s13 =	sadd.s32 s13, s17;
	[sflag:s30] =	ssyncadd.s32 $0xFFFFFF80;
	(pc) =	sbr.rel @p0 .LBB2_4-.Ltmp1, $4  }
0x98: {  	[tilespmem:s4], [sflag:$0x5] =	stream.linear.gather [hbm4b:s13+s3], $0x80, $0x38;
	[tilespmem:$0x1C200] =	vst v63  }
0x99: {  	_ =	swait.ge [sflag:s30], $0x80  }
0x9a: {  	[sflag:s30] =	ssyncset.done $0x0  }
0x9b: {  	[sflag:s30] =	ssyncadd.s32 $0xFFFFFF80  }
0x9c: {  	[tilespmem:s6], [sflag:$0x2] =	stream.indirect.gather [hbm4b:s1+s0], $0x80, s0, s0, $0xb8;
	[tilespmem:$0x1C200] =	vst v63  }
0x9d: {  	_ =	swait.ge [sflag:s7], $0x4000  }
0x9e: {  	[sflag:s7] =	ssyncset.done $0x0  }
0x9f: {  	[sflag:s7] =	ssyncadd.s32 $0xFFFFC000  }
0xa0: {  	[spmem:s2] =	stream.indirect.scatter.add.f32 [tilespmem:s29], [sflag:$0x3], $0x80, s31, s0, $0xb8;
	[tilespmem:$0x1C200] =	vst v63  }
0xa1: {  	_ =	swait.ge [sflag:s8], $0x4000  }
0xa2: {  	[sflag:s8] =	ssyncset.done $0x0  }
0xa3: {  	[sflag:s8] =	ssyncadd.s32 $0xFFFFC000  }
0xa4: {  	_ =	swait.ge [sflag:s9], $0x4000  }
0xa5: {  	[sflag:s9] =	ssyncset.done $0x0  }
0xa6: {  	[sflag:s9] =	ssyncadd.s32 $0xFFFFC000  }
0xa7: {  	[spmem:s2] =	stream.indirect.scatter.add.f32 [tilespmem:s6], [sflag:$0x4], $0x80, s4, s0, $0xb8;
	[tilespmem:$0x1C200] =	vst v63  }
0xa8: {  	_ =	swait.ge [sflag:s10], $0x4000  }
0xa9: {  	[sflag:s10] =	ssyncset.done $0x0  }
0xaa: {  	[sflag:s10] =	ssyncadd.s32 $0xFFFFC000  }
0xab: {  	[bflag:$0x0] =	sbarrier.arrive $0xFFFF  }
0xac: {  	[tilespmem:s29], [sflag:$0x5] =	stream.linear.gather [spmem:s5], $0x4000, $0x38;
	[tilespmem:$0x1C200] =	vst v63  }
0xad: {  	_ =	swait.ge [sflag:s30], $0x4000  }
0xae: {  	[sflag:s30] =	ssyncset.done $0x0  }
0xaf: {  	s12 =	rddreg [dreg:$0xb];
	[sflag:s30] =	ssyncadd.s32 $0xFFFFC000  }
0xb0: {  	[hbm4b:s12+s3] =	stream.linear.scatter [tilespmem:s29], [sflag:$0x5], $0x4000, $0x38;
	[tilespmem:$0x1C200] =	vst v63  }
0xb1: {  	_ =	swait.ge [sflag:s30], $0x4000  }
0xb2: {  	[sflag:s30] =	ssyncset.done $0x0  }
0xb3: {  	[sflag:s30] =	ssyncadd.s32 $0xFFFFC000  }
0xb4: {  	[tilespmem:s29], [sflag:$0x5] =	stream.linear.gather [spmem:s22], $0x4000, $0x38;
	[tilespmem:$0x1C200] =	vst v63  }
0xb5: {  	_ =	swait.ge [sflag:s30], $0x4000  }
0xb6: {  	[sflag:s30] =	ssyncset.done $0x0  }
0xb7: {  	s14 =	rddreg [dreg:$0xc];
	[sflag:s30] =	ssyncadd.s32 $0xFFFFC000  }
0xb8: {  	[hbm4b:s14+s3] =	stream.linear.scatter [tilespmem:s29], [sflag:$0x5], $0x4000, $0x38;
	[tilespmem:$0x1C200] =	vst v63  }
0xb9: {  	_ =	swait.ge [sflag:s30], $0x4000  }
0xba: {  	[sflag:s30] =	ssyncset.done $0x0  }
0xbb: {  	[sflag:s30] =	ssyncadd.s32 $0xFFFFC000  }
0xbc: {  	[tilespmem:s29], [sflag:$0x5] =	stream.linear.gather [spmem:s23], $0x4000, $0x38;
	[tilespmem:$0x1C200] =	vst v63  }
0xbd: {  	_ =	swait.ge [sflag:s30], $0x4000  }
0xbe: {  	[sflag:s30] =	ssyncset.done $0x0  }
0xbf: {  	s13 =	rddreg [dreg:$0xd];
	[sflag:s30] =	ssyncadd.s32 $0xFFFFC000  }
0xc0: {  	[hbm4b:s13+s3] =	stream.linear.scatter [tilespmem:s29], [sflag:$0x5], $0x4000, $0x38;
	[tilespmem:$0x1C200] =	vst v63  }
0xc1: {  	_ =	swait.ge [sflag:s30], $0x4000  }
0xc2: {  	[sflag:s30] =	ssyncset.done $0x0  }
0xc3: {  	[sflag:s30] =	ssyncadd.s32 $0xFFFFC000  }
0xc4: {  	[tilespmem:s29], [sflag:$0x5] =	stream.linear.gather [spmem:s24], $0x4000, $0x38;
	[tilespmem:$0x1C200] =	vst v63  }
0xc5: {  	_ =	swait.ge [sflag:s30], $0x4000  }
0xc6: {  	[sflag:s30] =	ssyncset.done $0x0  }
0xc7: {  	[sflag:s30] =	ssyncadd.s32 $0xFFFFC000  }
0xc8: {  	[hbm4b:s15+s3] =	stream.linear.scatter [tilespmem:s29], [sflag:$0x5], $0x4000, $0x38;
	[tilespmem:$0x1C200] =	vst v63  }
0xc9: {  	_ =	swait.ge [sflag:s30], $0x4000  }
0xca: {  	[sflag:s30] =	ssyncset.done $0x0  }
0xcb: {  	[sflag:s30] =	ssyncadd.s32 $0xFFFFC000  }
0xcc: {  	[tilespmem:s29], [sflag:$0x5] =	stream.linear.gather [spmem:s25], $0x4000, $0x38;
	[tilespmem:$0x1C200] =	vst v63  }
0xcd: {  	_ =	swait.ge [sflag:s30], $0x4000  }
0xce: {  	[sflag:s30] =	ssyncset.done $0x0  }
0xcf: {  	[sflag:s30] =	ssyncadd.s32 $0xFFFFC000  }
0xd0: {  	[hbm4b:s16+s3] =	stream.linear.scatter [tilespmem:s29], [sflag:$0x5], $0x4000, $0x38;
	[tilespmem:$0x1C200] =	vst v63  }
0xd1: {  	_ =	swait.ge [sflag:s30], $0x4000  }
0xd2: {  	s11 =	sadd.s32 $0x1, s11;
	s14 =	rddreg [dreg:$0x9]  }
0xd3: {  	p0 =	sne.s32 s11, s14  }
.Ltmp2:
0xd4: {  	_ = 	snop;
	(pc) =	sbr.rel @p0 .LBB2_1-.Ltmp2, $3  }
0xd5: {  	_ =	sdelay $0x1  }
0xd6: {  	[sflag:s30] =	ssyncset.done $0x0  }
0xd7: {  	[sflag:s30] =	ssyncadd.s32 $0xFFFFC000  }
0xd8: {  	_ =	sfence.sel $0x180000  }
0xd9: {  	[bflag:$0x0] =	sbarrier.arrive $0xFFFF  }
0xda: {  	_ =	strace $0x90000047  }
0xdb: {  	s0 =	stileid.u32;
	[bflag:$0x2] =	sbarrier.arrive $0xFFFF  }
0xdc: {  	p0 =	sne.s32 s0, $0x0;
	s0 =	rddreg [dreg:$0x4]  }
0xdd: {  	s0 =	sadd.s32 @!p0 $0x100000, s0  }
0xde: {  	[sflag:s0] =	ssyncadd.tile.s32 @!p0 $0x1;
	_ =	shalt  }
.Lfunc_end2:
_tile_overlayer_lowered:
.L_overlay_start_2:
0xdf: {  	(tag) =	ssettag $0x2  }
0xe0: {  	s0 =	rddreg [dreg:$0x0];
	s2 =	stileid.u32  }
0xe1: {  	s1 =	rddreg [dreg:$0x1];
	p0 =	sne.s32 s2, $0x0  }
0xe2: {  	s3 =	rddreg [dreg:$0x2];
	[bflag:$0x3] =	sbarrier.arrive $0xFFFF;
	s2 =	simm.s32 @!p0 $0x1C05  }
0xe3: {  	[timem:s3], [sflag:s2] =	dma.local @!p0 [hbm:s0], s1  }
0xe4: {  	s0 =	simm.s32 @!p0 $0x5  }
0xe5: {  	_ =	swait.ge @!p0 [sflag:s0], s1  }
0xe6: {  	s1 =	ssub.s32 @!p0 $0x0, s1;
	[sflag:s0] =	ssyncset.done @!p0 $0x0  }
0xe7: {  	[sflag:s0] =	ssyncadd.s32 @!p0 s1  }
0xe8: {  	[bflag:$0x3] =	sbarrier.arrive $0xFFFF  }
0xe9: {  	_ =	shalt  }

// kernel: kernel.15.cloned.1.call-start
scs
__scs_entry_jumppad:
0x0: {  	(pc) =	sbr.rel $0x88, $3  }
0x1: {  	(tag) =	ssettag $0x0;
	lr =	simm.s32 $0x1  }
0x2: {  	[smem:$0x3F96] =	sst lr;
	_ =	strace $0xD0000000  }
0x3: {  	_ = 	snop  }
0x4: {  	_ = 	snop  }
0x5: {  	_ = 	snop  }
0x6: {  	_ = 	snop  }
0x7: {  	_ = 	snop  }
__scs_overlays_trampoline_lowered:
0x8: {  	[smem:$0x3FA5] =	sst s0  }
0x9: {  	[smem:$0x3FA6] =	sst s1  }
0xa: {  	[smem:$0x3FA7] =	sst s2  }
0xb: {  	[smem:$0x3FA8] =	sst s3  }
0xc: {  	[smem:$0x3FA9] =	sst s4  }
0xd: {  	[smem:$0x3FAA] =	sst s5  }
0xe: {  	[smem:$0x3FAB] =	sst s6  }
0xf: {  	[smem:$0x3FAC] =	sst s7  }
0x10: {  	[smem:$0x3FAD] =	sst s8  }
0x11: {  	[smem:$0x3FAE] =	sst s9;
	s0 =	simm.s32 @!p0 $0x0  }
0x12: {  	s1 =	sld [smem:$0x3F94];
	s0 =	simm.s32 @p0 $0x1  }
0x13: {  	[smem:$0x3FAF] =	sst s0;
	s0 =	simm.s32 @!p1 $0x0  }
0x14: {  	s2 =	sld [smem:$0x3F93];
	s0 =	simm.s32 @p1 $0x1  }
0x15: {  	[smem:$0x3FB0] =	sst s0;
	s0 =	simm.s32 @!p2 $0x0  }
0x16: {  	s3 =	sld [smem:$0x3FDB];
	s0 =	simm.s32 @p2 $0x1  }
0x17: {  	s4 =	simm.s32 $0x1BF5;
	[smem:$0x3FB2] =	sst s0  }
0x18: {  	s0 =	sld [smem:$0x3F95];
	_ =	swait.ge [sflag:s4], $0x0  }
0x19: {  	s7 =	sld [smem:$0x3F96]  }
0x1a: {  	s8 =	sadd.s32 $0xFFFFE003, lr  }
0x1b: {  	s9 =	sadd.s32 $0xFFFFFEF7, lr;
	s5 =	simm.s32 $0xFFFFFFFF;
	p2 =	slt.u32 s8, $0xFFFFF086  }
0x1c: {  	p1 =	slt.u32 s9, $0xF7A;
	s5 =	simm.s32 @!p2 $0x0  }
0x1d: {  	s5 =	simm.s32 @p1 $0x1;
	p0 =	seq.s32 s7, s2  }
0x1e: {  	s7 =	smul.u32 @!p0 $0xF7A, s2;
	p2 =	seq.s32 @!p0 s5, $0x0  }
0x1f: {  	s9 =	smul.u32 $0xF7A, s1;
	s8 =	simm.s32 @!p0 $0x1BF5;
	p2 =	por !p2, p0  }
0x20: {  	[sflag:s8] =	ssyncset.s32 @!p0 $0xFFFFF086;
	s6 =	sadd.s32 @!p0 s3, s7;
	s7 =	simm.s32 @!p0 $0x108  }
0x21: {  	s3 =	sadd.s32 s3, s9;
	s6 =	sadd.s32 @!p0 $0x88, s6;
	s7 =	simm.s32 @p2 $0x1082  }
0x22: {  	[simem:s7], [sflag:s8] =	dma.local @!p0 [hbm:s6], $0xF7A  }
0x23: {  	s9 =	sor.u32 $0xD0000000, s2;
	s6 =	simm.s32 $0x108;
	_ =	swait.ge @!p0 [sflag:s8], $0x0  }
0x24: {  	s3 =	sadd.s32 $0x88, s3;
	s6 =	simm.s32 @!p1 $0x1082;
	[sflag:s4] =	ssyncset.s32 $0xFFFFF086  }
0x25: {  	[simem:s6], [sflag:s4] =	dma.local [hbm:s3], $0xF7A  }
0x26: {  	[smem:$0x3F96] =	sst s1;
	(tag) =	ssettag s2;
	_ =	strace s9  }
0x27: {  	s1 =	sld [smem:$0x3FA6]  }
0x28: {  	s2 =	sld [smem:$0x3FA7]  }
0x29: {  	s4 =	sld [smem:$0x3FA9]  }
0x2a: {  	p0 =	seq.s32 s5, $0x0;
	s5 =	sld [smem:$0x3FAA]  }
0x2b: {  	s6 =	sld [smem:$0x3FAB]  }
0x2c: {  	s7 =	sld [smem:$0x3FAC]  }
0x2d: {  	s3 =	simm.s32 $0x108;
	s8 =	sld [smem:$0x3FAD]  }
0x2e: {  	s3 =	simm.s32 @!p0 $0x1082;
	s9 =	sld [smem:$0x3FAE]  }
0x2f: {  	lr =	sadd.s32 s0, s3;
	s0 =	sld [smem:$0x3FA5]  }
0x30: {  	s3 =	sld [smem:$0x3FA8]  }
0x31: {  	[smem:$0x3FB1] =	sst s10  }
0x32: {  	s10 =	sld [smem:$0x3FAF];
	_ =	sdelay $0x3  }
0x33: {  	p0 =	seq.s32 s10, $0x1;
	s10 =	sld [smem:$0x3FB1];
	_ =	sdelay $0x3  }
0x34: {  	[smem:$0x3FB1] =	sst s10  }
0x35: {  	s10 =	sld [smem:$0x3FB0];
	_ =	sdelay $0x3  }
0x36: {  	p1 =	seq.s32 s10, $0x1;
	s10 =	sld [smem:$0x3FB1];
	_ =	sdelay $0x3  }
0x37: {  	[smem:$0x3FB1] =	sst s10  }
0x38: {  	s10 =	sld [smem:$0x3FB2]  }
0x39: {  	_ = 	snop;
	(pc) =	sbr.ind lr, $3  }
0x3a: {  	_ = 	snop  }
0x3b: {  	_ = 	snop  }
0x3c: {  	p2 =	seq.s32 s10, $0x1;
	s10 =	sld [smem:$0x3FB1]  }
0x3d: {  	_ =	shalt  }
0x3e: {  	_ =	shalt  }
0x3f: {  	_ =	shalt  }
0x40: {  	_ =	shalt  }
0x41: {  	_ =	shalt  }
0x42: {  	_ =	shalt  }
0x43: {  	_ =	shalt  }
0x44: {  	_ =	shalt  }
0x45: {  	_ =	shalt  }
0x46: {  	_ =	shalt  }
0x47: {  	_ =	shalt  }
0x48: {  	_ =	shalt  }
0x49: {  	_ =	shalt  }
0x4a: {  	_ =	shalt  }
0x4b: {  	_ =	shalt  }
0x4c: {  	_ =	shalt  }
0x4d: {  	_ =	shalt  }
0x4e: {  	_ =	shalt  }
0x4f: {  	_ =	shalt  }
0x50: {  	_ =	shalt  }
0x51: {  	_ =	shalt  }
0x52: {  	_ =	shalt  }
0x53: {  	_ =	shalt  }
0x54: {  	_ =	shalt  }
0x55: {  	_ =	shalt  }
0x56: {  	_ =	shalt  }
0x57: {  	_ =	shalt  }
0x58: {  	_ =	shalt  }
0x59: {  	_ =	shalt  }
0x5a: {  	_ =	shalt  }
0x5b: {  	_ =	shalt  }
0x5c: {  	_ =	shalt  }
0x5d: {  	_ =	shalt  }
0x5e: {  	_ =	shalt  }
0x5f: {  	_ =	shalt  }
0x60: {  	_ =	shalt  }
0x61: {  	_ =	shalt  }
0x62: {  	_ =	shalt  }
0x63: {  	_ =	shalt  }
0x64: {  	_ =	shalt  }
0x65: {  	_ =	shalt  }
0x66: {  	_ =	shalt  }
0x67: {  	_ =	shalt  }
0x68: {  	_ =	shalt  }
0x69: {  	_ =	shalt  }
0x6a: {  	_ =	shalt  }
0x6b: {  	_ =	shalt  }
0x6c: {  	_ =	shalt  }
0x6d: {  	_ =	shalt  }
0x6e: {  	_ =	shalt  }
0x6f: {  	_ =	shalt  }
0x70: {  	_ =	shalt  }
0x71: {  	_ =	shalt  }
0x72: {  	_ =	shalt  }
0x73: {  	_ =	shalt  }
0x74: {  	_ =	shalt  }
0x75: {  	_ =	shalt  }
0x76: {  	_ =	shalt  }
0x77: {  	_ =	shalt  }
0x78: {  	_ =	shalt  }
0x79: {  	_ =	shalt  }
0x7a: {  	_ =	shalt  }
0x7b: {  	_ =	shalt  }
0x7c: {  	_ =	shalt  }
0x7d: {  	_ =	shalt  }
0x7e: {  	_ =	shalt  }
0x7f: {  	_ =	shalt  }
0x80: {  	_ =	shalt  }
0x81: {  	_ =	shalt  }
0x82: {  	_ =	shalt  }
0x83: {  	_ =	shalt  }
0x84: {  	_ =	shalt  }
0x85: {  	_ =	shalt  }
0x86: {  	_ =	shalt  }
0x87: {  	_ =	shalt  }
.Lfunc_end0:
.L_simem_size_0:
called_computation.2_lowered:
.L_overlay_start_0:
0x88: {  	s2 =	sld [smem:$0x3FD9]  }
0x89: {  	s3 =	sld [smem:$0x3FFE];
	_ =	sdelay $0x1  }
0x8a: {  	s1 =	srdreg.scid  }
0x8b: {  	s0 =	sand.u32 $0x1, s1  }
0x8c: {  	s17 =	sshll.u32 s0, $0xA;
	s2 =	sadd.s32 s3, s2  }
0x8d: {  	s2 =	sadd.s32 s2, s17  }
0x8e: {  	[smem:$0x3FBD] =	sst s2  }
0x8f: {  	_ = 	snop  }
0x90: {  	s2 =	sld [smem:$0x3FD0];
	(tm) =	ssettm $0x1  }
0x91: {  	s18 =	sld [smem:$0x3FFB];
	_ =	sdelay $0x3  }
0x92: {  	_ =	strace s18  }
0x93: {  	s3 =	sld [smem:$0x3FFC];
	_ =	sdelay $0x3  }
0x94: {  	_ =	strace s3  }
0x95: {  	s3 =	sld [smem:$0x3FFD];
	_ =	sdelay $0x3  }
0x96: {  	_ =	strace s3  }
0x97: {  	_ =	strace $0x8FFFFFFF  }
0x98: {  	s19 =	sld [smem:$0x3FDB];
	_ =	sdelay $0x1  }
0x99: {  	s4 =	simm.s32 $_scs_section_size  }
0x9a: {  	s5 =	simm.s32 $_size__tile_overlayer_lowered;
	s6 =	simm.s32 $_tile_overlayer_lowered  }
0x9b: {  	s22 =	simm.s32 $0x1BFF;
	s21 =	sshll.u32 s6, $0x1;
	s3 =	sadd.s32 s4, s19  }
0x9c: {  	s7 =	simm.s32 $0x0;
	s20 =	sshll.u32 s5, $0x1;
	s5 =	sadd.s32 s21, s3  }
0x9d: {  	[timem:s7], [sflag:s22] =	dma.local [hbm:s5], s20  }
0x9e: {  	_ =	swait.ge [sflag:s22], s20  }
0x9f: {  	s4 =	ssub.s32 $0x0, s20;
	[sflag:s22] =	ssyncset.done $0x0  }
0xa0: {  	[sflag:s22] =	ssyncadd.s32 s4;
	_ =	sdelay $0x1  }
0xa1: {  	s23 =	simm.s32 $0x1B8B  }
0xa2: {  	_ =	swait.ge [sflag:s23], $0x1  }
0xa3: {  	[sflag:s23] =	ssyncset.done $0x0  }
0xa4: {  	s25 =	simm.s32 $0x1B8E;
	s24 =	sld [smem:$0x3FFE];
	[sflag:s23] =	ssyncadd.s32 $0xFFFFFFFF  }
0xa5: {  	s26 =	simm.s32 $execute0_lowered;
	[smem:$0x3FD2] =	sst s25  }
0xa6: {  	s5 =	sshll.u32 s26, $0x1;
	_ =	strace $0x8000004C;
	[dreg:$0x1] =	wrdreg $0xFFFFFFFF  }
0xa7: {  	s28 =	simm.s32 $_size_execute0_lowered;
	s3 =	sadd.s32 s3, s5;
	[dreg:$0x0] =	wrdreg $0x0  }
0xa8: {  	s5 =	sshll.u32 s28, $0x1;
	[dreg:$0x2] =	wrdreg s3  }
0xa9: {  	[dreg:$0x3] =	wrdreg s5  }
0xaa: {  	[dreg:$0x4] =	wrdreg $0xC0  }
0xab: {  	_ =	task [dreg:s7], $0x5FFFF  }
0xac: {  	[dreg:$0x1] =	wrdreg $0xFFFFFFFF  }
0xad: {  	[dreg:$0x0] =	wrdreg $0x60  }
0xae: {  	[dreg:$0x2] =	wrdreg s24  }
0xaf: {  	[dreg:$0x3] =	wrdreg s2  }
0xb0: {  	[dreg:$0x4] =	wrdreg $0x82000  }
0xb1: {  	[dreg:$0x5] =	wrdreg $0x9  }
0xb2: {  	_ =	task.clear_ibuf [dreg:s7], $0x6FFFF;
	_ =	strace $0x9000004C  }
0xb3: {  	s29 =	simm.s32 $0x9;
	_ =	strace $0x8000004E  }
0xb4: {  	_ =	swait.ge [sflag:s29], $0x1  }
0xb5: {  	[sflag:s29] =	ssyncadd.s32 $0xFFFFFFFF  }
0xb6: {  	_ =	strace $0x9000004E  }
0xb7: {  	_ =	sfence  }
0xb8: {  	s30 =	sld [smem:$0x0];
	_ =	sdelay $0x2  }
0xb9: {  	s31 =	sshll.u32 s1, $0xD;
	s1 =	sshrl.u32 s1, $0x2  }
0xba: {  	s3 =	sand.u32 $0x4000, s31;
	s1 =	sadd.s32 s1, s30  }
0xbb: {  	s0 =	sor.u32 s3, s0;
	s1 =	sshll.u32 s1, $0x11  }
0xbc: {  	s0 =	sor.u32 s1, s0  }
0xbd: {  	s0 =	sadd.s32 $0x8F2B, s0  }
0xbe: {  	[sflag:s0] =	ssyncadd.remote.s32 $0x1  }
0xbf: {  	_ =	sfence.sel $0xFFFF  }
0xc0: {  	[dreg:$0x0] =	wrdreg $0xFFFFFFFF;
	(pc) =	sbr.abs _section_cstart, $3  }
0xc1: {  	[dreg:$0x1] =	wrdreg $0xFFFFFFFF  }
0xc2: {  	_ =	task.clear_ibuf [dreg:s7], $0x2FFFF;
	_ =	strace $0x9FFFFFFF  }
0xc3: {  	(tm) =	ssettm $0x7FFFFFFF  }
tec
execute0_lowered:
.L_overlay_start_1:
0x0: {  	(tag) =	ssettag $0x1  }
0x1: {  	s0 =	rddreg [dreg:$0x0]  }
0x2: {  	s3 =	rddreg [dreg:$0x1]  }
0x3: {  	s1 =	rddreg [dreg:$0x2];
	s2 =	simm.s32 $0x0;
	s4 =	srdreg.scid  }
0x4: {  	s14 =	stileid.u32;
	s29 =	simm.s32 $0x200;
	s30 =	simm.s32 $0x5  }
0x5: {  	s31 =	simm.s32 $0x100;
	[smem:$0x7FF] =	sst s2;
	s8 =	smul.u32 $0x50000, s14  }
0x6: {  	s6 =	sand.u32 $0x1, s4;
	s4 =	sadd.s32 $0xD200, s0;
	s17 =	smul.u32 $0x280, s14  }
0x7: {  	s9 =	sadd.s32 $0x3200, s0;
	s0 =	sadd.s32 $0xAD200, s0;
	s15 =	smul.u32 $0x2800, s14  }
0x8: {  	_ =	strace $0x8000004D;
	s5 =	sshll.u32 s6, $0x4;
	s12 =	smul.u32 $0x2800, s6  }
0x9: {  	s7 =	ssub.s32 $0x2, s6;
	s6 =	smul.u32 $0x28000, s6;
	s5 =	sor.u32 s14, s5  }
0xa: {  	s10 =	sshrl.u32 s7, $0x1;
	s8 =	sshrl.u32 s8, $0x2;
	s24 =	sadd.s32 $0x80, s17  }
0xb: {  	s26 =	sadd.s32 $0x100, s17;
	s5 =	smul.u32 $0x2800, s5;
	s7 =	ssub.s32 s7, s10  }
0xc: {  	s21 =	sadd.s32 s12, s17;
	s25 =	sshll.u32 s24, $0x7;
	s13 =	sadd.s32 s12, s26  }
0xd: {  	s10 =	sadd.s32 $0x200, s17;
	s6 =	sadd.s32 s15, s6;
	s7 =	smax.u32 s7, $0x1  }
0xe: {  	s22 =	sshll.u32 s21, $0x4;
	s13 =	sshll.u32 s13, $0x4;
	s21 =	sor.u32 $0x180, s6  }
0xf: {  	s6 =	sor.u32 $0x100, s6;
	s11 =	sshrl.u32 s5, $0x3;
	s5 =	sadd.s32 s8, s1  }
0x10: {  	[dreg:$0x8] =	wrdreg s7;
	s7 =	sadd.s32 s0, s22;
	s22 =	sshrl.u32 s6, $0x3  }
0x11: {  	s6 =	simm.s32 $0x4200;
	s18 =	sadd.s32 s3, s11;
	s19 =	sor.u32 $0x10, s11  }
0x12: {  	s11 =	sadd.s32 s9, s11;
	s23 =	sadd.s32 $0x4000, s5;
	[dreg:$0xa] =	wrdreg s7  }
0x13: {  	s7 =	sadd.s32 s12, s24;
	s24 =	sadd.s32 $0x180, s17;
	[dreg:$0x4] =	wrdreg s18  }
0x14: {  	s28 =	sadd.s32 $0x10000, s5;
	[dreg:$0x5] =	wrdreg s11;
	s20 =	sadd.s32 s3, s19  }
0x15: {  	s8 =	sadd.s32 s9, s19;
	[dreg:$0x9] =	wrdreg s23;
	s7 =	sshll.u32 s7, $0x4  }
0x16: {  	s18 =	sadd.s32 s0, s13;
	s19 =	sadd.s32 s12, s24;
	[dreg:$0x6] =	wrdreg s20  }
0x17: {  	s23 =	sshll.u32 s26, $0x7;
	s26 =	sshll.u32 s10, $0x7;
	[dreg:$0x7] =	wrdreg s8  }
0x18: {  	s11 =	simm.s32 $0x0;
	s7 =	sadd.s32 s0, s7;
	[dreg:$0xc] =	wrdreg s18  }
0x19: {  	s20 =	sadd.s32 s12, s10;
	s12 =	sshrl.u32 s21, $0x3;
	s21 =	sadd.s32 $0x8000, s5  }
0x1a: {  	s23 =	sadd.s32 s23, s1;
	s8 =	simm.s32 $0x3;
	s10 =	simm.s32 $0x4  }
0x1b: {  	[dreg:$0xb] =	wrdreg s7;
	s7 =	sshll.u32 s19, $0x4;
	s17 =	sadd.s32 s12, s9  }
0x1c: {  	s18 =	sadd.s32 s12, s3;
	s19 =	sadd.s32 s22, s9;
	s9 =	simm.s32 $0x2  }
0x1d: {  	s15 =	sadd.s32 s0, s7;
	s7 =	sshll.u32 s20, $0x4;
	s20 =	sadd.s32 s22, s3  }
0x1e: {  	s22 =	sadd.s32 s25, s1;
	s25 =	sshll.u32 s24, $0x7;
	s3 =	simm.s32 $0x180  }
0x1f: {  	s16 =	sadd.s32 s0, s7;
	s24 =	sadd.s32 s25, s1;
	s25 =	sadd.s32 s26, s1  }
0x20: {  	v0 =	vimm.f32 $0.0e+00;
	s26 =	sadd.s32 $0xC000, s5;
	s0 =	simm.s32 $0x80;
	s7 =	simm.s32 $0x1  }
.LBB2_1:
0x21: {  	s12 =	simm.s32 $0x0;
	s13 =	simm.s32 $0x200  }
.LBB2_2:
0x22: {  	p0 =	sne.s32 s13, $0xFE00;
	[tilespmem:s12+$0x270] =	vst v0  }
0x23: {  	[tilespmem:s12+$0x200] =	vst v0  }
0x24: {  	[tilespmem:s12+$0x210] =	vst v0  }
.Ltmp0:
0x25: {  	[tilespmem:s12+$0x220] =	vst v0;
	(pc) =	sbr.rel @p0 .LBB2_2-.Ltmp0, $4  }
0x26: {  	[tilespmem:s12+$0x230] =	vst v0  }
0x27: {  	[tilespmem:s12+$0x240] =	vst v0  }
0x28: {  	[tilespmem:s12+$0x250] =	vst v0  }
0x29: {  	[tilespmem:s12+$0x260] =	vst v0;
	s12 =	sshra.s32 s13, $0x2;
	s13 =	sadd.s32 $0x200, s13  }
0x2a: {  	[tilespmem:s12+$0x270] =	vst v0  }
0x2b: {  	[tilespmem:s12+$0x200] =	vst v0  }
0x2c: {  	[tilespmem:s12+$0x210] =	vst v0  }
0x2d: {  	[tilespmem:s12+$0x220] =	vst v0  }
0x2e: {  	[tilespmem:s12+$0x230] =	vst v0  }
0x2f: {  	[tilespmem:s12+$0x240] =	vst v0  }
0x30: {  	[tilespmem:s12+$0x250] =	vst v0  }
0x31: {  	[tilespmem:s12+$0x260] =	vst v0  }
0x32: {  	[spmem:s5] =	stream.linear.scatter [tilespmem:s29], [sflag:$0x5], $0x4000, $0x38;
	[tilespmem:$0x1C200] =	vst v63  }
0x33: {  	_ =	swait.ge [sflag:s30], $0x4000  }
0x34: {  	[sflag:s30] =	ssyncset.done $0x0  }
0x35: {  	s13 =	rddreg [dreg:$0x9];
	[sflag:s30] =	ssyncadd.s32 $0xFFFFC000  }
0x36: {  	[spmem:s13] =	stream.linear.scatter [tilespmem:s29], [sflag:$0x5], $0x4000, $0x38;
	[tilespmem:$0x1C200] =	vst v63  }
0x37: {  	_ =	swait.ge [sflag:s30], $0x4000  }
0x38: {  	[sflag:s30] =	ssyncset.done $0x0  }
0x39: {  	[sflag:s30] =	ssyncadd.s32 $0xFFFFC000  }
0x3a: {  	[spmem:s21] =	stream.linear.scatter [tilespmem:s29], [sflag:$0x5], $0x4000, $0x38;
	[tilespmem:$0x1C200] =	vst v63  }
0x3b: {  	_ =	swait.ge [sflag:s30], $0x4000  }
0x3c: {  	[sflag:s30] =	ssyncset.done $0x0  }
0x3d: {  	[sflag:s30] =	ssyncadd.s32 $0xFFFFC000  }
0x3e: {  	[spmem:s26] =	stream.linear.scatter [tilespmem:s29], [sflag:$0x5], $0x4000, $0x38;
	[tilespmem:$0x1C200] =	vst v63  }
0x3f: {  	_ =	swait.ge [sflag:s30], $0x4000  }
0x40: {  	[sflag:s30] =	ssyncset.done $0x0  }
0x41: {  	[sflag:s30] =	ssyncadd.s32 $0xFFFFC000  }
0x42: {  	[spmem:s28] =	stream.linear.scatter [tilespmem:s29], [sflag:$0x5], $0x4000, $0x38;
	[tilespmem:$0x1C200] =	vst v63  }
0x43: {  	_ =	swait.ge [sflag:s30], $0x4000  }
0x44: {  	[sflag:s30] =	ssyncset.done $0x0  }
0x45: {  	[sflag:s30] =	ssyncadd.s32 $0xFFFFC000  }
0x46: {  	[bflag:$0x0] =	sbarrier.arrive $0xFFFF  }
0x47: {  	s12 =	simm.s32 $0x0;
	s13 =	rddreg [dreg:$0x4]  }
0x48: {  	[tilespmem:s12], [sflag:$0x5] =	stream.linear.gather [hbm4b:s13+s12], $0x80, $0x38;
	[tilespmem:$0x1C200] =	vst v63  }
0x49: {  	_ =	swait.ge [sflag:s30], $0x80  }
0x4a: {  	[sflag:s30] =	ssyncset.done $0x0  }
0x4b: {  	s14 =	rddreg [dreg:$0x5];
	[sflag:s30] =	ssyncadd.s32 $0xFFFFFF80  }
0x4c: {  	[tilespmem:s31], [sflag:$0x5] =	stream.linear.gather [hbm4b:s14+s12], $0x80, $0x38;
	[tilespmem:$0x1C200] =	vst v63  }
0x4d: {  	_ =	swait.ge [sflag:s30], $0x80  }
0x4e: {  	[sflag:s30] =	ssyncset.done $0x0  }
0x4f: {  	[sflag:s30] =	ssyncadd.s32 $0xFFFFFF80  }
0x50: {  	[tilespmem:s29], [sflag:$0x1] =	stream.indirect.gather [hbm4b:s4+s0], $0x80, s12, s0, $0xb8;
	[tilespmem:$0x1C200] =	vst v63  }
0x51: {  	s14 =	rddreg [dreg:$0x6]  }
0x52: {  	[tilespmem:s0], [sflag:$0x5] =	stream.linear.gather [hbm4b:s14+s12], $0x80, $0x38;
	[tilespmem:$0x1C200] =	vst v63  }
0x53: {  	_ =	swait.ge [sflag:s30], $0x80  }
0x54: {  	[sflag:s30] =	ssyncset.done $0x0  }
0x55: {  	s14 =	rddreg [dreg:$0x7];
	[sflag:s30] =	ssyncadd.s32 $0xFFFFFF80  }
0x56: {  	[tilespmem:s3], [sflag:$0x5] =	stream.linear.gather [hbm4b:s14+s12], $0x80, $0x38;
	[tilespmem:$0x1C200] =	vst v63  }
0x57: {  	_ =	swait.ge [sflag:s30], $0x80  }
0x58: {  	[sflag:s30] =	ssyncset.done $0x0  }
0x59: {  	[sflag:s30] =	ssyncadd.s32 $0xFFFFFF80  }
0x5a: {  	[tilespmem:s6], [sflag:$0x2] =	stream.indirect.gather [hbm4b:s4+s0], $0x80, s0, s0, $0xb8;
	[tilespmem:$0x1C200] =	vst v63  }
0x5b: {  	_ =	swait.ge [sflag:s7], $0x4000  }
0x5c: {  	[sflag:s7] =	ssyncset.done $0x0  }
0x5d: {  	[sflag:s7] =	ssyncadd.s32 $0xFFFFC000  }
0x5e: {  	[spmem:s1] =	stream.indirect.scatter.add.f32 [tilespmem:s29], [sflag:$0x3], $0x80, s31, s0, $0xb8;
	[tilespmem:$0x1C200] =	vst v63  }
0x5f: {  	_ =	swait.ge [sflag:s8], $0x4000  }
0x60: {  	[sflag:s8] =	ssyncset.done $0x0  }
0x61: {  	s13 =	sadd.s32 $0x0, s20;
	[sflag:s8] =	ssyncadd.s32 $0xFFFFC000  }
0x62: {  	[tilespmem:s2], [sflag:$0x5] =	stream.linear.gather [hbm4b:s13+s2], $0x80, $0x38;
	[tilespmem:$0x1C200] =	vst v63  }
0x63: {  	_ =	swait.ge [sflag:s30], $0x80  }
0x64: {  	[sflag:s30] =	ssyncset.done $0x0  }
0x65: {  	s14 =	sadd.s32 $0x0, s19;
	[sflag:s30] =	ssyncadd.s32 $0xFFFFFF80  }
0x66: {  	[tilespmem:s31], [sflag:$0x5] =	stream.linear.gather [hbm4b:s14+s2], $0x80, $0x38;
	[tilespmem:$0x1C200] =	vst v63  }
0x67: {  	_ =	swait.ge [sflag:s30], $0x80  }
0x68: {  	[sflag:s30] =	ssyncset.done $0x0  }
0x69: {  	[sflag:s30] =	ssyncadd.s32 $0xFFFFFF80  }
0x6a: {  	[tilespmem:s29], [sflag:$0x1] =	stream.indirect.gather [hbm4b:s4+s0], $0x80, s2, s0, $0xb8;
	[tilespmem:$0x1C200] =	vst v63  }
0x6b: {  	_ =	swait.ge [sflag:s9], $0x4000  }
0x6c: {  	[sflag:s9] =	ssyncset.done $0x0  }
0x6d: {  	[sflag:s9] =	ssyncadd.s32 $0xFFFFC000  }
0x6e: {  	[spmem:s1] =	stream.indirect.scatter.add.f32 [tilespmem:s6], [sflag:$0x4], $0x80, s3, s0, $0xb8;
	[tilespmem:$0x1C200] =	vst v63  }
0x6f: {  	_ =	swait.ge [sflag:s10], $0x4000  }
0x70: {  	[sflag:s10] =	ssyncset.done $0x0  }
0x71: {  	s13 =	sadd.s32 $0x0, s18;
	[sflag:s10] =	ssyncadd.s32 $0xFFFFC000  }
0x72: {  	[tilespmem:s0], [sflag:$0x5] =	stream.linear.gather [hbm4b:s13+s2], $0x80, $0x38;
	[tilespmem:$0x1C200] =	vst v63  }
0x73: {  	_ =	swait.ge [sflag:s30], $0x80  }
0x74: {  	[sflag:s30] =	ssyncset.done $0x0  }
0x75: {  	s14 =	sadd.s32 $0x0, s17;
	[sflag:s30] =	ssyncadd.s32 $0xFFFFFF80  }
0x76: {  	[tilespmem:s3], [sflag:$0x5] =	stream.linear.gather [hbm4b:s14+s2], $0x80, $0x38;
	[tilespmem:$0x1C200] =	vst v63  }
0x77: {  	_ =	swait.ge [sflag:s30], $0x80  }
0x78: {  	[sflag:s30] =	ssyncset.done $0x0  }
0x79: {  	s12 =	simm.s32 $0x20;
	[sflag:s30] =	ssyncadd.s32 $0xFFFFFF80  }
.LBB2_4:
0x7a: {  	[tilespmem:s6], [sflag:$0x2] =	stream.indirect.gather [hbm4b:s4+s0], $0x80, s0, s0, $0xb8;
	[tilespmem:$0x1C200] =	vst v63  }
0x7b: {  	s13 =	smov.u32 s12  }
0x7c: {  	p0 =	sne.s32 s12, $0x4C0;
	s12 =	sadd.s32 $0x20, s12;
	_ =	swait.ge [sflag:s7], $0x4000  }
0x7d: {  	[sflag:s7] =	ssyncset.done $0x0  }
0x7e: {  	[sflag:s7] =	ssyncadd.s32 $0xFFFFC000  }
0x7f: {  	[spmem:s1] =	stream.indirect.scatter.add.f32 [tilespmem:s29], [sflag:$0x3], $0x80, s31, s0, $0xb8;
	[tilespmem:$0x1C200] =	vst v63  }
0x80: {  	_ =	swait.ge [sflag:s8], $0x4000  }
0x81: {  	[sflag:s8] =	ssyncset.done $0x0  }
0x82: {  	s14 =	sadd.s32 s13, s20;
	[sflag:s8] =	ssyncadd.s32 $0xFFFFC000  }
0x83: {  	[tilespmem:s2], [sflag:$0x5] =	stream.linear.gather [hbm4b:s14+s2], $0x80, $0x38;
	[tilespmem:$0x1C200] =	vst v63  }
0x84: {  	_ =	swait.ge [sflag:s30], $0x80  }
0x85: {  	[sflag:s30] =	ssyncset.done $0x0  }
0x86: {  	s14 =	sadd.s32 s13, s19;
	[sflag:s30] =	ssyncadd.s32 $0xFFFFFF80  }
0x87: {  	[tilespmem:s31], [sflag:$0x5] =	stream.linear.gather [hbm4b:s14+s2], $0x80, $0x38;
	[tilespmem:$0x1C200] =	vst v63  }
0x88: {  	_ =	swait.ge [sflag:s30], $0x80  }
0x89: {  	[sflag:s30] =	ssyncset.done $0x0  }
0x8a: {  	[sflag:s30] =	ssyncadd.s32 $0xFFFFFF80  }
0x8b: {  	[tilespmem:s29], [sflag:$0x1] =	stream.indirect.gather [hbm4b:s4+s0], $0x80, s2, s0, $0xb8;
	[tilespmem:$0x1C200] =	vst v63  }
0x8c: {  	_ =	swait.ge [sflag:s9], $0x4000  }
0x8d: {  	[sflag:s9] =	ssyncset.done $0x0  }
0x8e: {  	[sflag:s9] =	ssyncadd.s32 $0xFFFFC000  }
0x8f: {  	[spmem:s1] =	stream.indirect.scatter.add.f32 [tilespmem:s6], [sflag:$0x4], $0x80, s3, s0, $0xb8;
	[tilespmem:$0x1C200] =	vst v63  }
0x90: {  	_ =	swait.ge [sflag:s10], $0x4000  }
0x91: {  	[sflag:s10] =	ssyncset.done $0x0  }
0x92: {  	s14 =	sadd.s32 s13, s18;
	[sflag:s10] =	ssyncadd.s32 $0xFFFFC000  }
0x93: {  	[tilespmem:s0], [sflag:$0x5] =	stream.linear.gather [hbm4b:s14+s2], $0x80, $0x38;
	[tilespmem:$0x1C200] =	vst v63  }
0x94: {  	_ =	swait.ge [sflag:s30], $0x80  }
0x95: {  	[sflag:s30] =	ssyncset.done $0x0  }
.Ltmp1:
0x96: {  	s13 =	sadd.s32 s13, s17;
	[sflag:s30] =	ssyncadd.s32 $0xFFFFFF80;
	(pc) =	sbr.rel @p0 .LBB2_4-.Ltmp1, $4  }
0x97: {  	[tilespmem:s3], [sflag:$0x5] =	stream.linear.gather [hbm4b:s13+s2], $0x80, $0x38;
	[tilespmem:$0x1C200] =	vst v63  }
0x98: {  	_ =	swait.ge [sflag:s30], $0x80  }
0x99: {  	[sflag:s30] =	ssyncset.done $0x0  }
0x9a: {  	[sflag:s30] =	ssyncadd.s32 $0xFFFFFF80  }
0x9b: {  	[tilespmem:s6], [sflag:$0x2] =	stream.indirect.gather [hbm4b:s4+s0], $0x80, s0, s0, $0xb8;
	[tilespmem:$0x1C200] =	vst v63  }
0x9c: {  	_ =	swait.ge [sflag:s7], $0x4000  }
0x9d: {  	[sflag:s7] =	ssyncset.done $0x0  }
0x9e: {  	[sflag:s7] =	ssyncadd.s32 $0xFFFFC000  }
0x9f: {  	[spmem:s1] =	stream.indirect.scatter.add.f32 [tilespmem:s29], [sflag:$0x3], $0x80, s31, s0, $0xb8;
	[tilespmem:$0x1C200] =	vst v63  }
0xa0: {  	_ =	swait.ge [sflag:s8], $0x4000  }
0xa1: {  	[sflag:s8] =	ssyncset.done $0x0  }
0xa2: {  	[sflag:s8] =	ssyncadd.s32 $0xFFFFC000  }
0xa3: {  	_ =	swait.ge [sflag:s9], $0x4000  }
0xa4: {  	[sflag:s9] =	ssyncset.done $0x0  }
0xa5: {  	[sflag:s9] =	ssyncadd.s32 $0xFFFFC000  }
0xa6: {  	[spmem:s1] =	stream.indirect.scatter.add.f32 [tilespmem:s6], [sflag:$0x4], $0x80, s3, s0, $0xb8;
	[tilespmem:$0x1C200] =	vst v63  }
0xa7: {  	_ =	swait.ge [sflag:s10], $0x4000  }
0xa8: {  	[sflag:s10] =	ssyncset.done $0x0  }
0xa9: {  	[sflag:s10] =	ssyncadd.s32 $0xFFFFC000  }
0xaa: {  	[bflag:$0x0] =	sbarrier.arrive $0xFFFF  }
0xab: {  	[tilespmem:s29], [sflag:$0x5] =	stream.linear.gather [spmem:s5], $0x4000, $0x38;
	[tilespmem:$0x1C200] =	vst v63  }
0xac: {  	_ =	swait.ge [sflag:s30], $0x4000  }
0xad: {  	[sflag:s30] =	ssyncset.done $0x0  }
0xae: {  	s12 =	rddreg [dreg:$0xa];
	[sflag:s30] =	ssyncadd.s32 $0xFFFFC000  }
0xaf: {  	[hbm4b:s12+s2] =	stream.linear.scatter [tilespmem:s29], [sflag:$0x5], $0x4000, $0x38;
	[tilespmem:$0x1C200] =	vst v63  }
0xb0: {  	_ =	swait.ge [sflag:s30], $0x4000  }
0xb1: {  	[sflag:s30] =	ssyncset.done $0x0  }
0xb2: {  	[sflag:s30] =	ssyncadd.s32 $0xFFFFC000  }
0xb3: {  	[tilespmem:s29], [sflag:$0x5] =	stream.linear.gather [spmem:s22], $0x4000, $0x38;
	[tilespmem:$0x1C200] =	vst v63  }
0xb4: {  	_ =	swait.ge [sflag:s30], $0x4000  }
0xb5: {  	[sflag:s30] =	ssyncset.done $0x0  }
0xb6: {  	s14 =	rddreg [dreg:$0xb];
	[sflag:s30] =	ssyncadd.s32 $0xFFFFC000  }
0xb7: {  	[hbm4b:s14+s2] =	stream.linear.scatter [tilespmem:s29], [sflag:$0x5], $0x4000, $0x38;
	[tilespmem:$0x1C200] =	vst v63  }
0xb8: {  	_ =	swait.ge [sflag:s30], $0x4000  }
0xb9: {  	[sflag:s30] =	ssyncset.done $0x0  }
0xba: {  	[sflag:s30] =	ssyncadd.s32 $0xFFFFC000  }
0xbb: {  	[tilespmem:s29], [sflag:$0x5] =	stream.linear.gather [spmem:s23], $0x4000, $0x38;
	[tilespmem:$0x1C200] =	vst v63  }
0xbc: {  	_ =	swait.ge [sflag:s30], $0x4000  }
0xbd: {  	[sflag:s30] =	ssyncset.done $0x0  }
0xbe: {  	s13 =	rddreg [dreg:$0xc];
	[sflag:s30] =	ssyncadd.s32 $0xFFFFC000  }
0xbf: {  	[hbm4b:s13+s2] =	stream.linear.scatter [tilespmem:s29], [sflag:$0x5], $0x4000, $0x38;
	[tilespmem:$0x1C200] =	vst v63  }
0xc0: {  	_ =	swait.ge [sflag:s30], $0x4000  }
0xc1: {  	[sflag:s30] =	ssyncset.done $0x0  }
0xc2: {  	[sflag:s30] =	ssyncadd.s32 $0xFFFFC000  }
0xc3: {  	[tilespmem:s29], [sflag:$0x5] =	stream.linear.gather [spmem:s24], $0x4000, $0x38;
	[tilespmem:$0x1C200] =	vst v63  }
0xc4: {  	_ =	swait.ge [sflag:s30], $0x4000  }
0xc5: {  	[sflag:s30] =	ssyncset.done $0x0  }
0xc6: {  	[sflag:s30] =	ssyncadd.s32 $0xFFFFC000  }
0xc7: {  	[hbm4b:s15+s2] =	stream.linear.scatter [tilespmem:s29], [sflag:$0x5], $0x4000, $0x38;
	[tilespmem:$0x1C200] =	vst v63  }
0xc8: {  	_ =	swait.ge [sflag:s30], $0x4000  }
0xc9: {  	[sflag:s30] =	ssyncset.done $0x0  }
0xca: {  	[sflag:s30] =	ssyncadd.s32 $0xFFFFC000  }
0xcb: {  	[tilespmem:s29], [sflag:$0x5] =	stream.linear.gather [spmem:s25], $0x4000, $0x38;
	[tilespmem:$0x1C200] =	vst v63  }
0xcc: {  	_ =	swait.ge [sflag:s30], $0x4000  }
0xcd: {  	[sflag:s30] =	ssyncset.done $0x0  }
0xce: {  	[sflag:s30] =	ssyncadd.s32 $0xFFFFC000  }
0xcf: {  	[hbm4b:s16+s2] =	stream.linear.scatter [tilespmem:s29], [sflag:$0x5], $0x4000, $0x38;
	[tilespmem:$0x1C200] =	vst v63  }
0xd0: {  	_ =	swait.ge [sflag:s30], $0x4000  }
0xd1: {  	s11 =	sadd.s32 $0x1, s11;
	s14 =	rddreg [dreg:$0x8]  }
0xd2: {  	p0 =	sne.s32 s11, s14  }
.Ltmp2:
0xd3: {  	_ = 	snop;
	(pc) =	sbr.rel @p0 .LBB2_1-.Ltmp2, $3  }
0xd4: {  	_ =	sdelay $0x1  }
0xd5: {  	[sflag:s30] =	ssyncset.done $0x0  }
0xd6: {  	[sflag:s30] =	ssyncadd.s32 $0xFFFFC000  }
0xd7: {  	_ =	sfence.sel $0x180000  }
0xd8: {  	[bflag:$0x0] =	sbarrier.arrive $0xFFFF  }
0xd9: {  	_ =	strace $0x9000004D  }
0xda: {  	s0 =	stileid.u32;
	[bflag:$0x2] =	sbarrier.arrive $0xFFFF  }
0xdb: {  	p0 =	sne.s32 s0, $0x0;
	s0 =	rddreg [dreg:$0x3]  }
0xdc: {  	s0 =	sadd.s32 @!p0 $0x100000, s0  }
0xdd: {  	[sflag:s0] =	ssyncadd.tile.s32 @!p0 $0x1;
	_ =	shalt  }
.Lfunc_end2:
_tile_overlayer_lowered:
.L_overlay_start_2:
0xde: {  	(tag) =	ssettag $0x2  }
0xdf: {  	s0 =	rddreg [dreg:$0x0];
	s2 =	stileid.u32  }
0xe0: {  	s1 =	rddreg [dreg:$0x1];
	p0 =	sne.s32 s2, $0x0  }
0xe1: {  	s3 =	rddreg [dreg:$0x2];
	[bflag:$0x3] =	sbarrier.arrive $0xFFFF;
	s2 =	simm.s32 @!p0 $0x1C05  }
0xe2: {  	[timem:s3], [sflag:s2] =	dma.local @!p0 [hbm:s0], s1  }
0xe3: {  	s0 =	simm.s32 @!p0 $0x5  }
0xe4: {  	_ =	swait.ge @!p0 [sflag:s0], s1  }
0xe5: {  	s1 =	ssub.s32 @!p0 $0x0, s1;
	[sflag:s0] =	ssyncset.done @!p0 $0x0  }
0xe6: {  	[sflag:s0] =	ssyncadd.s32 @!p0 s1  }
0xe7: {  	[bflag:$0x3] =	sbarrier.arrive $0xFFFF  }
0xe8: {  	_ =	shalt  }

// kernel: kernel.18.cloned.1.call-start
scs
__scs_entry_jumppad:
0x0: {  	(pc) =	sbr.rel $0x88, $3  }
0x1: {  	(tag) =	ssettag $0x0;
	lr =	simm.s32 $0x1  }
0x2: {  	[smem:$0x3F96] =	sst lr;
	_ =	strace $0xD0000000  }
0x3: {  	_ = 	snop  }
0x4: {  	_ = 	snop  }
0x5: {  	_ = 	snop  }
0x6: {  	_ = 	snop  }
0x7: {  	_ = 	snop  }
__scs_overlays_trampoline_lowered:
0x8: {  	[smem:$0x3FA5] =	sst s0  }
0x9: {  	[smem:$0x3FA6] =	sst s1  }
0xa: {  	[smem:$0x3FA7] =	sst s2  }
0xb: {  	[smem:$0x3FA8] =	sst s3  }
0xc: {  	[smem:$0x3FA9] =	sst s4  }
0xd: {  	[smem:$0x3FAA] =	sst s5  }
0xe: {  	[smem:$0x3FAB] =	sst s6  }
0xf: {  	[smem:$0x3FAC] =	sst s7  }
0x10: {  	[smem:$0x3FAD] =	sst s8  }
0x11: {  	[smem:$0x3FAE] =	sst s9;
	s0 =	simm.s32 @!p0 $0x0  }
0x12: {  	s1 =	sld [smem:$0x3F94];
	s0 =	simm.s32 @p0 $0x1  }
0x13: {  	[smem:$0x3FAF] =	sst s0;
	s0 =	simm.s32 @!p1 $0x0  }
0x14: {  	s2 =	sld [smem:$0x3F93];
	s0 =	simm.s32 @p1 $0x1  }
0x15: {  	[smem:$0x3FB0] =	sst s0;
	s0 =	simm.s32 @!p2 $0x0  }
0x16: {  	s3 =	sld [smem:$0x3FDB];
	s0 =	simm.s32 @p2 $0x1  }
0x17: {  	s4 =	simm.s32 $0x1BF5;
	[smem:$0x3FB2] =	sst s0  }
0x18: {  	s0 =	sld [smem:$0x3F95];
	_ =	swait.ge [sflag:s4], $0x0  }
0x19: {  	s7 =	sld [smem:$0x3F96]  }
0x1a: {  	s8 =	sadd.s32 $0xFFFFE003, lr  }
0x1b: {  	s9 =	sadd.s32 $0xFFFFFEF7, lr;
	s5 =	simm.s32 $0xFFFFFFFF;
	p2 =	slt.u32 s8, $0xFFFFF086  }
0x1c: {  	p1 =	slt.u32 s9, $0xF7A;
	s5 =	simm.s32 @!p2 $0x0  }
0x1d: {  	s5 =	simm.s32 @p1 $0x1;
	p0 =	seq.s32 s7, s2  }
0x1e: {  	s7 =	smul.u32 @!p0 $0xF7A, s2;
	p2 =	seq.s32 @!p0 s5, $0x0  }
0x1f: {  	s9 =	smul.u32 $0xF7A, s1;
	s8 =	simm.s32 @!p0 $0x1BF5;
	p2 =	por !p2, p0  }
0x20: {  	[sflag:s8] =	ssyncset.s32 @!p0 $0xFFFFF086;
	s6 =	sadd.s32 @!p0 s3, s7;
	s7 =	simm.s32 @!p0 $0x108  }
0x21: {  	s3 =	sadd.s32 s3, s9;
	s6 =	sadd.s32 @!p0 $0x88, s6;
	s7 =	simm.s32 @p2 $0x1082  }
0x22: {  	[simem:s7], [sflag:s8] =	dma.local @!p0 [hbm:s6], $0xF7A  }
0x23: {  	s9 =	sor.u32 $0xD0000000, s2;
	s6 =	simm.s32 $0x108;
	_ =	swait.ge @!p0 [sflag:s8], $0x0  }
0x24: {  	s3 =	sadd.s32 $0x88, s3;
	s6 =	simm.s32 @!p1 $0x1082;
	[sflag:s4] =	ssyncset.s32 $0xFFFFF086  }
0x25: {  	[simem:s6], [sflag:s4] =	dma.local [hbm:s3], $0xF7A  }
0x26: {  	[smem:$0x3F96] =	sst s1;
	(tag) =	ssettag s2;
	_ =	strace s9  }
0x27: {  	s1 =	sld [smem:$0x3FA6]  }
0x28: {  	s2 =	sld [smem:$0x3FA7]  }
0x29: {  	s4 =	sld [smem:$0x3FA9]  }
0x2a: {  	p0 =	seq.s32 s5, $0x0;
	s5 =	sld [smem:$0x3FAA]  }
0x2b: {  	s6 =	sld [smem:$0x3FAB]  }
0x2c: {  	s7 =	sld [smem:$0x3FAC]  }
0x2d: {  	s3 =	simm.s32 $0x108;
	s8 =	sld [smem:$0x3FAD]  }
0x2e: {  	s3 =	simm.s32 @!p0 $0x1082;
	s9 =	sld [smem:$0x3FAE]  }
0x2f: {  	lr =	sadd.s32 s0, s3;
	s0 =	sld [smem:$0x3FA5]  }
0x30: {  	s3 =	sld [smem:$0x3FA8]  }
0x31: {  	[smem:$0x3FB1] =	sst s10  }
0x32: {  	s10 =	sld [smem:$0x3FAF];
	_ =	sdelay $0x3  }
0x33: {  	p0 =	seq.s32 s10, $0x1;
	s10 =	sld [smem:$0x3FB1];
	_ =	sdelay $0x3  }
0x34: {  	[smem:$0x3FB1] =	sst s10  }
0x35: {  	s10 =	sld [smem:$0x3FB0];
	_ =	sdelay $0x3  }
0x36: {  	p1 =	seq.s32 s10, $0x1;
	s10 =	sld [smem:$0x3FB1];
	_ =	sdelay $0x3  }
0x37: {  	[smem:$0x3FB1] =	sst s10  }
0x38: {  	s10 =	sld [smem:$0x3FB2]  }
0x39: {  	_ = 	snop;
	(pc) =	sbr.ind lr, $3  }
0x3a: {  	_ = 	snop  }
0x3b: {  	_ = 	snop  }
0x3c: {  	p2 =	seq.s32 s10, $0x1;
	s10 =	sld [smem:$0x3FB1]  }
0x3d: {  	_ =	shalt  }
0x3e: {  	_ =	shalt  }
0x3f: {  	_ =	shalt  }
0x40: {  	_ =	shalt  }
0x41: {  	_ =	shalt  }
0x42: {  	_ =	shalt  }
0x43: {  	_ =	shalt  }
0x44: {  	_ =	shalt  }
0x45: {  	_ =	shalt  }
0x46: {  	_ =	shalt  }
0x47: {  	_ =	shalt  }
0x48: {  	_ =	shalt  }
0x49: {  	_ =	shalt  }
0x4a: {  	_ =	shalt  }
0x4b: {  	_ =	shalt  }
0x4c: {  	_ =	shalt  }
0x4d: {  	_ =	shalt  }
0x4e: {  	_ =	shalt  }
0x4f: {  	_ =	shalt  }
0x50: {  	_ =	shalt  }
0x51: {  	_ =	shalt  }
0x52: {  	_ =	shalt  }
0x53: {  	_ =	shalt  }
0x54: {  	_ =	shalt  }
0x55: {  	_ =	shalt  }
0x56: {  	_ =	shalt  }
0x57: {  	_ =	shalt  }
0x58: {  	_ =	shalt  }
0x59: {  	_ =	shalt  }
0x5a: {  	_ =	shalt  }
0x5b: {  	_ =	shalt  }
0x5c: {  	_ =	shalt  }
0x5d: {  	_ =	shalt  }
0x5e: {  	_ =	shalt  }
0x5f: {  	_ =	shalt  }
0x60: {  	_ =	shalt  }
0x61: {  	_ =	shalt  }
0x62: {  	_ =	shalt  }
0x63: {  	_ =	shalt  }
0x64: {  	_ =	shalt  }
0x65: {  	_ =	shalt  }
0x66: {  	_ =	shalt  }
0x67: {  	_ =	shalt  }
0x68: {  	_ =	shalt  }
0x69: {  	_ =	shalt  }
0x6a: {  	_ =	shalt  }
0x6b: {  	_ =	shalt  }
0x6c: {  	_ =	shalt  }
0x6d: {  	_ =	shalt  }
0x6e: {  	_ =	shalt  }
0x6f: {  	_ =	shalt  }
0x70: {  	_ =	shalt  }
0x71: {  	_ =	shalt  }
0x72: {  	_ =	shalt  }
0x73: {  	_ =	shalt  }
0x74: {  	_ =	shalt  }
0x75: {  	_ =	shalt  }
0x76: {  	_ =	shalt  }
0x77: {  	_ =	shalt  }
0x78: {  	_ =	shalt  }
0x79: {  	_ =	shalt  }
0x7a: {  	_ =	shalt  }
0x7b: {  	_ =	shalt  }
0x7c: {  	_ =	shalt  }
0x7d: {  	_ =	shalt  }
0x7e: {  	_ =	shalt  }
0x7f: {  	_ =	shalt  }
0x80: {  	_ =	shalt  }
0x81: {  	_ =	shalt  }
0x82: {  	_ =	shalt  }
0x83: {  	_ =	shalt  }
0x84: {  	_ =	shalt  }
0x85: {  	_ =	shalt  }
0x86: {  	_ =	shalt  }
0x87: {  	_ =	shalt  }
.Lfunc_end0:
.L_simem_size_0:
called_computation.3_lowered:
.L_overlay_start_0:
0x88: {  	s2 =	sld [smem:$0x3FD9]  }
0x89: {  	s3 =	sld [smem:$0x3FFE];
	_ =	sdelay $0x1  }
0x8a: {  	s1 =	srdreg.scid  }
0x8b: {  	s0 =	sand.u32 $0x1, s1  }
0x8c: {  	s17 =	sshll.u32 s0, $0xA;
	s2 =	sadd.s32 s3, s2  }
0x8d: {  	s2 =	sadd.s32 s2, s17  }
0x8e: {  	[smem:$0x3FBD] =	sst s2  }
0x8f: {  	_ = 	snop  }
0x90: {  	s2 =	sld [smem:$0x3FD0];
	(tm) =	ssettm $0x1  }
0x91: {  	s18 =	sld [smem:$0x3FFB];
	_ =	sdelay $0x3  }
0x92: {  	_ =	strace s18  }
0x93: {  	s3 =	sld [smem:$0x3FFC];
	_ =	sdelay $0x3  }
0x94: {  	_ =	strace s3  }
0x95: {  	s3 =	sld [smem:$0x3FFD];
	_ =	sdelay $0x3  }
0x96: {  	_ =	strace s3  }
0x97: {  	_ =	strace $0x8FFFFFFF  }
0x98: {  	s19 =	sld [smem:$0x3FDB];
	_ =	sdelay $0x1  }
0x99: {  	s4 =	simm.s32 $_scs_section_size  }
0x9a: {  	s5 =	simm.s32 $_size__tile_overlayer_lowered;
	s6 =	simm.s32 $_tile_overlayer_lowered  }
0x9b: {  	s22 =	simm.s32 $0x1BFF;
	s21 =	sshll.u32 s6, $0x1;
	s3 =	sadd.s32 s4, s19  }
0x9c: {  	s7 =	simm.s32 $0x0;
	s20 =	sshll.u32 s5, $0x1;
	s5 =	sadd.s32 s21, s3  }
0x9d: {  	[timem:s7], [sflag:s22] =	dma.local [hbm:s5], s20  }
0x9e: {  	_ =	swait.ge [sflag:s22], s20  }
0x9f: {  	s4 =	ssub.s32 $0x0, s20;
	[sflag:s22] =	ssyncset.done $0x0  }
0xa0: {  	[sflag:s22] =	ssyncadd.s32 s4;
	_ =	sdelay $0x1  }
0xa1: {  	s23 =	simm.s32 $0x1B8B  }
0xa2: {  	_ =	swait.ge [sflag:s23], $0x1  }
0xa3: {  	[sflag:s23] =	ssyncset.done $0x0  }
0xa4: {  	s25 =	simm.s32 $0x1B8E;
	s24 =	sld [smem:$0x3FFE];
	[sflag:s23] =	ssyncadd.s32 $0xFFFFFFFF  }
0xa5: {  	s26 =	simm.s32 $execute0_lowered;
	[smem:$0x3FD2] =	sst s25  }
0xa6: {  	s5 =	sshll.u32 s26, $0x1;
	_ =	strace $0x8000004F;
	[dreg:$0x1] =	wrdreg $0xFFFFFFFF  }
0xa7: {  	s28 =	simm.s32 $_size_execute0_lowered;
	s3 =	sadd.s32 s3, s5;
	[dreg:$0x0] =	wrdreg $0x0  }
0xa8: {  	s5 =	sshll.u32 s28, $0x1;
	[dreg:$0x2] =	wrdreg s3  }
0xa9: {  	[dreg:$0x3] =	wrdreg s5  }
0xaa: {  	[dreg:$0x4] =	wrdreg $0xC0  }
0xab: {  	_ =	task [dreg:s7], $0x5FFFF  }
0xac: {  	[dreg:$0x1] =	wrdreg $0xFFFFFFFF  }
0xad: {  	[dreg:$0x0] =	wrdreg $0x60  }
0xae: {  	[dreg:$0x2] =	wrdreg s24  }
0xaf: {  	[dreg:$0x3] =	wrdreg s2  }
0xb0: {  	[dreg:$0x4] =	wrdreg $0x82000  }
0xb1: {  	[dreg:$0x5] =	wrdreg $0x9  }
0xb2: {  	_ =	task.clear_ibuf [dreg:s7], $0x6FFFF;
	_ =	strace $0x9000004F  }
0xb3: {  	s29 =	simm.s32 $0x9;
	_ =	strace $0x80000051  }
0xb4: {  	_ =	swait.ge [sflag:s29], $0x1  }
0xb5: {  	[sflag:s29] =	ssyncadd.s32 $0xFFFFFFFF  }
0xb6: {  	_ =	strace $0x90000051  }
0xb7: {  	_ =	sfence  }
0xb8: {  	s30 =	sld [smem:$0x0];
	_ =	sdelay $0x2  }
0xb9: {  	s31 =	sshll.u32 s1, $0xD;
	s1 =	sshrl.u32 s1, $0x2  }
0xba: {  	s3 =	sand.u32 $0x4000, s31;
	s1 =	sadd.s32 s1, s30  }
0xbb: {  	s0 =	sor.u32 s3, s0;
	s1 =	sshll.u32 s1, $0x11  }
0xbc: {  	s0 =	sor.u32 s1, s0  }
0xbd: {  	s0 =	sadd.s32 $0x8F2B, s0  }
0xbe: {  	[sflag:s0] =	ssyncadd.remote.s32 $0x1  }
0xbf: {  	_ =	sfence.sel $0xFFFF  }
0xc0: {  	[dreg:$0x0] =	wrdreg $0xFFFFFFFF;
	(pc) =	sbr.abs _section_cstart, $3  }
0xc1: {  	[dreg:$0x1] =	wrdreg $0xFFFFFFFF  }
0xc2: {  	_ =	task.clear_ibuf [dreg:s7], $0x2FFFF;
	_ =	strace $0x9FFFFFFF  }
0xc3: {  	(tm) =	ssettm $0x7FFFFFFF  }
tec
execute0_lowered:
.L_overlay_start_1:
0x0: {  	(tag) =	ssettag $0x1  }
0x1: {  	s0 =	rddreg [dreg:$0x0]  }
0x2: {  	s3 =	rddreg [dreg:$0x1]  }
0x3: {  	s1 =	rddreg [dreg:$0x2];
	s2 =	simm.s32 $0x0;
	s4 =	srdreg.scid  }
0x4: {  	s14 =	stileid.u32;
	s29 =	simm.s32 $0x200;
	s30 =	simm.s32 $0x5  }
0x5: {  	s31 =	simm.s32 $0x100;
	[smem:$0x7FF] =	sst s2;
	s8 =	smul.u32 $0x50000, s14  }
0x6: {  	s6 =	sand.u32 $0x1, s4;
	s4 =	sadd.s32 $0xD200, s0;
	s17 =	smul.u32 $0x280, s14  }
0x7: {  	s9 =	sadd.s32 $0x3200, s0;
	s0 =	sadd.s32 $0xAD200, s0;
	s15 =	smul.u32 $0x2800, s14  }
0x8: {  	_ =	strace $0x80000050;
	s5 =	sshll.u32 s6, $0x4;
	s12 =	smul.u32 $0x2800, s6  }
0x9: {  	s7 =	ssub.s32 $0x2, s6;
	s6 =	smul.u32 $0x28000, s6;
	s5 =	sor.u32 s14, s5  }
0xa: {  	s10 =	sshrl.u32 s7, $0x1;
	s8 =	sshrl.u32 s8, $0x2;
	s24 =	sadd.s32 $0x80, s17  }
0xb: {  	s26 =	sadd.s32 $0x100, s17;
	s5 =	smul.u32 $0x2800, s5;
	s7 =	ssub.s32 s7, s10  }
0xc: {  	s21 =	sadd.s32 s12, s17;
	s25 =	sshll.u32 s24, $0x7;
	s13 =	sadd.s32 s12, s26  }
0xd: {  	s10 =	sadd.s32 $0x200, s17;
	s6 =	sadd.s32 s15, s6;
	s7 =	smax.u32 s7, $0x1  }
0xe: {  	s22 =	sshll.u32 s21, $0x4;
	s13 =	sshll.u32 s13, $0x4;
	s21 =	sor.u32 $0x180, s6  }
0xf: {  	s6 =	sor.u32 $0x100, s6;
	s11 =	sshrl.u32 s5, $0x3;
	s5 =	sadd.s32 s8, s1  }
0x10: {  	[dreg:$0x8] =	wrdreg s7;
	s7 =	sadd.s32 s0, s22;
	s22 =	sshrl.u32 s6, $0x3  }
0x11: {  	s6 =	simm.s32 $0x4200;
	s18 =	sadd.s32 s3, s11;
	s19 =	sor.u32 $0x10, s11  }
0x12: {  	s11 =	sadd.s32 s9, s11;
	s23 =	sadd.s32 $0x4000, s5;
	[dreg:$0xa] =	wrdreg s7  }
0x13: {  	s7 =	sadd.s32 s12, s24;
	s24 =	sadd.s32 $0x180, s17;
	[dreg:$0x4] =	wrdreg s18  }
0x14: {  	s28 =	sadd.s32 $0x10000, s5;
	[dreg:$0x5] =	wrdreg s11;
	s20 =	sadd.s32 s3, s19  }
0x15: {  	s8 =	sadd.s32 s9, s19;
	[dreg:$0x9] =	wrdreg s23;
	s7 =	sshll.u32 s7, $0x4  }
0x16: {  	s18 =	sadd.s32 s0, s13;
	s19 =	sadd.s32 s12, s24;
	[dreg:$0x6] =	wrdreg s20  }
0x17: {  	s23 =	sshll.u32 s26, $0x7;
	s26 =	sshll.u32 s10, $0x7;
	[dreg:$0x7] =	wrdreg s8  }
0x18: {  	s11 =	simm.s32 $0x0;
	s7 =	sadd.s32 s0, s7;
	[dreg:$0xc] =	wrdreg s18  }
0x19: {  	s20 =	sadd.s32 s12, s10;
	s12 =	sshrl.u32 s21, $0x3;
	s21 =	sadd.s32 $0x8000, s5  }
0x1a: {  	s23 =	sadd.s32 s23, s1;
	s8 =	simm.s32 $0x3;
	s10 =	simm.s32 $0x4  }
0x1b: {  	[dreg:$0xb] =	wrdreg s7;
	s7 =	sshll.u32 s19, $0x4;
	s17 =	sadd.s32 s12, s9  }
0x1c: {  	s18 =	sadd.s32 s12, s3;
	s19 =	sadd.s32 s22, s9;
	s9 =	simm.s32 $0x2  }
0x1d: {  	s15 =	sadd.s32 s0, s7;
	s7 =	sshll.u32 s20, $0x4;
	s20 =	sadd.s32 s22, s3  }
0x1e: {  	s22 =	sadd.s32 s25, s1;
	s25 =	sshll.u32 s24, $0x7;
	s3 =	simm.s32 $0x180  }
0x1f: {  	s16 =	sadd.s32 s0, s7;
	s24 =	sadd.s32 s25, s1;
	s25 =	sadd.s32 s26, s1  }
0x20: {  	v0 =	vimm.f32 $0.0e+00;
	s26 =	sadd.s32 $0xC000, s5;
	s0 =	simm.s32 $0x80;
	s7 =	simm.s32 $0x1  }
.LBB2_1:
0x21: {  	s12 =	simm.s32 $0x0;
	s13 =	simm.s32 $0x200  }
.LBB2_2:
0x22: {  	p0 =	sne.s32 s13, $0xFE00;
	[tilespmem:s12+$0x270] =	vst v0  }
0x23: {  	[tilespmem:s12+$0x200] =	vst v0  }
0x24: {  	[tilespmem:s12+$0x210] =	vst v0  }
.Ltmp0:
0x25: {  	[tilespmem:s12+$0x220] =	vst v0;
	(pc) =	sbr.rel @p0 .LBB2_2-.Ltmp0, $4  }
0x26: {  	[tilespmem:s12+$0x230] =	vst v0  }
0x27: {  	[tilespmem:s12+$0x240] =	vst v0  }
0x28: {  	[tilespmem:s12+$0x250] =	vst v0  }
0x29: {  	[tilespmem:s12+$0x260] =	vst v0;
	s12 =	sshra.s32 s13, $0x2;
	s13 =	sadd.s32 $0x200, s13  }
0x2a: {  	[tilespmem:s12+$0x270] =	vst v0  }
0x2b: {  	[tilespmem:s12+$0x200] =	vst v0  }
0x2c: {  	[tilespmem:s12+$0x210] =	vst v0  }
0x2d: {  	[tilespmem:s12+$0x220] =	vst v0  }
0x2e: {  	[tilespmem:s12+$0x230] =	vst v0  }
0x2f: {  	[tilespmem:s12+$0x240] =	vst v0  }
0x30: {  	[tilespmem:s12+$0x250] =	vst v0  }
0x31: {  	[tilespmem:s12+$0x260] =	vst v0  }
0x32: {  	[spmem:s5] =	stream.linear.scatter [tilespmem:s29], [sflag:$0x5], $0x4000, $0x38;
	[tilespmem:$0x1C200] =	vst v63  }
0x33: {  	_ =	swait.ge [sflag:s30], $0x4000  }
0x34: {  	[sflag:s30] =	ssyncset.done $0x0  }
0x35: {  	s13 =	rddreg [dreg:$0x9];
	[sflag:s30] =	ssyncadd.s32 $0xFFFFC000  }
0x36: {  	[spmem:s13] =	stream.linear.scatter [tilespmem:s29], [sflag:$0x5], $0x4000, $0x38;
	[tilespmem:$0x1C200] =	vst v63  }
0x37: {  	_ =	swait.ge [sflag:s30], $0x4000  }
0x38: {  	[sflag:s30] =	ssyncset.done $0x0  }
0x39: {  	[sflag:s30] =	ssyncadd.s32 $0xFFFFC000  }
0x3a: {  	[spmem:s21] =	stream.linear.scatter [tilespmem:s29], [sflag:$0x5], $0x4000, $0x38;
	[tilespmem:$0x1C200] =	vst v63  }
0x3b: {  	_ =	swait.ge [sflag:s30], $0x4000  }
0x3c: {  	[sflag:s30] =	ssyncset.done $0x0  }
0x3d: {  	[sflag:s30] =	ssyncadd.s32 $0xFFFFC000  }
0x3e: {  	[spmem:s26] =	stream.linear.scatter [tilespmem:s29], [sflag:$0x5], $0x4000, $0x38;
	[tilespmem:$0x1C200] =	vst v63  }
0x3f: {  	_ =	swait.ge [sflag:s30], $0x4000  }
0x40: {  	[sflag:s30] =	ssyncset.done $0x0  }
0x41: {  	[sflag:s30] =	ssyncadd.s32 $0xFFFFC000  }
0x42: {  	[spmem:s28] =	stream.linear.scatter [tilespmem:s29], [sflag:$0x5], $0x4000, $0x38;
	[tilespmem:$0x1C200] =	vst v63  }
0x43: {  	_ =	swait.ge [sflag:s30], $0x4000  }
0x44: {  	[sflag:s30] =	ssyncset.done $0x0  }
0x45: {  	[sflag:s30] =	ssyncadd.s32 $0xFFFFC000  }
0x46: {  	[bflag:$0x0] =	sbarrier.arrive $0xFFFF  }
0x47: {  	s12 =	simm.s32 $0x0;
	s13 =	rddreg [dreg:$0x4]  }
0x48: {  	[tilespmem:s12], [sflag:$0x5] =	stream.linear.gather [hbm4b:s13+s12], $0x80, $0x38;
	[tilespmem:$0x1C200] =	vst v63  }
0x49: {  	_ =	swait.ge [sflag:s30], $0x80  }
0x4a: {  	[sflag:s30] =	ssyncset.done $0x0  }
0x4b: {  	s14 =	rddreg [dreg:$0x5];
	[sflag:s30] =	ssyncadd.s32 $0xFFFFFF80  }
0x4c: {  	[tilespmem:s31], [sflag:$0x5] =	stream.linear.gather [hbm4b:s14+s12], $0x80, $0x38;
	[tilespmem:$0x1C200] =	vst v63  }
0x4d: {  	_ =	swait.ge [sflag:s30], $0x80  }
0x4e: {  	[sflag:s30] =	ssyncset.done $0x0  }
0x4f: {  	[sflag:s30] =	ssyncadd.s32 $0xFFFFFF80  }
0x50: {  	[tilespmem:s29], [sflag:$0x1] =	stream.indirect.gather [hbm4b:s4+s0], $0x80, s12, s0, $0xb8;
	[tilespmem:$0x1C200] =	vst v63  }
0x51: {  	s14 =	rddreg [dreg:$0x6]  }
0x52: {  	[tilespmem:s0], [sflag:$0x5] =	stream.linear.gather [hbm4b:s14+s12], $0x80, $0x38;
	[tilespmem:$0x1C200] =	vst v63  }
0x53: {  	_ =	swait.ge [sflag:s30], $0x80  }
0x54: {  	[sflag:s30] =	ssyncset.done $0x0  }
0x55: {  	s14 =	rddreg [dreg:$0x7];
	[sflag:s30] =	ssyncadd.s32 $0xFFFFFF80  }
0x56: {  	[tilespmem:s3], [sflag:$0x5] =	stream.linear.gather [hbm4b:s14+s12], $0x80, $0x38;
	[tilespmem:$0x1C200] =	vst v63  }
0x57: {  	_ =	swait.ge [sflag:s30], $0x80  }
0x58: {  	[sflag:s30] =	ssyncset.done $0x0  }
0x59: {  	[sflag:s30] =	ssyncadd.s32 $0xFFFFFF80  }
0x5a: {  	[tilespmem:s6], [sflag:$0x2] =	stream.indirect.gather [hbm4b:s4+s0], $0x80, s0, s0, $0xb8;
	[tilespmem:$0x1C200] =	vst v63  }
0x5b: {  	_ =	swait.ge [sflag:s7], $0x4000  }
0x5c: {  	[sflag:s7] =	ssyncset.done $0x0  }
0x5d: {  	[sflag:s7] =	ssyncadd.s32 $0xFFFFC000  }
0x5e: {  	[spmem:s1] =	stream.indirect.scatter.add.f32 [tilespmem:s29], [sflag:$0x3], $0x80, s31, s0, $0xb8;
	[tilespmem:$0x1C200] =	vst v63  }
0x5f: {  	_ =	swait.ge [sflag:s8], $0x4000  }
0x60: {  	[sflag:s8] =	ssyncset.done $0x0  }
0x61: {  	s13 =	sadd.s32 $0x0, s20;
	[sflag:s8] =	ssyncadd.s32 $0xFFFFC000  }
0x62: {  	[tilespmem:s2], [sflag:$0x5] =	stream.linear.gather [hbm4b:s13+s2], $0x80, $0x38;
	[tilespmem:$0x1C200] =	vst v63  }
0x63: {  	_ =	swait.ge [sflag:s30], $0x80  }
0x64: {  	[sflag:s30] =	ssyncset.done $0x0  }
0x65: {  	s14 =	sadd.s32 $0x0, s19;
	[sflag:s30] =	ssyncadd.s32 $0xFFFFFF80  }
0x66: {  	[tilespmem:s31], [sflag:$0x5] =	stream.linear.gather [hbm4b:s14+s2], $0x80, $0x38;
	[tilespmem:$0x1C200] =	vst v63  }
0x67: {  	_ =	swait.ge [sflag:s30], $0x80  }
0x68: {  	[sflag:s30] =	ssyncset.done $0x0  }
0x69: {  	[sflag:s30] =	ssyncadd.s32 $0xFFFFFF80  }
0x6a: {  	[tilespmem:s29], [sflag:$0x1] =	stream.indirect.gather [hbm4b:s4+s0], $0x80, s2, s0, $0xb8;
	[tilespmem:$0x1C200] =	vst v63  }
0x6b: {  	_ =	swait.ge [sflag:s9], $0x4000  }
0x6c: {  	[sflag:s9] =	ssyncset.done $0x0  }
0x6d: {  	[sflag:s9] =	ssyncadd.s32 $0xFFFFC000  }
0x6e: {  	[spmem:s1] =	stream.indirect.scatter.add.f32 [tilespmem:s6], [sflag:$0x4], $0x80, s3, s0, $0xb8;
	[tilespmem:$0x1C200] =	vst v63  }
0x6f: {  	_ =	swait.ge [sflag:s10], $0x4000  }
0x70: {  	[sflag:s10] =	ssyncset.done $0x0  }
0x71: {  	s13 =	sadd.s32 $0x0, s18;
	[sflag:s10] =	ssyncadd.s32 $0xFFFFC000  }
0x72: {  	[tilespmem:s0], [sflag:$0x5] =	stream.linear.gather [hbm4b:s13+s2], $0x80, $0x38;
	[tilespmem:$0x1C200] =	vst v63  }
0x73: {  	_ =	swait.ge [sflag:s30], $0x80  }
0x74: {  	[sflag:s30] =	ssyncset.done $0x0  }
0x75: {  	s14 =	sadd.s32 $0x0, s17;
	[sflag:s30] =	ssyncadd.s32 $0xFFFFFF80  }
0x76: {  	[tilespmem:s3], [sflag:$0x5] =	stream.linear.gather [hbm4b:s14+s2], $0x80, $0x38;
	[tilespmem:$0x1C200] =	vst v63  }
0x77: {  	_ =	swait.ge [sflag:s30], $0x80  }
0x78: {  	[sflag:s30] =	ssyncset.done $0x0  }
0x79: {  	s12 =	simm.s32 $0x20;
	[sflag:s30] =	ssyncadd.s32 $0xFFFFFF80  }
.LBB2_4:
0x7a: {  	[tilespmem:s6], [sflag:$0x2] =	stream.indirect.gather [hbm4b:s4+s0], $0x80, s0, s0, $0xb8;
	[tilespmem:$0x1C200] =	vst v63  }
0x7b: {  	s13 =	smov.u32 s12  }
0x7c: {  	p0 =	sne.s32 s12, $0x4C0;
	s12 =	sadd.s32 $0x20, s12;
	_ =	swait.ge [sflag:s7], $0x4000  }
0x7d: {  	[sflag:s7] =	ssyncset.done $0x0  }
0x7e: {  	[sflag:s7] =	ssyncadd.s32 $0xFFFFC000  }
0x7f: {  	[spmem:s1] =	stream.indirect.scatter.add.f32 [tilespmem:s29], [sflag:$0x3], $0x80, s31, s0, $0xb8;
	[tilespmem:$0x1C200] =	vst v63  }
0x80: {  	_ =	swait.ge [sflag:s8], $0x4000  }
0x81: {  	[sflag:s8] =	ssyncset.done $0x0  }
0x82: {  	s14 =	sadd.s32 s13, s20;
	[sflag:s8] =	ssyncadd.s32 $0xFFFFC000  }
0x83: {  	[tilespmem:s2], [sflag:$0x5] =	stream.linear.gather [hbm4b:s14+s2], $0x80, $0x38;
	[tilespmem:$0x1C200] =	vst v63  }
0x84: {  	_ =	swait.ge [sflag:s30], $0x80  }
0x85: {  	[sflag:s30] =	ssyncset.done $0x0  }
0x86: {  	s14 =	sadd.s32 s13, s19;
	[sflag:s30] =	ssyncadd.s32 $0xFFFFFF80  }
0x87: {  	[tilespmem:s31], [sflag:$0x5] =	stream.linear.gather [hbm4b:s14+s2], $0x80, $0x38;
	[tilespmem:$0x1C200] =	vst v63  }
0x88: {  	_ =	swait.ge [sflag:s30], $0x80  }
0x89: {  	[sflag:s30] =	ssyncset.done $0x0  }
0x8a: {  	[sflag:s30] =	ssyncadd.s32 $0xFFFFFF80  }
0x8b: {  	[tilespmem:s29], [sflag:$0x1] =	stream.indirect.gather [hbm4b:s4+s0], $0x80, s2, s0, $0xb8;
	[tilespmem:$0x1C200] =	vst v63  }
0x8c: {  	_ =	swait.ge [sflag:s9], $0x4000  }
0x8d: {  	[sflag:s9] =	ssyncset.done $0x0  }
0x8e: {  	[sflag:s9] =	ssyncadd.s32 $0xFFFFC000  }
0x8f: {  	[spmem:s1] =	stream.indirect.scatter.add.f32 [tilespmem:s6], [sflag:$0x4], $0x80, s3, s0, $0xb8;
	[tilespmem:$0x1C200] =	vst v63  }
0x90: {  	_ =	swait.ge [sflag:s10], $0x4000  }
0x91: {  	[sflag:s10] =	ssyncset.done $0x0  }
0x92: {  	s14 =	sadd.s32 s13, s18;
	[sflag:s10] =	ssyncadd.s32 $0xFFFFC000  }
0x93: {  	[tilespmem:s0], [sflag:$0x5] =	stream.linear.gather [hbm4b:s14+s2], $0x80, $0x38;
	[tilespmem:$0x1C200] =	vst v63  }
0x94: {  	_ =	swait.ge [sflag:s30], $0x80  }
0x95: {  	[sflag:s30] =	ssyncset.done $0x0  }
.Ltmp1:
0x96: {  	s13 =	sadd.s32 s13, s17;
	[sflag:s30] =	ssyncadd.s32 $0xFFFFFF80;
	(pc) =	sbr.rel @p0 .LBB2_4-.Ltmp1, $4  }
0x97: {  	[tilespmem:s3], [sflag:$0x5] =	stream.linear.gather [hbm4b:s13+s2], $0x80, $0x38;
	[tilespmem:$0x1C200] =	vst v63  }
0x98: {  	_ =	swait.ge [sflag:s30], $0x80  }
0x99: {  	[sflag:s30] =	ssyncset.done $0x0  }
0x9a: {  	[sflag:s30] =	ssyncadd.s32 $0xFFFFFF80  }
0x9b: {  	[tilespmem:s6], [sflag:$0x2] =	stream.indirect.gather [hbm4b:s4+s0], $0x80, s0, s0, $0xb8;
	[tilespmem:$0x1C200] =	vst v63  }
0x9c: {  	_ =	swait.ge [sflag:s7], $0x4000  }
0x9d: {  	[sflag:s7] =	ssyncset.done $0x0  }
0x9e: {  	[sflag:s7] =	ssyncadd.s32 $0xFFFFC000  }
0x9f: {  	[spmem:s1] =	stream.indirect.scatter.add.f32 [tilespmem:s29], [sflag:$0x3], $0x80, s31, s0, $0xb8;
	[tilespmem:$0x1C200] =	vst v63  }
0xa0: {  	_ =	swait.ge [sflag:s8], $0x4000  }
0xa1: {  	[sflag:s8] =	ssyncset.done $0x0  }
0xa2: {  	[sflag:s8] =	ssyncadd.s32 $0xFFFFC000  }
0xa3: {  	_ =	swait.ge [sflag:s9], $0x4000  }
0xa4: {  	[sflag:s9] =	ssyncset.done $0x0  }
0xa5: {  	[sflag:s9] =	ssyncadd.s32 $0xFFFFC000  }
0xa6: {  	[spmem:s1] =	stream.indirect.scatter.add.f32 [tilespmem:s6], [sflag:$0x4], $0x80, s3, s0, $0xb8;
	[tilespmem:$0x1C200] =	vst v63  }
0xa7: {  	_ =	swait.ge [sflag:s10], $0x4000  }
0xa8: {  	[sflag:s10] =	ssyncset.done $0x0  }
0xa9: {  	[sflag:s10] =	ssyncadd.s32 $0xFFFFC000  }
0xaa: {  	[bflag:$0x0] =	sbarrier.arrive $0xFFFF  }
0xab: {  	[tilespmem:s29], [sflag:$0x5] =	stream.linear.gather [spmem:s5], $0x4000, $0x38;
	[tilespmem:$0x1C200] =	vst v63  }
0xac: {  	_ =	swait.ge [sflag:s30], $0x4000  }
0xad: {  	[sflag:s30] =	ssyncset.done $0x0  }
0xae: {  	s12 =	rddreg [dreg:$0xa];
	[sflag:s30] =	ssyncadd.s32 $0xFFFFC000  }
0xaf: {  	[hbm4b:s12+s2] =	stream.linear.scatter [tilespmem:s29], [sflag:$0x5], $0x4000, $0x38;
	[tilespmem:$0x1C200] =	vst v63  }
0xb0: {  	_ =	swait.ge [sflag:s30], $0x4000  }
0xb1: {  	[sflag:s30] =	ssyncset.done $0x0  }
0xb2: {  	[sflag:s30] =	ssyncadd.s32 $0xFFFFC000  }
0xb3: {  	[tilespmem:s29], [sflag:$0x5] =	stream.linear.gather [spmem:s22], $0x4000, $0x38;
	[tilespmem:$0x1C200] =	vst v63  }
0xb4: {  	_ =	swait.ge [sflag:s30], $0x4000  }
0xb5: {  	[sflag:s30] =	ssyncset.done $0x0  }
0xb6: {  	s14 =	rddreg [dreg:$0xb];
	[sflag:s30] =	ssyncadd.s32 $0xFFFFC000  }
0xb7: {  	[hbm4b:s14+s2] =	stream.linear.scatter [tilespmem:s29], [sflag:$0x5], $0x4000, $0x38;
	[tilespmem:$0x1C200] =	vst v63  }
0xb8: {  	_ =	swait.ge [sflag:s30], $0x4000  }
0xb9: {  	[sflag:s30] =	ssyncset.done $0x0  }
0xba: {  	[sflag:s30] =	ssyncadd.s32 $0xFFFFC000  }
0xbb: {  	[tilespmem:s29], [sflag:$0x5] =	stream.linear.gather [spmem:s23], $0x4000, $0x38;
	[tilespmem:$0x1C200] =	vst v63  }
0xbc: {  	_ =	swait.ge [sflag:s30], $0x4000  }
0xbd: {  	[sflag:s30] =	ssyncset.done $0x0  }
0xbe: {  	s13 =	rddreg [dreg:$0xc];
	[sflag:s30] =	ssyncadd.s32 $0xFFFFC000  }
0xbf: {  	[hbm4b:s13+s2] =	stream.linear.scatter [tilespmem:s29], [sflag:$0x5], $0x4000, $0x38;
	[tilespmem:$0x1C200] =	vst v63  }
0xc0: {  	_ =	swait.ge [sflag:s30], $0x4000  }
0xc1: {  	[sflag:s30] =	ssyncset.done $0x0  }
0xc2: {  	[sflag:s30] =	ssyncadd.s32 $0xFFFFC000  }
0xc3: {  	[tilespmem:s29], [sflag:$0x5] =	stream.linear.gather [spmem:s24], $0x4000, $0x38;
	[tilespmem:$0x1C200] =	vst v63  }
0xc4: {  	_ =	swait.ge [sflag:s30], $0x4000  }
0xc5: {  	[sflag:s30] =	ssyncset.done $0x0  }
0xc6: {  	[sflag:s30] =	ssyncadd.s32 $0xFFFFC000  }
0xc7: {  	[hbm4b:s15+s2] =	stream.linear.scatter [tilespmem:s29], [sflag:$0x5], $0x4000, $0x38;
	[tilespmem:$0x1C200] =	vst v63  }
0xc8: {  	_ =	swait.ge [sflag:s30], $0x4000  }
0xc9: {  	[sflag:s30] =	ssyncset.done $0x0  }
0xca: {  	[sflag:s30] =	ssyncadd.s32 $0xFFFFC000  }
0xcb: {  	[tilespmem:s29], [sflag:$0x5] =	stream.linear.gather [spmem:s25], $0x4000, $0x38;
	[tilespmem:$0x1C200] =	vst v63  }
0xcc: {  	_ =	swait.ge [sflag:s30], $0x4000  }
0xcd: {  	[sflag:s30] =	ssyncset.done $0x0  }
0xce: {  	[sflag:s30] =	ssyncadd.s32 $0xFFFFC000  }
0xcf: {  	[hbm4b:s16+s2] =	stream.linear.scatter [tilespmem:s29], [sflag:$0x5], $0x4000, $0x38;
	[tilespmem:$0x1C200] =	vst v63  }
0xd0: {  	_ =	swait.ge [sflag:s30], $0x4000  }
0xd1: {  	s11 =	sadd.s32 $0x1, s11;
	s14 =	rddreg [dreg:$0x8]  }
0xd2: {  	p0 =	sne.s32 s11, s14  }
.Ltmp2:
0xd3: {  	_ = 	snop;
	(pc) =	sbr.rel @p0 .LBB2_1-.Ltmp2, $3  }
0xd4: {  	_ =	sdelay $0x1  }
0xd5: {  	[sflag:s30] =	ssyncset.done $0x0  }
0xd6: {  	[sflag:s30] =	ssyncadd.s32 $0xFFFFC000  }
0xd7: {  	_ =	sfence.sel $0x180000  }
0xd8: {  	[bflag:$0x0] =	sbarrier.arrive $0xFFFF  }
0xd9: {  	_ =	strace $0x90000050  }
0xda: {  	s0 =	stileid.u32;
	[bflag:$0x2] =	sbarrier.arrive $0xFFFF  }
0xdb: {  	p0 =	sne.s32 s0, $0x0;
	s0 =	rddreg [dreg:$0x3]  }
0xdc: {  	s0 =	sadd.s32 @!p0 $0x100000, s0  }
0xdd: {  	[sflag:s0] =	ssyncadd.tile.s32 @!p0 $0x1;
	_ =	shalt  }
.Lfunc_end2:
_tile_overlayer_lowered:
.L_overlay_start_2:
0xde: {  	(tag) =	ssettag $0x2  }
0xdf: {  	s0 =	rddreg [dreg:$0x0];
	s2 =	stileid.u32  }
0xe0: {  	s1 =	rddreg [dreg:$0x1];
	p0 =	sne.s32 s2, $0x0  }
0xe1: {  	s3 =	rddreg [dreg:$0x2];
	[bflag:$0x3] =	sbarrier.arrive $0xFFFF;
	s2 =	simm.s32 @!p0 $0x1C05  }
0xe2: {  	[timem:s3], [sflag:s2] =	dma.local @!p0 [hbm:s0], s1  }
0xe3: {  	s0 =	simm.s32 @!p0 $0x5  }
0xe4: {  	_ =	swait.ge @!p0 [sflag:s0], s1  }
0xe5: {  	s1 =	ssub.s32 @!p0 $0x0, s1;
	[sflag:s0] =	ssyncset.done @!p0 $0x0  }
0xe6: {  	[sflag:s0] =	ssyncadd.s32 @!p0 s1  }
0xe7: {  	[bflag:$0x3] =	sbarrier.arrive $0xFFFF  }
0xe8: {  	_ =	shalt  }

// kernel: kernel.9.cloned.1.call-start
scs
__scs_entry_jumppad:
0x0: {  	(pc) =	sbr.rel $0x88, $3  }
0x1: {  	(tag) =	ssettag $0x0;
	lr =	simm.s32 $0x1  }
0x2: {  	[smem:$0x3F96] =	sst lr;
	_ =	strace $0xD0000000  }
0x3: {  	_ = 	snop  }
0x4: {  	_ = 	snop  }
0x5: {  	_ = 	snop  }
0x6: {  	_ = 	snop  }
0x7: {  	_ = 	snop  }
__scs_overlays_trampoline_lowered:
0x8: {  	[smem:$0x3FA5] =	sst s0  }
0x9: {  	[smem:$0x3FA6] =	sst s1  }
0xa: {  	[smem:$0x3FA7] =	sst s2  }
0xb: {  	[smem:$0x3FA8] =	sst s3  }
0xc: {  	[smem:$0x3FA9] =	sst s4  }
0xd: {  	[smem:$0x3FAA] =	sst s5  }
0xe: {  	[smem:$0x3FAB] =	sst s6  }
0xf: {  	[smem:$0x3FAC] =	sst s7  }
0x10: {  	[smem:$0x3FAD] =	sst s8  }
0x11: {  	[smem:$0x3FAE] =	sst s9;
	s0 =	simm.s32 @!p0 $0x0  }
0x12: {  	s1 =	sld [smem:$0x3F94];
	s0 =	simm.s32 @p0 $0x1  }
0x13: {  	[smem:$0x3FAF] =	sst s0;
	s0 =	simm.s32 @!p1 $0x0  }
0x14: {  	s2 =	sld [smem:$0x3F93];
	s0 =	simm.s32 @p1 $0x1  }
0x15: {  	[smem:$0x3FB0] =	sst s0;
	s0 =	simm.s32 @!p2 $0x0  }
0x16: {  	s3 =	sld [smem:$0x3FDB];
	s0 =	simm.s32 @p2 $0x1  }
0x17: {  	s4 =	simm.s32 $0x1BF5;
	[smem:$0x3FB2] =	sst s0  }
0x18: {  	s0 =	sld [smem:$0x3F95];
	_ =	swait.ge [sflag:s4], $0x0  }
0x19: {  	s7 =	sld [smem:$0x3F96]  }
0x1a: {  	s8 =	sadd.s32 $0xFFFFE003, lr  }
0x1b: {  	s9 =	sadd.s32 $0xFFFFFEF7, lr;
	s5 =	simm.s32 $0xFFFFFFFF;
	p2 =	slt.u32 s8, $0xFFFFF086  }
0x1c: {  	p1 =	slt.u32 s9, $0xF7A;
	s5 =	simm.s32 @!p2 $0x0  }
0x1d: {  	s5 =	simm.s32 @p1 $0x1;
	p0 =	seq.s32 s7, s2  }
0x1e: {  	s7 =	smul.u32 @!p0 $0xF7A, s2;
	p2 =	seq.s32 @!p0 s5, $0x0  }
0x1f: {  	s9 =	smul.u32 $0xF7A, s1;
	s8 =	simm.s32 @!p0 $0x1BF5;
	p2 =	por !p2, p0  }
0x20: {  	[sflag:s8] =	ssyncset.s32 @!p0 $0xFFFFF086;
	s6 =	sadd.s32 @!p0 s3, s7;
	s7 =	simm.s32 @!p0 $0x108  }
0x21: {  	s3 =	sadd.s32 s3, s9;
	s6 =	sadd.s32 @!p0 $0x88, s6;
	s7 =	simm.s32 @p2 $0x1082  }
0x22: {  	[simem:s7], [sflag:s8] =	dma.local @!p0 [hbm:s6], $0xF7A  }
0x23: {  	s9 =	sor.u32 $0xD0000000, s2;
	s6 =	simm.s32 $0x108;
	_ =	swait.ge @!p0 [sflag:s8], $0x0  }
0x24: {  	s3 =	sadd.s32 $0x88, s3;
	s6 =	simm.s32 @!p1 $0x1082;
	[sflag:s4] =	ssyncset.s32 $0xFFFFF086  }
0x25: {  	[simem:s6], [sflag:s4] =	dma.local [hbm:s3], $0xF7A  }
0x26: {  	[smem:$0x3F96] =	sst s1;
	(tag) =	ssettag s2;
	_ =	strace s9  }
0x27: {  	s1 =	sld [smem:$0x3FA6]  }
0x28: {  	s2 =	sld [smem:$0x3FA7]  }
0x29: {  	s4 =	sld [smem:$0x3FA9]  }
0x2a: {  	p0 =	seq.s32 s5, $0x0;
	s5 =	sld [smem:$0x3FAA]  }
0x2b: {  	s6 =	sld [smem:$0x3FAB]  }
0x2c: {  	s7 =	sld [smem:$0x3FAC]  }
0x2d: {  	s3 =	simm.s32 $0x108;
	s8 =	sld [smem:$0x3FAD]  }
0x2e: {  	s3 =	simm.s32 @!p0 $0x1082;
	s9 =	sld [smem:$0x3FAE]  }
0x2f: {  	lr =	sadd.s32 s0, s3;
	s0 =	sld [smem:$0x3FA5]  }
0x30: {  	s3 =	sld [smem:$0x3FA8]  }
0x31: {  	[smem:$0x3FB1] =	sst s10  }
0x32: {  	s10 =	sld [smem:$0x3FAF];
	_ =	sdelay $0x3  }
0x33: {  	p0 =	seq.s32 s10, $0x1;
	s10 =	sld [smem:$0x3FB1];
	_ =	sdelay $0x3  }
0x34: {  	[smem:$0x3FB1] =	sst s10  }
0x35: {  	s10 =	sld [smem:$0x3FB0];
	_ =	sdelay $0x3  }
0x36: {  	p1 =	seq.s32 s10, $0x1;
	s10 =	sld [smem:$0x3FB1];
	_ =	sdelay $0x3  }
0x37: {  	[smem:$0x3FB1] =	sst s10  }
0x38: {  	s10 =	sld [smem:$0x3FB2]  }
0x39: {  	_ = 	snop;
	(pc) =	sbr.ind lr, $3  }
0x3a: {  	_ = 	snop  }
0x3b: {  	_ = 	snop  }
0x3c: {  	p2 =	seq.s32 s10, $0x1;
	s10 =	sld [smem:$0x3FB1]  }
0x3d: {  	_ =	shalt  }
0x3e: {  	_ =	shalt  }
0x3f: {  	_ =	shalt  }
0x40: {  	_ =	shalt  }
0x41: {  	_ =	shalt  }
0x42: {  	_ =	shalt  }
0x43: {  	_ =	shalt  }
0x44: {  	_ =	shalt  }
0x45: {  	_ =	shalt  }
0x46: {  	_ =	shalt  }
0x47: {  	_ =	shalt  }
0x48: {  	_ =	shalt  }
0x49: {  	_ =	shalt  }
0x4a: {  	_ =	shalt  }
0x4b: {  	_ =	shalt  }
0x4c: {  	_ =	shalt  }
0x4d: {  	_ =	shalt  }
0x4e: {  	_ =	shalt  }
0x4f: {  	_ =	shalt  }
0x50: {  	_ =	shalt  }
0x51: {  	_ =	shalt  }
0x52: {  	_ =	shalt  }
0x53: {  	_ =	shalt  }
0x54: {  	_ =	shalt  }
0x55: {  	_ =	shalt  }
0x56: {  	_ =	shalt  }
0x57: {  	_ =	shalt  }
0x58: {  	_ =	shalt  }
0x59: {  	_ =	shalt  }
0x5a: {  	_ =	shalt  }
0x5b: {  	_ =	shalt  }
0x5c: {  	_ =	shalt  }
0x5d: {  	_ =	shalt  }
0x5e: {  	_ =	shalt  }
0x5f: {  	_ =	shalt  }
0x60: {  	_ =	shalt  }
0x61: {  	_ =	shalt  }
0x62: {  	_ =	shalt  }
0x63: {  	_ =	shalt  }
0x64: {  	_ =	shalt  }
0x65: {  	_ =	shalt  }
0x66: {  	_ =	shalt  }
0x67: {  	_ =	shalt  }
0x68: {  	_ =	shalt  }
0x69: {  	_ =	shalt  }
0x6a: {  	_ =	shalt  }
0x6b: {  	_ =	shalt  }
0x6c: {  	_ =	shalt  }
0x6d: {  	_ =	shalt  }
0x6e: {  	_ =	shalt  }
0x6f: {  	_ =	shalt  }
0x70: {  	_ =	shalt  }
0x71: {  	_ =	shalt  }
0x72: {  	_ =	shalt  }
0x73: {  	_ =	shalt  }
0x74: {  	_ =	shalt  }
0x75: {  	_ =	shalt  }
0x76: {  	_ =	shalt  }
0x77: {  	_ =	shalt  }
0x78: {  	_ =	shalt  }
0x79: {  	_ =	shalt  }
0x7a: {  	_ =	shalt  }
0x7b: {  	_ =	shalt  }
0x7c: {  	_ =	shalt  }
0x7d: {  	_ =	shalt  }
0x7e: {  	_ =	shalt  }
0x7f: {  	_ =	shalt  }
0x80: {  	_ =	shalt  }
0x81: {  	_ =	shalt  }
0x82: {  	_ =	shalt  }
0x83: {  	_ =	shalt  }
0x84: {  	_ =	shalt  }
0x85: {  	_ =	shalt  }
0x86: {  	_ =	shalt  }
0x87: {  	_ =	shalt  }
.Lfunc_end0:
.L_simem_size_0:
called_computation_lowered:
.L_overlay_start_0:
0x88: {  	s2 =	sld [smem:$0x3FD9]  }
0x89: {  	s3 =	sld [smem:$0x3FFE];
	_ =	sdelay $0x1  }
0x8a: {  	s1 =	srdreg.scid  }
0x8b: {  	s0 =	sand.u32 $0x1, s1  }
0x8c: {  	s17 =	sshll.u32 s0, $0xA;
	s2 =	sadd.s32 s3, s2  }
0x8d: {  	s2 =	sadd.s32 s2, s17  }
0x8e: {  	[smem:$0x3FBD] =	sst s2  }
0x8f: {  	_ = 	snop  }
0x90: {  	(tm) =	ssettm $0x1  }
0x91: {  	s18 =	sld [smem:$0x3FFB];
	_ =	sdelay $0x3  }
0x92: {  	_ =	strace s18  }
0x93: {  	s2 =	sld [smem:$0x3FFC];
	_ =	sdelay $0x3  }
0x94: {  	_ =	strace s2  }
0x95: {  	s2 =	sld [smem:$0x3FFD];
	_ =	sdelay $0x3  }
0x96: {  	_ =	strace s2  }
0x97: {  	_ =	strace $0x8FFFFFFF  }
0x98: {  	s19 =	sld [smem:$0x3FDB];
	_ =	sdelay $0x1  }
0x99: {  	s20 =	simm.s32 $_scs_section_size  }
0x9a: {  	s4 =	simm.s32 $_size__tile_overlayer_lowered;
	s5 =	simm.s32 $_tile_overlayer_lowered  }
0x9b: {  	s6 =	simm.s32 $0x1BFF;
	s21 =	sshll.u32 s5, $0x1;
	s3 =	sadd.s32 s20, s19  }
0x9c: {  	s22 =	simm.s32 $0x0;
	s4 =	sshll.u32 s4, $0x1;
	s5 =	sadd.s32 s21, s3  }
0x9d: {  	[timem:s22], [sflag:s6] =	dma.local [hbm:s5], s4  }
0x9e: {  	_ =	swait.ge [sflag:s6], s4  }
0x9f: {  	s4 =	ssub.s32 $0x0, s4;
	[sflag:s6] =	ssyncset.done $0x0  }
0xa0: {  	[sflag:s6] =	ssyncadd.s32 s4;
	_ =	sdelay $0x1  }
0xa1: {  	s23 =	simm.s32 $0x1B8B  }
0xa2: {  	_ =	swait.ge [sflag:s23], $0x1  }
0xa3: {  	[sflag:s23] =	ssyncset.done $0x0  }
0xa4: {  	[sflag:s23] =	ssyncadd.s32 $0xFFFFFFFF  }
0xa5: {  	s4 =	sld [smem:$0x0]  }
0xa6: {  	s5 =	sand.u32 $0xFFFFFFFE, s1  }
0xa7: {  	p0 =	sne.s32 s1, s5  }
0xa8: {  	s5 =	sshll.u32 @p0 s5, $0xE  }
0xa9: {  	s5 =	sadd.s32 @p0 $0x11B8D, s5;
	s6 =	sshll.u32 @p0 s4, $0x11  }
0xaa: {  	s5 =	sor.u32 @p0 s6, s5  }
0xab: {  	[sflag:s5] =	ssyncadd.remote.s32 @p0 $0x1;
	_ =	sdelay $0x1  }
0xac: {  	s5 =	simm.s32 @p0 $0x1B8D  }
0xad: {  	_ =	swait.eq @p0 [sflag:s5], $0x1  }
0xae: {  	[sflag:s5] =	ssyncadd.s32 @p0 $0xFFFFFFFF  }
0xaf: {  	s6 =	sshll.u32 @!p0 s1, $0xE  }
0xb0: {  	s6 =	sor.u32 @!p0 $0x4000, s6;
	s5 =	simm.s32 @!p0 $0x1B8D  }
0xb1: {  	s4 =	sshll.u32 @!p0 s4, $0x11;
	s6 =	sadd.s32 @!p0 $0x11B8D, s6;
	_ =	swait.eq @!p0 [sflag:s5], $0x1  }
0xb2: {  	s4 =	sor.u32 @!p0 s4, s6;
	[sflag:s5] =	ssyncadd.s32 @!p0 $0xFFFFFFFF  }
0xb3: {  	s25 =	simm.s32 $0x1B8E;
	s24 =	sld [smem:$0x3FFE];
	[sflag:s4] =	ssyncadd.remote.s32 @!p0 $0x1  }
0xb4: {  	s26 =	simm.s32 $execute0_lowered;
	[smem:$0x3FD2] =	sst s25  }
0xb5: {  	s5 =	sshll.u32 s26, $0x1;
	_ =	strace $0x80000049;
	[dreg:$0x1] =	wrdreg $0xFFFFFFFF  }
0xb6: {  	s28 =	simm.s32 $_size_execute0_lowered;
	s3 =	sadd.s32 s3, s5;
	[dreg:$0x0] =	wrdreg $0x0  }
0xb7: {  	s5 =	sshll.u32 s28, $0x1;
	[dreg:$0x2] =	wrdreg s3  }
0xb8: {  	[dreg:$0x3] =	wrdreg s5  }
0xb9: {  	[dreg:$0x4] =	wrdreg $0xC0  }
0xba: {  	_ =	task [dreg:s22], $0x5FFFF  }
0xbb: {  	[dreg:$0x1] =	wrdreg $0xFFFFFFFF  }
0xbc: {  	[dreg:$0x0] =	wrdreg $0x60  }
0xbd: {  	[dreg:$0x2] =	wrdreg s24  }
0xbe: {  	[dreg:$0x3] =	wrdreg $0x40800  }
0xbf: {  	[dreg:$0x4] =	wrdreg $0x9  }
0xc0: {  	_ =	task.clear_ibuf [dreg:s22], $0x5FFFF;
	_ =	strace $0x90000049  }
0xc1: {  	s29 =	simm.s32 $0x9;
	_ =	strace $0x8000004B  }
0xc2: {  	_ =	swait.ge [sflag:s29], $0x1  }
0xc3: {  	[sflag:s29] =	ssyncadd.s32 $0xFFFFFFFF  }
0xc4: {  	_ =	strace $0x9000004B  }
0xc5: {  	_ =	sfence  }
0xc6: {  	s30 =	sld [smem:$0x0];
	_ =	sdelay $0x2  }
0xc7: {  	s31 =	sshll.u32 s1, $0xD;
	s1 =	sshrl.u32 s1, $0x2  }
0xc8: {  	s4 =	sand.u32 $0x4000, s31;
	s1 =	sadd.s32 s1, s30  }
0xc9: {  	s0 =	sor.u32 s4, s0;
	s1 =	sshll.u32 s1, $0x11  }
0xca: {  	s0 =	sor.u32 s1, s0  }
0xcb: {  	s0 =	sadd.s32 $0x8F2B, s0  }
0xcc: {  	[sflag:s0] =	ssyncadd.remote.s32 $0x1  }
0xcd: {  	_ =	sfence.sel $0xFFFF  }
0xce: {  	[dreg:$0x0] =	wrdreg $0xFFFFFFFF;
	(pc) =	sbr.abs _section_cstart, $3  }
0xcf: {  	[dreg:$0x1] =	wrdreg $0xFFFFFFFF  }
0xd0: {  	_ =	task.clear_ibuf [dreg:s22], $0x2FFFF;
	_ =	strace $0x9FFFFFFF  }
0xd1: {  	(tm) =	ssettm $0x7FFFFFFF  }
tec
execute0_lowered:
.L_overlay_start_1:
0x0: {  	(tag) =	ssettag $0x1  }
0x1: {  	s4 =	rddreg [dreg:$0x0];
	s2 =	srdreg.scid  }
0x2: {  	s1 =	rddreg [dreg:$0x1];
	s6 =	sand.u32 $0x1, s2  }
0x3: {  	s2 =	stileid.u32;
	s5 =	smul.u32 $0x5000, s6  }
0x4: {  	s0 =	rddreg [dreg:$0x2];
	s3 =	simm.s32 $0x0;
	s8 =	smul.u32 $0x280, s2  }
0x5: {  	[smem:$0x7FF] =	sst s3;
	s14 =	sadd.s32 $0x5D200, s4;
	s7 =	smul.u32 $0x50000, s2  }
0x6: {  	_ =	strace $0x8000004A;
	s22 =	ssub.s32 $0x2, s6;
	s16 =	smul.u32 $0x2800, s6  }
0x7: {  	s30 =	smul.u32 $0x500, s2;
	s23 =	sshrl.u32 s22, $0x1;
	s13 =	sadd.s32 s5, s4  }
0x8: {  	s7 =	sshrl.u32 s7, $0x2;
	s9 =	sadd.s32 $0x80, s8;
	s15 =	ssub.s32 s22, s23  }
0x9: {  	s11 =	sadd.s32 $0x100, s8;
	s12 =	sadd.s32 $0x180, s8;
	s17 =	sadd.s32 $0x200, s8  }
0xa: {  	s18 =	sadd.s32 s8, s16;
	s4 =	sadd.s32 s7, s1;
	s24 =	sshll.u32 s9, $0x7  }
0xb: {  	s25 =	sshll.u32 s11, $0x7;
	s10 =	sshll.u32 s12, $0x7;
	s26 =	sshll.u32 s17, $0x7  }
0xc: {  	s9 =	sadd.s32 s16, s9;
	s28 =	sshll.u32 s18, $0x4;
	s11 =	sadd.s32 s16, s11  }
0xd: {  	s12 =	sadd.s32 s16, s12;
	s16 =	sadd.s32 s16, s17;
	s31 =	sadd.s32 s30, s13  }
0xe: {  	s17 =	simm.s32 $0x1;
	s18 =	simm.s32 $0x0;
	s5 =	sadd.s32 s24, s1  }
0xf: {  	s6 =	sadd.s32 s25, s1;
	s7 =	sadd.s32 s10, s1;
	s8 =	sadd.s32 s26, s1  }
0x10: {  	s29 =	sshll.u32 s9, $0x4;
	s9 =	sadd.s32 s14, s28;
	s11 =	sshll.u32 s11, $0x4  }
0x11: {  	s12 =	sshll.u32 s12, $0x4;
	s16 =	sshll.u32 s16, $0x4;
	s10 =	sadd.s32 s14, s29  }
0x12: {  	s11 =	sadd.s32 s14, s11;
	s12 =	sadd.s32 s14, s12;
	s13 =	sadd.s32 s14, s16  }
0x13: {  	v0 =	vimm.f32 $0.0e+00;
	v1 =	vimm.f32 $1.000000000e+00;
	s14 =	smax.u32 s15, $0x1;
	s15 =	sadd.s32 $0x3200, s31;
	s16 =	simm.s32 $0x80  }
.LBB2_1:
0x14: {  	s19 =	simm.s32 $0x0;
	s20 =	simm.s32 $0x200  }
.LBB2_2:
0x15: {  	p0 =	sne.s32 s20, $0xFE00;
	[tilespmem:s19+$0xF0] =	vst v0  }
0x16: {  	[tilespmem:s19+$0x80] =	vst v0  }
0x17: {  	[tilespmem:s19+$0x90] =	vst v0  }
.Ltmp0:
0x18: {  	[tilespmem:s19+$0xA0] =	vst v0;
	(pc) =	sbr.rel @p0 .LBB2_2-.Ltmp0, $4  }
0x19: {  	[tilespmem:s19+$0xB0] =	vst v0  }
0x1a: {  	[tilespmem:s19+$0xC0] =	vst v0  }
0x1b: {  	[tilespmem:s19+$0xD0] =	vst v0  }
0x1c: {  	[tilespmem:s19+$0xE0] =	vst v0;
	s19 =	sshra.s32 s20, $0x2;
	s20 =	sadd.s32 $0x200, s20  }
0x1d: {  	[tilespmem:s19+$0xF0] =	vst v0  }
0x1e: {  	[tilespmem:s19+$0x80] =	vst v0  }
0x1f: {  	[tilespmem:s19+$0x90] =	vst v0  }
0x20: {  	[tilespmem:s19+$0xA0] =	vst v0  }
0x21: {  	[tilespmem:s19+$0xB0] =	vst v0  }
0x22: {  	[tilespmem:s19+$0xC0] =	vst v0  }
0x23: {  	[tilespmem:s19+$0xD0] =	vst v0  }
0x24: {  	[tilespmem:s19+$0xE0] =	vst v0  }
0x25: {  	[spmem:s4] =	stream.linear.scatter [tilespmem:s16], [sflag:$0x1], $0x4000, $0x38;
	[tilespmem:$0x18080] =	vst v63  }
0x26: {  	_ =	swait.ge [sflag:s17], $0x4000  }
0x27: {  	[sflag:s17] =	ssyncset.done $0x0  }
0x28: {  	[sflag:s17] =	ssyncadd.s32 $0xFFFFC000  }
0x29: {  	[spmem:s5] =	stream.linear.scatter [tilespmem:s16], [sflag:$0x1], $0x4000, $0x38;
	[tilespmem:$0x18080] =	vst v63  }
0x2a: {  	_ =	swait.ge [sflag:s17], $0x4000  }
0x2b: {  	[sflag:s17] =	ssyncset.done $0x0  }
0x2c: {  	[sflag:s17] =	ssyncadd.s32 $0xFFFFC000  }
0x2d: {  	[spmem:s6] =	stream.linear.scatter [tilespmem:s16], [sflag:$0x1], $0x4000, $0x38;
	[tilespmem:$0x18080] =	vst v63  }
0x2e: {  	_ =	swait.ge [sflag:s17], $0x4000  }
0x2f: {  	[sflag:s17] =	ssyncset.done $0x0  }
0x30: {  	[sflag:s17] =	ssyncadd.s32 $0xFFFFC000  }
0x31: {  	[spmem:s7] =	stream.linear.scatter [tilespmem:s16], [sflag:$0x1], $0x4000, $0x38;
	[tilespmem:$0x18080] =	vst v63  }
0x32: {  	_ =	swait.ge [sflag:s17], $0x4000  }
0x33: {  	[sflag:s17] =	ssyncset.done $0x0  }
0x34: {  	[sflag:s17] =	ssyncadd.s32 $0xFFFFC000  }
0x35: {  	[spmem:s8] =	stream.linear.scatter [tilespmem:s16], [sflag:$0x1], $0x4000, $0x38;
	[tilespmem:$0x18080] =	vst v63  }
0x36: {  	_ =	swait.ge [sflag:s17], $0x4000  }
0x37: {  	[sflag:s17] =	ssyncset.done $0x0  }
0x38: {  	[sflag:s17] =	ssyncadd.s32 $0xFFFFC000  }
0x39: {  	s19 =	simm.s32 $0x0;
	s20 =	simm.s32 $0x200;
	[bflag:$0x0] =	sbarrier.arrive $0xFFFF  }
.LBB2_4:
0x3a: {  	p0 =	sne.s32 s20, $0xFE00;
	[tilespmem:s19+$0xF0] =	vst v1  }
0x3b: {  	[tilespmem:s19+$0x80] =	vst v1  }
0x3c: {  	[tilespmem:s19+$0x90] =	vst v1  }
.Ltmp1:
0x3d: {  	[tilespmem:s19+$0xA0] =	vst v1;
	(pc) =	sbr.rel @p0 .LBB2_4-.Ltmp1, $4  }
0x3e: {  	[tilespmem:s19+$0xB0] =	vst v1  }
0x3f: {  	[tilespmem:s19+$0xC0] =	vst v1  }
0x40: {  	[tilespmem:s19+$0xD0] =	vst v1  }
0x41: {  	[tilespmem:s19+$0xE0] =	vst v1;
	s19 =	sshra.s32 s20, $0x2;
	s20 =	sadd.s32 $0x200, s20  }
0x42: {  	[tilespmem:s19+$0xF0] =	vst v1  }
0x43: {  	[tilespmem:s19+$0x80] =	vst v1  }
0x44: {  	[tilespmem:s19+$0x90] =	vst v1  }
0x45: {  	[tilespmem:s19+$0xA0] =	vst v1  }
0x46: {  	[tilespmem:s19+$0xB0] =	vst v1  }
0x47: {  	[tilespmem:s19+$0xC0] =	vst v1  }
0x48: {  	[tilespmem:s19+$0xD0] =	vst v1  }
0x49: {  	[tilespmem:s19+$0xE0] =	vst v1;
	s31 =	sadd.s32 $0x0, s15  }
0x4a: {  	[tilespmem:s3], [sflag:$0x1] =	stream.linear.gather [hbm4b:s31+s3], $0x80, $0x38;
	[tilespmem:$0x18080] =	vst v63  }
0x4b: {  	_ =	swait.ge [sflag:s17], $0x80  }
0x4c: {  	[sflag:s17] =	ssyncset.done $0x0  }
0x4d: {  	[sflag:s17] =	ssyncadd.s32 $0xFFFFFF80  }
0x4e: {  	[spmem:s1] =	stream.indirect.scatter.add.f32 [tilespmem:s16], [sflag:$0x1], $0x80, s3, s16, $0xb8;
	[tilespmem:$0x18080] =	vst v63  }
0x4f: {  	_ =	swait.ge [sflag:s17], $0x4000  }
0x50: {  	s19 =	simm.s32 $0x10;
	s20 =	simm.s32 $0x20;
	[sflag:s17] =	ssyncset.done $0x0  }
.LBB2_6:
0x51: {  	s21 =	sadd.s32 s19, s15  }
0x52: {  	[sflag:s17] =	ssyncadd.s32 $0xFFFFC000;
	s19 =	smov.u32 s20;
	s22 =	sadd.s32 $0x10, s20  }
0x53: {  	[tilespmem:s3], [sflag:$0x1] =	stream.linear.gather [hbm4b:s21+s3], $0x80, $0x38;
	[tilespmem:$0x18080] =	vst v63  }
0x54: {  	p0 =	sne.s32 s20, $0x4F0;
	_ =	swait.ge [sflag:s17], $0x80  }
.Ltmp2:
0x55: {  	[sflag:s17] =	ssyncset.done $0x0;
	(pc) =	sbr.rel @p0 .LBB2_6-.Ltmp2, $4  }
0x56: {  	[sflag:s17] =	ssyncadd.s32 $0xFFFFFF80  }
0x57: {  	[spmem:s1] =	stream.indirect.scatter.add.f32 [tilespmem:s16], [sflag:$0x1], $0x80, s3, s16, $0xb8;
	[tilespmem:$0x18080] =	vst v63  }
0x58: {  	_ =	swait.ge [sflag:s17], $0x4000  }
0x59: {  	s20 =	smov.u32 s22;
	[sflag:s17] =	ssyncset.done $0x0  }
0x5a: {  	s19 =	sadd.s32 s19, s15;
	[sflag:s17] =	ssyncadd.s32 $0xFFFFC000  }
0x5b: {  	[tilespmem:s3], [sflag:$0x1] =	stream.linear.gather [hbm4b:s19+s3], $0x80, $0x38;
	[tilespmem:$0x18080] =	vst v63  }
0x5c: {  	_ =	swait.ge [sflag:s17], $0x80  }
0x5d: {  	[sflag:s17] =	ssyncset.done $0x0  }
0x5e: {  	[sflag:s17] =	ssyncadd.s32 $0xFFFFFF80  }
0x5f: {  	[spmem:s1] =	stream.indirect.scatter.add.f32 [tilespmem:s16], [sflag:$0x1], $0x80, s3, s16, $0xb8;
	[tilespmem:$0x18080] =	vst v63  }
0x60: {  	_ =	swait.ge [sflag:s17], $0x4000  }
0x61: {  	[sflag:s17] =	ssyncset.done $0x0  }
0x62: {  	[sflag:s17] =	ssyncadd.s32 $0xFFFFC000  }
0x63: {  	[bflag:$0x0] =	sbarrier.arrive $0xFFFF  }
0x64: {  	[tilespmem:s16], [sflag:$0x1] =	stream.linear.gather [spmem:s4], $0x4000, $0x38;
	[tilespmem:$0x18080] =	vst v63  }
0x65: {  	_ =	swait.ge [sflag:s17], $0x4000  }
0x66: {  	[sflag:s17] =	ssyncset.done $0x0  }
0x67: {  	[sflag:s17] =	ssyncadd.s32 $0xFFFFC000  }
0x68: {  	[hbm4b:s9+s3] =	stream.linear.scatter [tilespmem:s16], [sflag:$0x1], $0x4000, $0x38;
	[tilespmem:$0x18080] =	vst v63  }
0x69: {  	_ =	swait.ge [sflag:s17], $0x4000  }
0x6a: {  	[sflag:s17] =	ssyncset.done $0x0  }
0x6b: {  	[sflag:s17] =	ssyncadd.s32 $0xFFFFC000  }
0x6c: {  	[tilespmem:s16], [sflag:$0x1] =	stream.linear.gather [spmem:s5], $0x4000, $0x38;
	[tilespmem:$0x18080] =	vst v63  }
0x6d: {  	_ =	swait.ge [sflag:s17], $0x4000  }
0x6e: {  	[sflag:s17] =	ssyncset.done $0x0  }
0x6f: {  	[sflag:s17] =	ssyncadd.s32 $0xFFFFC000  }
0x70: {  	[hbm4b:s10+s3] =	stream.linear.scatter [tilespmem:s16], [sflag:$0x1], $0x4000, $0x38;
	[tilespmem:$0x18080] =	vst v63  }
0x71: {  	_ =	swait.ge [sflag:s17], $0x4000  }
0x72: {  	[sflag:s17] =	ssyncset.done $0x0  }
0x73: {  	[sflag:s17] =	ssyncadd.s32 $0xFFFFC000  }
0x74: {  	[tilespmem:s16], [sflag:$0x1] =	stream.linear.gather [spmem:s6], $0x4000, $0x38;
	[tilespmem:$0x18080] =	vst v63  }
0x75: {  	_ =	swait.ge [sflag:s17], $0x4000  }
0x76: {  	[sflag:s17] =	ssyncset.done $0x0  }
0x77: {  	[sflag:s17] =	ssyncadd.s32 $0xFFFFC000  }
0x78: {  	[hbm4b:s11+s3] =	stream.linear.scatter [tilespmem:s16], [sflag:$0x1], $0x4000, $0x38;
	[tilespmem:$0x18080] =	vst v63  }
0x79: {  	_ =	swait.ge [sflag:s17], $0x4000  }
0x7a: {  	[sflag:s17] =	ssyncset.done $0x0  }
0x7b: {  	[sflag:s17] =	ssyncadd.s32 $0xFFFFC000  }
0x7c: {  	[tilespmem:s16], [sflag:$0x1] =	stream.linear.gather [spmem:s7], $0x4000, $0x38;
	[tilespmem:$0x18080] =	vst v63  }
0x7d: {  	_ =	swait.ge [sflag:s17], $0x4000  }
0x7e: {  	[sflag:s17] =	ssyncset.done $0x0  }
0x7f: {  	[sflag:s17] =	ssyncadd.s32 $0xFFFFC000  }
0x80: {  	[hbm4b:s12+s3] =	stream.linear.scatter [tilespmem:s16], [sflag:$0x1], $0x4000, $0x38;
	[tilespmem:$0x18080] =	vst v63  }
0x81: {  	_ =	swait.ge [sflag:s17], $0x4000  }
0x82: {  	[sflag:s17] =	ssyncset.done $0x0  }
0x83: {  	[sflag:s17] =	ssyncadd.s32 $0xFFFFC000  }
0x84: {  	[tilespmem:s16], [sflag:$0x1] =	stream.linear.gather [spmem:s8], $0x4000, $0x38;
	[tilespmem:$0x18080] =	vst v63  }
0x85: {  	s18 =	sadd.s32 $0x1, s18;
	_ =	swait.ge [sflag:s17], $0x4000  }
0x86: {  	p0 =	sne.s32 s18, s14;
	[sflag:s17] =	ssyncset.done $0x0  }
.Ltmp3:
0x87: {  	[sflag:s17] =	ssyncadd.s32 $0xFFFFC000;
	(pc) =	sbr.rel @p0 .LBB2_1-.Ltmp3, $4  }
0x88: {  	[hbm4b:s13+s3] =	stream.linear.scatter [tilespmem:s16], [sflag:$0x1], $0x4000, $0x38;
	[tilespmem:$0x18080] =	vst v63  }
0x89: {  	_ =	swait.ge [sflag:s17], $0x4000  }
0x8a: {  	[sflag:s17] =	ssyncset.done $0x0  }
0x8b: {  	[sflag:s17] =	ssyncadd.s32 $0xFFFFC000  }
0x8c: {  	_ =	sfence.sel $0x180000  }
0x8d: {  	[bflag:$0x0] =	sbarrier.arrive $0xFFFF  }
0x8e: {  	p0 =	sne.s32 s2, $0x0;
	_ =	strace $0x9000004A  }
0x8f: {  	s0 =	sadd.s32 @!p0 $0x100000, s0;
	[bflag:$0x2] =	sbarrier.arrive $0xFFFF  }
0x90: {  	[sflag:s0] =	ssyncadd.tile.s32 @!p0 $0x1;
	_ =	shalt  }
.Lfunc_end2:
_tile_overlayer_lowered:
.L_overlay_start_2:
0x91: {  	(tag) =	ssettag $0x2  }
0x92: {  	s0 =	rddreg [dreg:$0x0];
	s2 =	stileid.u32  }
0x93: {  	s1 =	rddreg [dreg:$0x1];
	p0 =	sne.s32 s2, $0x0  }
0x94: {  	s3 =	rddreg [dreg:$0x2];
	[bflag:$0x3] =	sbarrier.arrive $0xFFFF;
	s2 =	simm.s32 @!p0 $0x1C01  }
0x95: {  	[timem:s3], [sflag:s2] =	dma.local @!p0 [hbm:s0], s1  }
0x96: {  	s0 =	simm.s32 @!p0 $0x1  }
0x97: {  	_ =	swait.ge @!p0 [sflag:s0], s1  }
0x98: {  	s1 =	ssub.s32 @!p0 $0x0, s1;
	[sflag:s0] =	ssyncset.done @!p0 $0x0  }
0x99: {  	[sflag:s0] =	ssyncadd.s32 @!p0 s1  }
0x9a: {  	[bflag:$0x3] =	sbarrier.arrive $0xFFFF  }
0x9b: {  	_ =	shalt  }

</sc_bundles>
